<compile_context>
chip_gen: v7x
topology: tpu7x:2x2x1
jax: 0.10.2.dev20260603
libtpu: 0.0.44.dev20260713+nightly
codegen_flags: <defaults>
</compile_context>

<pallas_src>
import functools

import jax
import jax.numpy as jnp
from jax import lax
from jax.experimental import pallas as pl
from jax.experimental.pallas import tpu as pltpu
from jax.experimental.pallas import tpu_sc as plsc

_V = 100000
_E = 64
_B = 16384
_L = 50
_LP = 56
_PW = 16

_NC, _NS = 2, 16
_NW = _NC * _NS
_EPW = _B // _NW
_CE = 32
_NCH = _EPW // _CE

_VBLK = 4096
_VP = 25 * _VBLK
_DN = (((0,), (0,)), ((), ()))
_G = 128 // _PW
_OBLK0 = _VBLK // _G
_PROWS = _VP * _PW // 128

_FBLK = 1024


def _perm(v):
    gshift = _OBLK0.bit_length() - 1
    pshift = _G.bit_length() - 1
    return ((v & ~(_VBLK - 1))
            | ((v & (_OBLK0 - 1)) << pshift)
            | ((v >> gshift) & (_G - 1)))


def _proj_body(wt_ref, w_ref, bias_ref, o_ref):
    wt = wt_ref[...]
    w = w_ref[...]
    m = jnp.concatenate(
        [lax.dot_general(wt[:, r * _OBLK0:(r + 1) * _OBLK0], w, _DN,
                         preferred_element_type=jnp.float32)
         for r in range(_G)], axis=1)
    o_ref[...] = m + bias_ref[...]


_proj = pl.pallas_call(
    _proj_body,
    grid=(_VP // _VBLK,),
    in_specs=[
        pl.BlockSpec((_E, _VBLK), lambda i: (0, i)),
        pl.BlockSpec((_E, _PW), lambda i: (0, 0)),
        pl.BlockSpec((1, 128), lambda i: (0, 0)),
    ],
    out_specs=pl.BlockSpec((_OBLK0, 128), lambda i: (i, 0)),
    out_shape=jax.ShapeDtypeStruct((_PROWS, 128), jnp.float32),
)


def _make_sc(accumulate):

    def body(*refs):
        if accumulate:
            (idx_hbm, prev_hbm, p_hbm, out_hbm,
             idx_v, r0, r1, out_v, prev_v, sem0, sem1) = refs
        else:
            (idx_hbm, p_hbm, out_hbm,
             idx_v, r0, r1, out_v, sem0, sem1) = refs
        wid = lax.axis_index("s") * _NC + lax.axis_index("c")
        ebase0 = wid * _EPW
        if accumulate:
            prev_copy = pltpu.async_copy(
                prev_hbm.at[pl.ds(ebase0, _EPW)], prev_v, sem1)
        pltpu.sync_copy(idx_hbm.at[pl.ds(0, _L), pl.ds(ebase0, _EPW)], idx_v)
        if accumulate:
            prev_copy.wait()

        def fire(c, rows, sem):
            e0 = c * _CE

            def lbody(l, carry):
                pltpu.async_copy(p_hbm.at[idx_v.at[l, pl.ds(e0, _CE)]],
                                 rows.at[pl.ds(l * _CE, _CE)], sem)
                return carry

            lax.fori_loop(0, _L, lbody, 0)

        def drain(rows, sem):
            pltpu.make_async_copy(
                p_hbm.at[pl.ds(0, _CE * _L)], rows, sem).wait()

        def reduce(c, rows):
            ebase = c * _CE

            def ebody(e, carry):
                a = [rows[e + l * _CE, :] for l in range(4)]
                for l in range(4, _L):
                    a[l % 4] = a[l % 4] + rows[e + l * _CE, :]
                acc = (a[0] + a[1]) + (a[2] + a[3])
                if accumulate:
                    acc = acc + prev_v[ebase + e, :]
                out_v[ebase + e, :] = acc
                return carry

            lax.fori_loop(0, _CE, ebody, 0)

        fire(0, r0, sem0)

        def chunk_pair(c2, carry):
            c = c2 * 2
            fire(c + 1, r1, sem1)
            drain(r0, sem0)
            reduce(c, r0)

            @pl.when(c2 < _NCH // 2 - 1)
            def _():
                fire(c + 2, r0, sem0)

            drain(r1, sem1)
            reduce(c + 1, r1)
            return carry

        lax.fori_loop(0, _NCH // 2, chunk_pair, 0)
        pltpu.sync_copy(out_v, out_hbm.at[pl.ds(ebase0, _EPW)])

    scratch = [
        pltpu.VMEM((_L, _EPW), jnp.int32),
        pltpu.VMEM((_CE * _L, _PW), jnp.float32),
        pltpu.VMEM((_CE * _L, _PW), jnp.float32),
        pltpu.VMEM((_EPW, _PW), jnp.float32),
    ]
    if accumulate:
        scratch.append(pltpu.VMEM((_EPW, _PW), jnp.float32))
    scratch += [pltpu.SemaphoreType.DMA, pltpu.SemaphoreType.DMA]
    return functools.partial(
        pl.kernel,
        mesh=plsc.VectorSubcoreMesh(core_axis_name="c", subcore_axis_name="s"),
        out_type=jax.ShapeDtypeStruct((_B, _PW), jnp.float32),
        scratch_types=scratch,
        compiler_params=pltpu.CompilerParams(use_tc_tiling_on_sc=False),
    )(body)


_sc1 = _make_sc(False)
_sc2 = _make_sc(True)


@jax.jit
def kernel(premise_indices, hypothesis_indices, W_prem, W_hypo, W_lin, b_lin):
    bpad = jnp.tile(
        jnp.zeros((1, _PW), jnp.float32).at[0, :3].set(b_lin / (2 * _L)),
        (1, 128 // _PW))

    pidx_f = _perm(premise_indices.astype(jnp.int32)).T
    hidx_f = _perm(hypothesis_indices.astype(jnp.int32)).T

    w1s = jnp.zeros((_E, _PW), jnp.float32).at[:, :3].set(W_lin[:, :_E].T / _L)
    p1 = _proj(W_prem.T, w1s, bpad).reshape(_VP, _PW)
    out1 = _sc1(pidx_f, p1)

    w2s = jnp.zeros((_E, _PW), jnp.float32).at[:, :3].set(W_lin[:, _E:].T / _L)
    p2 = _proj(W_hypo.T, w2s, bpad).reshape(_VP, _PW)
    out2 = _sc2(hidx_f, out1, p2)

    return out2[:, :3]

# --- scband reference (transcript-rebuilt; emitter-appended) ---
"""Pipeline reference for scband-baseline-embeddings-18442589569088 (READ-ONLY COPY).

The authoritative reference and input builder live on the scoring server;
editing this copy changes nothing except your own understanding.
"""

import jax, jax.numpy as jnp
import numpy as np

VOCAB = 100000
EMB = 64
B = 16384
L = 50

def setup_inputs(seed: int = 0) -> dict:
    key = jax.random.key(seed)
    k1, k2, k3, k4, k5, k6 = jax.random.split(key, 6)
    premise_indices = jax.random.randint(k1, (B, L), 0, VOCAB, dtype=jnp.int64) if jax.config.jax_enable_x64 else jax.random.randint(k1, (B, L), 0, VOCAB).astype(jnp.int32)
    hypothesis_indices = jax.random.randint(k2, (B, L), 0, VOCAB).astype(premise_indices.dtype)
    W_prem = jax.random.normal(k3, (VOCAB, EMB), dtype=jnp.float32)
    W_hypo = jax.random.normal(k4, (VOCAB, EMB), dtype=jnp.float32)
    lim = 1.0 / np.sqrt(2 * EMB)
    W_lin = jax.random.uniform(k5, (3, 2 * EMB), minval=-lim, maxval=lim, dtype=jnp.float32)
    b_lin = jax.random.uniform(k6, (3,), minval=-lim, maxval=lim, dtype=jnp.float32)
    return {"premise_indices": premise_indices, "hypothesis_indices": hypothesis_indices,
            "W_prem": W_prem, "W_hypo": W_hypo, "W_lin": W_lin, "b_lin": b_lin}

def reference(premise_indices, hypothesis_indices, W_prem, W_hypo, W_lin, b_lin):
    enc_premise = jnp.take(W_prem, premise_indices, axis=0)      # [B, L, EMB]
    enc_hypothesis = jnp.take(W_hypo, hypothesis_indices, axis=0)  # [B, L, EMB]
    enc_premise = jnp.mean(enc_premise, axis=1)                  # [B, EMB]
    enc_hypothesis = jnp.mean(enc_hypothesis, axis=1)            # [B, EMB]
    concatenated = jnp.concatenate([enc_premise, enc_hypothesis], axis=1)  # [B, 2*EMB]
    probs = concatenated @ W_lin.T + b_lin                       # [B, 3]
    return probs

if __name__ == "__main__":
    import jax
    _d = setup_inputs()
    print(jax.jit(kernel)(*tuple(_d.values())))

</pallas_src>

<mosaic_0001>
#map = affine_map<(d0, d1) -> (0, 0)>
module attributes {stable_mosaic.version = 14 : i64} {
  func.func @body(%arg0: i32, %arg1: i32, %arg2: memref<50x16384xi32, #tpu.memory_space<hbm>>, %arg3: memref<16384x16xf32, #tpu.memory_space<hbm>>, %arg4: memref<102400x16xf32, #tpu.memory_space<hbm>>, %arg5: memref<16384x16xf32, #tpu.memory_space<hbm>>, %arg6: memref<50x512xi32, #tpu.memory_space<vmem>>, %arg7: memref<1600x16xf32, #tpu.memory_space<vmem>>, %arg8: memref<1600x16xf32, #tpu.memory_space<vmem>>, %arg9: memref<512x16xf32, #tpu.memory_space<vmem>>, %arg10: memref<512x16xf32, #tpu.memory_space<vmem>>, %arg11: memref<!tpu.dma_semaphore, #tpu.memory_space<semaphore_mem>>, %arg12: memref<!tpu.dma_semaphore, #tpu.memory_space<semaphore_mem>>) attributes {dimension_semantics = [#tpu.dimension_semantics<core_parallel>, #tpu.dimension_semantics<subcore_parallel>], iteration_bounds = array<i64: 2, 16>, scalar_prefetch = 0 : i64, scratch_operands = 7 : i64, tpu.core_type = #tpu.core_type<sc_vector_subcore>, window_params = [{transform_indices = #map}, {transform_indices = #map}, {transform_indices = #map}, {transform_indices = #map}]} {
    %mul3A = arith.constant 2 : i32
    %mul3A_0 = arith.muli %arg1, %mul3A : i32
    %add3A = arith.addi %mul3A_0, %arg0 : i32
    %mul3A_1 = arith.constant 512 : i32
    %mul3A_2 = arith.muli %add3A, %mul3A_1 : i32
    %dma_start3A = arith.constant 0 : i32
    %dma_start3A_3 = tpu.memref_slice %arg3[%mul3A_2, %dma_start3A] : memref<16384x16xf32, #tpu.memory_space<hbm>> -> memref<512x16xf32, #tpu.memory_space<hbm>>
    %dma_start3A_4 = arith.constant 0 : i32
    %dma_start3A_5 = tpu.memref_slice %arg3[%mul3A_2, %dma_start3A_4] : memref<16384x16xf32, #tpu.memory_space<hbm>> -> memref<512x16xf32, #tpu.memory_space<hbm>>
    tpu.enqueue_dma source(%dma_start3A_5 : memref<512x16xf32, #tpu.memory_space<hbm>>) target(%arg10 : memref<512x16xf32, #tpu.memory_space<vmem>>) target_semaphore(%arg12 : memref<!tpu.dma_semaphore, #tpu.memory_space<semaphore_mem>>)
    "tpu.region"() ({
      %run_scoped3A = tpu.sem_alloc : memref<!tpu.dma_semaphore, #tpu.memory_space<semaphore_mem>>
      %dma_start3A_20 = arith.constant 0 : i32
      %dma_start3A_21 = tpu.memref_slice %arg2[%dma_start3A_20, %mul3A_2] : memref<50x16384xi32, #tpu.memory_space<hbm>> -> memref<50x512xi32, #tpu.memory_space<hbm>>
      %dma_start3A_22 = arith.constant 0 : i32
      %dma_start3A_23 = tpu.memref_slice %arg2[%dma_start3A_22, %mul3A_2] : memref<50x16384xi32, #tpu.memory_space<hbm>> -> memref<50x512xi32, #tpu.memory_space<hbm>>
      tpu.enqueue_dma source(%dma_start3A_23 : memref<50x512xi32, #tpu.memory_space<hbm>>) target(%arg6 : memref<50x512xi32, #tpu.memory_space<vmem>>) target_semaphore(%run_scoped3A : memref<!tpu.dma_semaphore, #tpu.memory_space<semaphore_mem>>)
      %dma_wait3A_24 = arith.constant 0 : i32
      %dma_wait3A_25 = tpu.memref_slice %arg2[%dma_wait3A_24, %mul3A_2] : memref<50x16384xi32, #tpu.memory_space<hbm>> -> memref<50x512xi32, #tpu.memory_space<hbm>>
      %dma_wait3A_26 = arith.constant 0 : i32
      %dma_wait3A_27 = tpu.memref_slice %arg2[%dma_wait3A_26, %mul3A_2] : memref<50x16384xi32, #tpu.memory_space<hbm>> -> memref<50x512xi32, #tpu.memory_space<hbm>>
      tpu.wait_dma2 semaphore(%run_scoped3A : memref<!tpu.dma_semaphore, #tpu.memory_space<semaphore_mem>>) src(%dma_wait3A_27 : memref<50x512xi32, #tpu.memory_space<hbm>>) dst(%arg6 : memref<50x512xi32, #tpu.memory_space<vmem>>)
      tpu.yield
    }) : () -> ()
    %dma_wait3A = arith.constant 0 : i32
    %dma_wait3A_6 = tpu.memref_slice %arg3[%mul3A_2, %dma_wait3A] : memref<16384x16xf32, #tpu.memory_space<hbm>> -> memref<512x16xf32, #tpu.memory_space<hbm>>
    %dma_wait3A_7 = arith.constant 0 : i32
    %dma_wait3A_8 = tpu.memref_slice %arg3[%mul3A_2, %dma_wait3A_7] : memref<16384x16xf32, #tpu.memory_space<hbm>> -> memref<512x16xf32, #tpu.memory_space<hbm>>
    tpu.wait_dma2 semaphore(%arg12 : memref<!tpu.dma_semaphore, #tpu.memory_space<semaphore_mem>>) src(%dma_wait3A_8 : memref<512x16xf32, #tpu.memory_space<hbm>>) dst(%arg10 : memref<512x16xf32, #tpu.memory_space<vmem>>)
    %scan3A = arith.constant 0 : i32
    %scan3A_9 = arith.constant 0 : i32
    %scan3A_10 = arith.constant 50 : i32
    %scan3A_11 = arith.addi %scan3A_9, %scan3A_10 : i32
    %scan3A_12 = arith.constant 1 : i32
    scf.for %scan3A_20 = %scan3A_9 to %scan3A_11 step %scan3A_12  : i32 {
      %mul3A_21 = arith.constant 32 : i32
      %mul3A_22 = arith.muli %scan3A_20, %mul3A_21 : i32
      %dma_start3A_23 = arith.constant 0 : i32
      %dma_start3A_24 = tpu.memref_slice %arg7[%mul3A_22, %dma_start3A_23] : memref<1600x16xf32, #tpu.memory_space<vmem>> -> memref<32x16xf32, #tpu.memory_space<vmem>>
      %dma_start3A_25 = arith.constant 0 : i32
      %dma_start3A_26 = tpu.memref_slice %arg6[%scan3A_20, %dma_start3A_25] : memref<50x512xi32, #tpu.memory_space<vmem>> -> memref<1x32xi32, #tpu.memory_space<vmem>>
      %dma_start3A_27 = tpu.memref_squeeze %dma_start3A_26 : memref<1x32xi32, #tpu.memory_space<vmem>> -> memref<32xi32, #tpu.memory_space<vmem>>
      %dma_start3A_28 = arith.constant 0 : i32
      %dma_start3A_29 = arith.constant 0 : i32
      %dma_start3A_30 = tpu.memref_slice %arg4[%dma_start3A_28, %dma_start3A_29] : memref<102400x16xf32, #tpu.memory_space<hbm>> -> memref<102400x16xf32, #tpu.memory_space<hbm>>
      tpu.enqueue_indirect_dma source(%dma_start3A_30 : memref<102400x16xf32, #tpu.memory_space<hbm>>) target(%dma_start3A_24 : memref<32x16xf32, #tpu.memory_space<vmem>>) offsets(%dma_start3A_27 : memref<32xi32, #tpu.memory_space<vmem>>) semaphore(%arg11 : memref<!tpu.dma_semaphore, #tpu.memory_space<semaphore_mem>>)
    }
    %scan3A_13 = arith.constant 50 : i32
    %scan3A_14 = arith.constant 0 : i32
    %scan3A_15 = arith.constant 0 : i32
    %scan3A_16 = arith.constant 8 : i32
    %scan3A_17 = arith.addi %scan3A_15, %scan3A_16 : i32
    %scan3A_18 = arith.constant 1 : i32
    scf.for %scan3A_20 = %scan3A_15 to %scan3A_17 step %scan3A_18  : i32 {
      %mul3A_21 = arith.constant 2 : i32
      %mul3A_22 = arith.muli %scan3A_20, %mul3A_21 : i32
      %add3A_23 = arith.constant 1 : i32
      %add3A_24 = arith.addi %mul3A_22, %add3A_23 : i32
      %mul3A_25 = arith.constant 32 : i32
      %mul3A_26 = arith.muli %add3A_24, %mul3A_25 : i32
      %scan3A_27 = arith.constant 0 : i32
      %scan3A_28 = arith.constant 0 : i32
      %scan3A_29 = arith.constant 50 : i32
      %scan3A_30 = arith.addi %scan3A_28, %scan3A_29 : i32
      %scan3A_31 = arith.constant 1 : i32
      scf.for %scan3A_65 = %scan3A_28 to %scan3A_30 step %scan3A_31  : i32 {
        %mul3A_66 = arith.constant 32 : i32
        %mul3A_67 = arith.muli %scan3A_65, %mul3A_66 : i32
        %dma_start3A_68 = arith.constant 0 : i32
        %dma_start3A_69 = tpu.memref_slice %arg8[%mul3A_67, %dma_start3A_68] : memref<1600x16xf32, #tpu.memory_space<vmem>> -> memref<32x16xf32, #tpu.memory_space<vmem>>
        %dma_start3A_70 = tpu.memref_slice %arg6[%scan3A_65, %mul3A_26] : memref<50x512xi32, #tpu.memory_space<vmem>> -> memref<1x32xi32, #tpu.memory_space<vmem>>
        %dma_start3A_71 = tpu.memref_squeeze %dma_start3A_70 : memref<1x32xi32, #tpu.memory_space<vmem>> -> memref<32xi32, #tpu.memory_space<vmem>>
        %dma_start3A_72 = arith.constant 0 : i32
        %dma_start3A_73 = arith.constant 0 : i32
        %dma_start3A_74 = tpu.memref_slice %arg4[%dma_start3A_72, %dma_start3A_73] : memref<102400x16xf32, #tpu.memory_space<hbm>> -> memref<102400x16xf32, #tpu.memory_space<hbm>>
        tpu.enqueue_indirect_dma source(%dma_start3A_74 : memref<102400x16xf32, #tpu.memory_space<hbm>>) target(%dma_start3A_69 : memref<32x16xf32, #tpu.memory_space<vmem>>) offsets(%dma_start3A_71 : memref<32xi32, #tpu.memory_space<vmem>>) semaphore(%arg12 : memref<!tpu.dma_semaphore, #tpu.memory_space<semaphore_mem>>)
      }
      %scan3A_32 = arith.constant 50 : i32
      %dma_wait3A_33 = arith.constant 0 : i32
      %dma_wait3A_34 = arith.constant 0 : i32
      %dma_wait3A_35 = tpu.memref_slice %arg4[%dma_wait3A_33, %dma_wait3A_34] : memref<102400x16xf32, #tpu.memory_space<hbm>> -> memref<1600x16xf32, #tpu.memory_space<hbm>>
      %dma_wait3A_36 = arith.constant 0 : i32
      %dma_wait3A_37 = arith.constant 0 : i32
      %dma_wait3A_38 = tpu.memref_slice %arg4[%dma_wait3A_36, %dma_wait3A_37] : memref<102400x16xf32, #tpu.memory_space<hbm>> -> memref<1600x16xf32, #tpu.memory_space<hbm>>
      tpu.wait_dma2 semaphore(%arg11 : memref<!tpu.dma_semaphore, #tpu.memory_space<semaphore_mem>>) src(%dma_wait3A_38 : memref<1600x16xf32, #tpu.memory_space<hbm>>) dst(%arg7 : memref<1600x16xf32, #tpu.memory_space<vmem>>)
      %mul3A_39 = arith.constant 32 : i32
      %mul3A_40 = arith.muli %mul3A_22, %mul3A_39 : i32
      %scan3A_41 = arith.constant 0 : i32
      %scan3A_42 = arith.constant 0 : i32
      %scan3A_43 = arith.constant 32 : i32
      %scan3A_44 = arith.addi %scan3A_42, %scan3A_43 : i32
      %scan3A_45 = arith.constant 1 : i32
      scf.for %scan3A_65 = %scan3A_42 to %scan3A_44 step %scan3A_45  : i32 {
        %add3A_66 = arith.constant 0 : i32
        %add3A_67 = arith.addi %scan3A_65, %add3A_66 : i32
        %get3A = arith.index_cast %add3A_67 : i32 to index
        %get3A_68 = arith.constant 0 : index
        %get3A_69 = tpu.vector_load %arg7[%get3A, %get3A_68] {strides = array<i32>} : memref<1600x16xf32, #tpu.memory_space<vmem>>, vector<1x16xf32>,
        %get3A_70 = vector.shape_cast %get3A_69 : vector<1x16xf32> to vector<16xf32>
        %add3A_71 = arith.constant 32 : i32
        %add3A_72 = arith.addi %scan3A_65, %add3A_71 : i32
        %get3A_73 = arith.index_cast %add3A_72 : i32 to index
        %get3A_74 = arith.constant 0 : index
        %get3A_75 = tpu.vector_load %arg7[%get3A_73, %get3A_74] {strides = array<i32>} : memref<1600x16xf32, #tpu.memory_space<vmem>>, vector<1x16xf32>,
        %get3A_76 = vector.shape_cast %get3A_75 : vector<1x16xf32> to vector<16xf32>
        %add3A_77 = arith.constant 64 : i32
        %add3A_78 = arith.addi %scan3A_65, %add3A_77 : i32
        %get3A_79 = arith.index_cast %add3A_78 : i32 to index
        %get3A_80 = arith.constant 0 : index
        %get3A_81 = tpu.vector_load %arg7[%get3A_79, %get3A_80] {strides = array<i32>} : memref<1600x16xf32, #tpu.memory_space<vmem>>, vector<1x16xf32>,
        %get3A_82 = vector.shape_cast %get3A_81 : vector<1x16xf32> to vector<16xf32>
        %add3A_83 = arith.constant 96 : i32
        %add3A_84 = arith.addi %scan3A_65, %add3A_83 : i32
        %get3A_85 = arith.index_cast %add3A_84 : i32 to index
        %get3A_86 = arith.constant 0 : index
        %get3A_87 = tpu.vector_load %arg7[%get3A_85, %get3A_86] {strides = array<i32>} : memref<1600x16xf32, #tpu.memory_space<vmem>>, vector<1x16xf32>,
        %get3A_88 = vector.shape_cast %get3A_87 : vector<1x16xf32> to vector<16xf32>
        %add3A_89 = arith.constant 128 : i32
        %add3A_90 = arith.addi %scan3A_65, %add3A_89 : i32
        %get3A_91 = arith.index_cast %add3A_90 : i32 to index
        %get3A_92 = arith.constant 0 : index
        %get3A_93 = tpu.vector_load %arg7[%get3A_91, %get3A_92] {strides = array<i32>} : memref<1600x16xf32, #tpu.memory_space<vmem>>, vector<1x16xf32>,
        %get3A_94 = vector.shape_cast %get3A_93 : vector<1x16xf32> to vector<16xf32>
        %add3A_95 = arith.addf %get3A_70, %get3A_94 : vector<16xf32>
        %add3A_96 = arith.constant 160 : i32
        %add3A_97 = arith.addi %scan3A_65, %add3A_96 : i32
        %get3A_98 = arith.index_cast %add3A_97 : i32 to index
        %get3A_99 = arith.constant 0 : index
        %get3A_100 = tpu.vector_load %arg7[%get3A_98, %get3A_99] {strides = array<i32>} : memref<1600x16xf32, #tpu.memory_space<vmem>>, vector<1x16xf32>,
        %get3A_101 = vector.shape_cast %get3A_100 : vector<1x16xf32> to vector<16xf32>
        %add3A_102 = arith.addf %get3A_76, %get3A_101 : vector<16xf32>
        %add3A_103 = arith.constant 192 : i32
        %add3A_104 = arith.addi %scan3A_65, %add3A_103 : i32
        %get3A_105 = arith.index_cast %add3A_104 : i32 to index
        %get3A_106 = arith.constant 0 : index
        %get3A_107 = tpu.vector_load %arg7[%get3A_105, %get3A_106] {strides = array<i32>} : memref<1600x16xf32, #tpu.memory_space<vmem>>, vector<1x16xf32>,
        %get3A_108 = vector.shape_cast %get3A_107 : vector<1x16xf32> to vector<16xf32>
        %add3A_109 = arith.addf %get3A_82, %get3A_108 : vector<16xf32>
        %add3A_110 = arith.constant 224 : i32
        %add3A_111 = arith.addi %scan3A_65, %add3A_110 : i32
        %get3A_112 = arith.index_cast %add3A_111 : i32 to index
        %get3A_113 = arith.constant 0 : index
        %get3A_114 = tpu.vector_load %arg7[%get3A_112, %get3A_113] {strides = array<i32>} : memref<1600x16xf32, #tpu.memory_space<vmem>>, vector<1x16xf32>,
        %get3A_115 = vector.shape_cast %get3A_114 : vector<1x16xf32> to vector<16xf32>
        %add3A_116 = arith.addf %get3A_88, %get3A_115 : vector<16xf32>
        %add3A_117 = arith.constant 256 : i32
        %add3A_118 = arith.addi %scan3A_65, %add3A_117 : i32
        %get3A_119 = arith.index_cast %add3A_118 : i32 to index
        %get3A_120 = arith.constant 0 : index
        %get3A_121 = tpu.vector_load %arg7[%get3A_119, %get3A_120] {strides = array<i32>} : memref<1600x16xf32, #tpu.memory_space<vmem>>, vector<1x16xf32>,
        %get3A_122 = vector.shape_cast %get3A_121 : vector<1x16xf32> to vector<16xf32>
        %add3A_123 = arith.addf %add3A_95, %get3A_122 : vector<16xf32>
        %add3A_124 = arith.constant 288 : i32
        %add3A_125 = arith.addi %scan3A_65, %add3A_124 : i32
        %get3A_126 = arith.index_cast %add3A_125 : i32 to index
        %get3A_127 = arith.constant 0 : index
        %get3A_128 = tpu.vector_load %arg7[%get3A_126, %get3A_127] {strides = array<i32>} : memref<1600x16xf32, #tpu.memory_space<vmem>>, vector<1x16xf32>,
        %get3A_129 = vector.shape_cast %get3A_128 : vector<1x16xf32> to vector<16xf32>
        %add3A_130 = arith.addf %add3A_102, %get3A_129 : vector<16xf32>
        %add3A_131 = arith.constant 320 : i32
        %add3A_132 = arith.addi %scan3A_65, %add3A_131 : i32
        %get3A_133 = arith.index_cast %add3A_132 : i32 to index
        %get3A_134 = arith.constant 0 : index
        %get3A_135 = tpu.vector_load %arg7[%get3A_133, %get3A_134] {strides = array<i32>} : memref<1600x16xf32, #tpu.memory_space<vmem>>, vector<1x16xf32>,
        %get3A_136 = vector.shape_cast %get3A_135 : vector<1x16xf32> to vector<16xf32>
        %add3A_137 = arith.addf %add3A_109, %get3A_136 : vector<16xf32>
        %add3A_138 = arith.constant 352 : i32
        %add3A_139 = arith.addi %scan3A_65, %add3A_138 : i32
        %get3A_140 = arith.index_cast %add3A_139 : i32 to index
        %get3A_141 = arith.constant 0 : index
        %get3A_142 = tpu.vector_load %arg7[%get3A_140, %get3A_141] {strides = array<i32>} : memref<1600x16xf32, #tpu.memory_space<vmem>>, vector<1x16xf32>,
        %get3A_143 = vector.shape_cast %get3A_142 : vector<1x16xf32> to vector<16xf32>
        %add3A_144 = arith.addf %add3A_116, %get3A_143 : vector<16xf32>
        %add3A_145 = arith.constant 384 : i32
        %add3A_146 = arith.addi %scan3A_65, %add3A_145 : i32
        %get3A_147 = arith.index_cast %add3A_146 : i32 to index
        %get3A_148 = arith.constant 0 : index
        %get3A_149 = tpu.vector_load %arg7[%get3A_147, %get3A_148] {strides = array<i32>} : memref<1600x16xf32, #tpu.memory_space<vmem>>, vector<1x16xf32>,
        %get3A_150 = vector.shape_cast %get3A_149 : vector<1x16xf32> to vector<16xf32>
        %add3A_151 = arith.addf %add3A_123, %get3A_150 : vector<16xf32>
        %add3A_152 = arith.constant 416 : i32
        %add3A_153 = arith.addi %scan3A_65, %add3A_152 : i32
        %get3A_154 = arith.index_cast %add3A_153 : i32 to index
        %get3A_155 = arith.constant 0 : index
        %get3A_156 = tpu.vector_load %arg7[%get3A_154, %get3A_155] {strides = array<i32>} : memref<1600x16xf32, #tpu.memory_space<vmem>>, vector<1x16xf32>,
        %get3A_157 = vector.shape_cast %get3A_156 : vector<1x16xf32> to vector<16xf32>
        %add3A_158 = arith.addf %add3A_130, %get3A_157 : vector<16xf32>
        %add3A_159 = arith.constant 448 : i32
        %add3A_160 = arith.addi %scan3A_65, %add3A_159 : i32
        %get3A_161 = arith.index_cast %add3A_160 : i32 to index
        %get3A_162 = arith.constant 0 : index
        %get3A_163 = tpu.vector_load %arg7[%get3A_161, %get3A_162] {strides = array<i32>} : memref<1600x16xf32, #tpu.memory_space<vmem>>, vector<1x16xf32>,
        %get3A_164 = vector.shape_cast %get3A_163 : vector<1x16xf32> to vector<16xf32>
        %add3A_165 = arith.addf %add3A_137, %get3A_164 : vector<16xf32>
        %add3A_166 = arith.constant 480 : i32
        %add3A_167 = arith.addi %scan3A_65, %add3A_166 : i32
        %get3A_168 = arith.index_cast %add3A_167 : i32 to index
        %get3A_169 = arith.constant 0 : index
        %get3A_170 = tpu.vector_load %arg7[%get3A_168, %get3A_169] {strides = array<i32>} : memref<1600x16xf32, #tpu.memory_space<vmem>>, vector<1x16xf32>,
        %get3A_171 = vector.shape_cast %get3A_170 : vector<1x16xf32> to vector<16xf32>
        %add3A_172 = arith.addf %add3A_144, %get3A_171 : vector<16xf32>
        %add3A_173 = arith.constant 512 : i32
        %add3A_174 = arith.addi %scan3A_65, %add3A_173 : i32
        %get3A_175 = arith.index_cast %add3A_174 : i32 to index
        %get3A_176 = arith.constant 0 : index
        %get3A_177 = tpu.vector_load %arg7[%get3A_175, %get3A_176] {strides = array<i32>} : memref<1600x16xf32, #tpu.memory_space<vmem>>, vector<1x16xf32>,
        %get3A_178 = vector.shape_cast %get3A_177 : vector<1x16xf32> to vector<16xf32>
        %add3A_179 = arith.addf %add3A_151, %get3A_178 : vector<16xf32>
        %add3A_180 = arith.constant 544 : i32
        %add3A_181 = arith.addi %scan3A_65, %add3A_180 : i32
        %get3A_182 = arith.index_cast %add3A_181 : i32 to index
        %get3A_183 = arith.constant 0 : index
        %get3A_184 = tpu.vector_load %arg7[%get3A_182, %get3A_183] {strides = array<i32>} : memref<1600x16xf32, #tpu.memory_space<vmem>>, vector<1x16xf32>,
        %get3A_185 = vector.shape_cast %get3A_184 : vector<1x16xf32> to vector<16xf32>
        %add3A_186 = arith.addf %add3A_158, %get3A_185 : vector<16xf32>
        %add3A_187 = arith.constant 576 : i32
        %add3A_188 = arith.addi %scan3A_65, %add3A_187 : i32
        %get3A_189 = arith.index_cast %add3A_188 : i32 to index
        %get3A_190 = arith.constant 0 : index
        %get3A_191 = tpu.vector_load %arg7[%get3A_189, %get3A_190] {strides = array<i32>} : memref<1600x16xf32, #tpu.memory_space<vmem>>, vector<1x16xf32>,
        %get3A_192 = vector.shape_cast %get3A_191 : vector<1x16xf32> to vector<16xf32>
        %add3A_193 = arith.addf %add3A_165, %get3A_192 : vector<16xf32>
        %add3A_194 = arith.constant 608 : i32
        %add3A_195 = arith.addi %scan3A_65, %add3A_194 : i32
        %get3A_196 = arith.index_cast %add3A_195 : i32 to index
        %get3A_197 = arith.constant 0 : index
        %get3A_198 = tpu.vector_load %arg7[%get3A_196, %get3A_197] {strides = array<i32>} : memref<1600x16xf32, #tpu.memory_space<vmem>>, vector<1x16xf32>,
        %get3A_199 = vector.shape_cast %get3A_198 : vector<1x16xf32> to vector<16xf32>
        %add3A_200 = arith.addf %add3A_172, %get3A_199 : vector<16xf32>
        %add3A_201 = arith.constant 640 : i32
        %add3A_202 = arith.addi %scan3A_65, %add3A_201 : i32
        %get3A_203 = arith.index_cast %add3A_202 : i32 to index
        %get3A_204 = arith.constant 0 : index
        %get3A_205 = tpu.vector_load %arg7[%get3A_203, %get3A_204] {strides = array<i32>} : memref<1600x16xf32, #tpu.memory_space<vmem>>, vector<1x16xf32>,
        %get3A_206 = vector.shape_cast %get3A_205 : vector<1x16xf32> to vector<16xf32>
        %add3A_207 = arith.addf %add3A_179, %get3A_206 : vector<16xf32>
        %add3A_208 = arith.constant 672 : i32
        %add3A_209 = arith.addi %scan3A_65, %add3A_208 : i32
        %get3A_210 = arith.index_cast %add3A_209 : i32 to index
        %get3A_211 = arith.constant 0 : index
        %get3A_212 = tpu.vector_load %arg7[%get3A_210, %get3A_211] {strides = array<i32>} : memref<1600x16xf32, #tpu.memory_space<vmem>>, vector<1x16xf32>,
        %get3A_213 = vector.shape_cast %get3A_212 : vector<1x16xf32> to vector<16xf32>
        %add3A_214 = arith.addf %add3A_186, %get3A_213 : vector<16xf32>
        %add3A_215 = arith.constant 704 : i32
        %add3A_216 = arith.addi %scan3A_65, %add3A_215 : i32
        %get3A_217 = arith.index_cast %add3A_216 : i32 to index
        %get3A_218 = arith.constant 0 : index
        %get3A_219 = tpu.vector_load %arg7[%get3A_217, %get3A_218] {strides = array<i32>} : memref<1600x16xf32, #tpu.memory_space<vmem>>, vector<1x16xf32>,
        %get3A_220 = vector.shape_cast %get3A_219 : vector<1x16xf32> to vector<16xf32>
        %add3A_221 = arith.addf %add3A_193, %get3A_220 : vector<16xf32>
        %add3A_222 = arith.constant 736 : i32
        %add3A_223 = arith.addi %scan3A_65, %add3A_222 : i32
        %get3A_224 = arith.index_cast %add3A_223 : i32 to index
        %get3A_225 = arith.constant 0 : index
        %get3A_226 = tpu.vector_load %arg7[%get3A_224, %get3A_225] {strides = array<i32>} : memref<1600x16xf32, #tpu.memory_space<vmem>>, vector<1x16xf32>,
        %get3A_227 = vector.shape_cast %get3A_226 : vector<1x16xf32> to vector<16xf32>
        %add3A_228 = arith.addf %add3A_200, %get3A_227 : vector<16xf32>
        %add3A_229 = arith.constant 768 : i32
        %add3A_230 = arith.addi %scan3A_65, %add3A_229 : i32
        %get3A_231 = arith.index_cast %add3A_230 : i32 to index
        %get3A_232 = arith.constant 0 : index
        %get3A_233 = tpu.vector_load %arg7[%get3A_231, %get3A_232] {strides = array<i32>} : memref<1600x16xf32, #tpu.memory_space<vmem>>, vector<1x16xf32>,
        %get3A_234 = vector.shape_cast %get3A_233 : vector<1x16xf32> to vector<16xf32>
        %add3A_235 = arith.addf %add3A_207, %get3A_234 : vector<16xf32>
        %add3A_236 = arith.constant 800 : i32
        %add3A_237 = arith.addi %scan3A_65, %add3A_236 : i32
        %get3A_238 = arith.index_cast %add3A_237 : i32 to index
        %get3A_239 = arith.constant 0 : index
        %get3A_240 = tpu.vector_load %arg7[%get3A_238, %get3A_239] {strides = array<i32>} : memref<1600x16xf32, #tpu.memory_space<vmem>>, vector<1x16xf32>,
        %get3A_241 = vector.shape_cast %get3A_240 : vector<1x16xf32> to vector<16xf32>
        %add3A_242 = arith.addf %add3A_214, %get3A_241 : vector<16xf32>
        %add3A_243 = arith.constant 832 : i32
        %add3A_244 = arith.addi %scan3A_65, %add3A_243 : i32
        %get3A_245 = arith.index_cast %add3A_244 : i32 to index
        %get3A_246 = arith.constant 0 : index
        %get3A_247 = tpu.vector_load %arg7[%get3A_245, %get3A_246] {strides = array<i32>} : memref<1600x16xf32, #tpu.memory_space<vmem>>, vector<1x16xf32>,
        %get3A_248 = vector.shape_cast %get3A_247 : vector<1x16xf32> to vector<16xf32>
        %add3A_249 = arith.addf %add3A_221, %get3A_248 : vector<16xf32>
        %add3A_250 = arith.constant 864 : i32
        %add3A_251 = arith.addi %scan3A_65, %add3A_250 : i32
        %get3A_252 = arith.index_cast %add3A_251 : i32 to index
        %get3A_253 = arith.constant 0 : index
        %get3A_254 = tpu.vector_load %arg7[%get3A_252, %get3A_253] {strides = array<i32>} : memref<1600x16xf32, #tpu.memory_space<vmem>>, vector<1x16xf32>,
        %get3A_255 = vector.shape_cast %get3A_254 : vector<1x16xf32> to vector<16xf32>
        %add3A_256 = arith.addf %add3A_228, %get3A_255 : vector<16xf32>
        %add3A_257 = arith.constant 896 : i32
        %add3A_258 = arith.addi %scan3A_65, %add3A_257 : i32
        %get3A_259 = arith.index_cast %add3A_258 : i32 to index
        %get3A_260 = arith.constant 0 : index
        %get3A_261 = tpu.vector_load %arg7[%get3A_259, %get3A_260] {strides = array<i32>} : memref<1600x16xf32, #tpu.memory_space<vmem>>, vector<1x16xf32>,
        %get3A_262 = vector.shape_cast %get3A_261 : vector<1x16xf32> to vector<16xf32>
        %add3A_263 = arith.addf %add3A_235, %get3A_262 : vector<16xf32>
        %add3A_264 = arith.constant 928 : i32
        %add3A_265 = arith.addi %scan3A_65, %add3A_264 : i32
        %get3A_266 = arith.index_cast %add3A_265 : i32 to index
        %get3A_267 = arith.constant 0 : index
        %get3A_268 = tpu.vector_load %arg7[%get3A_266, %get3A_267] {strides = array<i32>} : memref<1600x16xf32, #tpu.memory_space<vmem>>, vector<1x16xf32>,
        %get3A_269 = vector.shape_cast %get3A_268 : vector<1x16xf32> to vector<16xf32>
        %add3A_270 = arith.addf %add3A_242, %get3A_269 : vector<16xf32>
        %add3A_271 = arith.constant 960 : i32
        %add3A_272 = arith.addi %scan3A_65, %add3A_271 : i32
        %get3A_273 = arith.index_cast %add3A_272 : i32 to index
        %get3A_274 = arith.constant 0 : index
        %get3A_275 = tpu.vector_load %arg7[%get3A_273, %get3A_274] {strides = array<i32>} : memref<1600x16xf32, #tpu.memory_space<vmem>>, vector<1x16xf32>,
        %get3A_276 = vector.shape_cast %get3A_275 : vector<1x16xf32> to vector<16xf32>
        %add3A_277 = arith.addf %add3A_249, %get3A_276 : vector<16xf32>
        %add3A_278 = arith.constant 992 : i32
        %add3A_279 = arith.addi %scan3A_65, %add3A_278 : i32
        %get3A_280 = arith.index_cast %add3A_279 : i32 to index
        %get3A_281 = arith.constant 0 : index
        %get3A_282 = tpu.vector_load %arg7[%get3A_280, %get3A_281] {strides = array<i32>} : memref<1600x16xf32, #tpu.memory_space<vmem>>, vector<1x16xf32>,
        %get3A_283 = vector.shape_cast %get3A_282 : vector<1x16xf32> to vector<16xf32>
        %add3A_284 = arith.addf %add3A_256, %get3A_283 : vector<16xf32>
        %add3A_285 = arith.constant 1024 : i32
        %add3A_286 = arith.addi %scan3A_65, %add3A_285 : i32
        %get3A_287 = arith.index_cast %add3A_286 : i32 to index
        %get3A_288 = arith.constant 0 : index
        %get3A_289 = tpu.vector_load %arg7[%get3A_287, %get3A_288] {strides = array<i32>} : memref<1600x16xf32, #tpu.memory_space<vmem>>, vector<1x16xf32>,
        %get3A_290 = vector.shape_cast %get3A_289 : vector<1x16xf32> to vector<16xf32>
        %add3A_291 = arith.addf %add3A_263, %get3A_290 : vector<16xf32>
        %add3A_292 = arith.constant 1056 : i32
        %add3A_293 = arith.addi %scan3A_65, %add3A_292 : i32
        %get3A_294 = arith.index_cast %add3A_293 : i32 to index
        %get3A_295 = arith.constant 0 : index
        %get3A_296 = tpu.vector_load %arg7[%get3A_294, %get3A_295] {strides = array<i32>} : memref<1600x16xf32, #tpu.memory_space<vmem>>, vector<1x16xf32>,
        %get3A_297 = vector.shape_cast %get3A_296 : vector<1x16xf32> to vector<16xf32>
        %add3A_298 = arith.addf %add3A_270, %get3A_297 : vector<16xf32>
        %add3A_299 = arith.constant 1088 : i32
        %add3A_300 = arith.addi %scan3A_65, %add3A_299 : i32
        %get3A_301 = arith.index_cast %add3A_300 : i32 to index
        %get3A_302 = arith.constant 0 : index
        %get3A_303 = tpu.vector_load %arg7[%get3A_301, %get3A_302] {strides = array<i32>} : memref<1600x16xf32, #tpu.memory_space<vmem>>, vector<1x16xf32>,
        %get3A_304 = vector.shape_cast %get3A_303 : vector<1x16xf32> to vector<16xf32>
        %add3A_305 = arith.addf %add3A_277, %get3A_304 : vector<16xf32>
        %add3A_306 = arith.constant 1120 : i32
        %add3A_307 = arith.addi %scan3A_65, %add3A_306 : i32
        %get3A_308 = arith.index_cast %add3A_307 : i32 to index
        %get3A_309 = arith.constant 0 : index
        %get3A_310 = tpu.vector_load %arg7[%get3A_308, %get3A_309] {strides = array<i32>} : memref<1600x16xf32, #tpu.memory_space<vmem>>, vector<1x16xf32>,
        %get3A_311 = vector.shape_cast %get3A_310 : vector<1x16xf32> to vector<16xf32>
        %add3A_312 = arith.addf %add3A_284, %get3A_311 : vector<16xf32>
        %add3A_313 = arith.constant 1152 : i32
        %add3A_314 = arith.addi %scan3A_65, %add3A_313 : i32
        %get3A_315 = arith.index_cast %add3A_314 : i32 to index
        %get3A_316 = arith.constant 0 : index
        %get3A_317 = tpu.vector_load %arg7[%get3A_315, %get3A_316] {strides = array<i32>} : memref<1600x16xf32, #tpu.memory_space<vmem>>, vector<1x16xf32>,
        %get3A_318 = vector.shape_cast %get3A_317 : vector<1x16xf32> to vector<16xf32>
        %add3A_319 = arith.addf %add3A_291, %get3A_318 : vector<16xf32>
        %add3A_320 = arith.constant 1184 : i32
        %add3A_321 = arith.addi %scan3A_65, %add3A_320 : i32
        %get3A_322 = arith.index_cast %add3A_321 : i32 to index
        %get3A_323 = arith.constant 0 : index
        %get3A_324 = tpu.vector_load %arg7[%get3A_322, %get3A_323] {strides = array<i32>} : memref<1600x16xf32, #tpu.memory_space<vmem>>, vector<1x16xf32>,
        %get3A_325 = vector.shape_cast %get3A_324 : vector<1x16xf32> to vector<16xf32>
        %add3A_326 = arith.addf %add3A_298, %get3A_325 : vector<16xf32>
        %add3A_327 = arith.constant 1216 : i32
        %add3A_328 = arith.addi %scan3A_65, %add3A_327 : i32
        %get3A_329 = arith.index_cast %add3A_328 : i32 to index
        %get3A_330 = arith.constant 0 : index
        %get3A_331 = tpu.vector_load %arg7[%get3A_329, %get3A_330] {strides = array<i32>} : memref<1600x16xf32, #tpu.memory_space<vmem>>, vector<1x16xf32>,
        %get3A_332 = vector.shape_cast %get3A_331 : vector<1x16xf32> to vector<16xf32>
        %add3A_333 = arith.addf %add3A_305, %get3A_332 : vector<16xf32>
        %add3A_334 = arith.constant 1248 : i32
        %add3A_335 = arith.addi %scan3A_65, %add3A_334 : i32
        %get3A_336 = arith.index_cast %add3A_335 : i32 to index
        %get3A_337 = arith.constant 0 : index
        %get3A_338 = tpu.vector_load %arg7[%get3A_336, %get3A_337] {strides = array<i32>} : memref<1600x16xf32, #tpu.memory_space<vmem>>, vector<1x16xf32>,
        %get3A_339 = vector.shape_cast %get3A_338 : vector<1x16xf32> to vector<16xf32>
        %add3A_340 = arith.addf %add3A_312, %get3A_339 : vector<16xf32>
        %add3A_341 = arith.constant 1280 : i32
        %add3A_342 = arith.addi %scan3A_65, %add3A_341 : i32
        %get3A_343 = arith.index_cast %add3A_342 : i32 to index
        %get3A_344 = arith.constant 0 : index
        %get3A_345 = tpu.vector_load %arg7[%get3A_343, %get3A_344] {strides = array<i32>} : memref<1600x16xf32, #tpu.memory_space<vmem>>, vector<1x16xf32>,
        %get3A_346 = vector.shape_cast %get3A_345 : vector<1x16xf32> to vector<16xf32>
        %add3A_347 = arith.addf %add3A_319, %get3A_346 : vector<16xf32>
        %add3A_348 = arith.constant 1312 : i32
        %add3A_349 = arith.addi %scan3A_65, %add3A_348 : i32
        %get3A_350 = arith.index_cast %add3A_349 : i32 to index
        %get3A_351 = arith.constant 0 : index
        %get3A_352 = tpu.vector_load %arg7[%get3A_350, %get3A_351] {strides = array<i32>} : memref<1600x16xf32, #tpu.memory_space<vmem>>, vector<1x16xf32>,
        %get3A_353 = vector.shape_cast %get3A_352 : vector<1x16xf32> to vector<16xf32>
        %add3A_354 = arith.addf %add3A_326, %get3A_353 : vector<16xf32>
        %add3A_355 = arith.constant 1344 : i32
        %add3A_356 = arith.addi %scan3A_65, %add3A_355 : i32
        %get3A_357 = arith.index_cast %add3A_356 : i32 to index
        %get3A_358 = arith.constant 0 : index
        %get3A_359 = tpu.vector_load %arg7[%get3A_357, %get3A_358] {strides = array<i32>} : memref<1600x16xf32, #tpu.memory_space<vmem>>, vector<1x16xf32>,
        %get3A_360 = vector.shape_cast %get3A_359 : vector<1x16xf32> to vector<16xf32>
        %add3A_361 = arith.addf %add3A_333, %get3A_360 : vector<16xf32>
        %add3A_362 = arith.constant 1376 : i32
        %add3A_363 = arith.addi %scan3A_65, %add3A_362 : i32
        %get3A_364 = arith.index_cast %add3A_363 : i32 to index
        %get3A_365 = arith.constant 0 : index
        %get3A_366 = tpu.vector_load %arg7[%get3A_364, %get3A_365] {strides = array<i32>} : memref<1600x16xf32, #tpu.memory_space<vmem>>, vector<1x16xf32>,
        %get3A_367 = vector.shape_cast %get3A_366 : vector<1x16xf32> to vector<16xf32>
        %add3A_368 = arith.addf %add3A_340, %get3A_367 : vector<16xf32>
        %add3A_369 = arith.constant 1408 : i32
        %add3A_370 = arith.addi %scan3A_65, %add3A_369 : i32
        %get3A_371 = arith.index_cast %add3A_370 : i32 to index
        %get3A_372 = arith.constant 0 : index
        %get3A_373 = tpu.vector_load %arg7[%get3A_371, %get3A_372] {strides = array<i32>} : memref<1600x16xf32, #tpu.memory_space<vmem>>, vector<1x16xf32>,
        %get3A_374 = vector.shape_cast %get3A_373 : vector<1x16xf32> to vector<16xf32>
        %add3A_375 = arith.addf %add3A_347, %get3A_374 : vector<16xf32>
        %add3A_376 = arith.constant 1440 : i32
        %add3A_377 = arith.addi %scan3A_65, %add3A_376 : i32
        %get3A_378 = arith.index_cast %add3A_377 : i32 to index
        %get3A_379 = arith.constant 0 : index
        %get3A_380 = tpu.vector_load %arg7[%get3A_378, %get3A_379] {strides = array<i32>} : memref<1600x16xf32, #tpu.memory_space<vmem>>, vector<1x16xf32>,
        %get3A_381 = vector.shape_cast %get3A_380 : vector<1x16xf32> to vector<16xf32>
        %add3A_382 = arith.addf %add3A_354, %get3A_381 : vector<16xf32>
        %add3A_383 = arith.constant 1472 : i32
        %add3A_384 = arith.addi %scan3A_65, %add3A_383 : i32
        %get3A_385 = arith.index_cast %add3A_384 : i32 to index
        %get3A_386 = arith.constant 0 : index
        %get3A_387 = tpu.vector_load %arg7[%get3A_385, %get3A_386] {strides = array<i32>} : memref<1600x16xf32, #tpu.memory_space<vmem>>, vector<1x16xf32>,
        %get3A_388 = vector.shape_cast %get3A_387 : vector<1x16xf32> to vector<16xf32>
        %add3A_389 = arith.addf %add3A_361, %get3A_388 : vector<16xf32>
        %add3A_390 = arith.constant 1504 : i32
        %add3A_391 = arith.addi %scan3A_65, %add3A_390 : i32
        %get3A_392 = arith.index_cast %add3A_391 : i32 to index
        %get3A_393 = arith.constant 0 : index
        %get3A_394 = tpu.vector_load %arg7[%get3A_392, %get3A_393] {strides = array<i32>} : memref<1600x16xf32, #tpu.memory_space<vmem>>, vector<1x16xf32>,
        %get3A_395 = vector.shape_cast %get3A_394 : vector<1x16xf32> to vector<16xf32>
        %add3A_396 = arith.addf %add3A_368, %get3A_395 : vector<16xf32>
        %add3A_397 = arith.constant 1536 : i32
        %add3A_398 = arith.addi %scan3A_65, %add3A_397 : i32
        %get3A_399 = arith.index_cast %add3A_398 : i32 to index
        %get3A_400 = arith.constant 0 : index
        %get3A_401 = tpu.vector_load %arg7[%get3A_399, %get3A_400] {strides = array<i32>} : memref<1600x16xf32, #tpu.memory_space<vmem>>, vector<1x16xf32>,
        %get3A_402 = vector.shape_cast %get3A_401 : vector<1x16xf32> to vector<16xf32>
        %add3A_403 = arith.addf %add3A_375, %get3A_402 : vector<16xf32>
        %add3A_404 = arith.constant 1568 : i32
        %add3A_405 = arith.addi %scan3A_65, %add3A_404 : i32
        %get3A_406 = arith.index_cast %add3A_405 : i32 to index
        %get3A_407 = arith.constant 0 : index
        %get3A_408 = tpu.vector_load %arg7[%get3A_406, %get3A_407] {strides = array<i32>} : memref<1600x16xf32, #tpu.memory_space<vmem>>, vector<1x16xf32>,
        %get3A_409 = vector.shape_cast %get3A_408 : vector<1x16xf32> to vector<16xf32>
        %add3A_410 = arith.addf %add3A_382, %get3A_409 : vector<16xf32>
        %add3A_411 = arith.addf %add3A_403, %add3A_410 : vector<16xf32>
        %add3A_412 = arith.addf %add3A_389, %add3A_396 : vector<16xf32>
        %add3A_413 = arith.addf %add3A_411, %add3A_412 : vector<16xf32>
        %add3A_414 = arith.addi %mul3A_40, %scan3A_65 : i32
        %get3A_415 = arith.index_cast %add3A_414 : i32 to index
        %get3A_416 = arith.constant 0 : index
        %get3A_417 = tpu.vector_load %arg10[%get3A_415, %get3A_416] {strides = array<i32>} : memref<512x16xf32, #tpu.memory_space<vmem>>, vector<1x16xf32>,
        %get3A_418 = vector.shape_cast %get3A_417 : vector<1x16xf32> to vector<16xf32>
        %add3A_419 = arith.addf %add3A_413, %get3A_418 : vector<16xf32>
        %add3A_420 = arith.addi %mul3A_40, %scan3A_65 : i32
        %swap3A = arith.index_cast %add3A_420 : i32 to index
        %swap3A_421 = arith.constant 0 : index
        %swap3A_422 = tpu.vector_load %arg9[%swap3A, %swap3A_421] {strides = array<i32>} : memref<512x16xf32, #tpu.memory_space<vmem>>, vector<1x16xf32>,
        %swap3A_423 = vector.shape_cast %swap3A_422 : vector<1x16xf32> to vector<16xf32>
        %swap3A_424 = vector.shape_cast %add3A_419 : vector<16xf32> to vector<1x16xf32>
        tpu.vector_store %arg9[%swap3A, %swap3A_421], %swap3A_424 {strides = array<i32>} : memref<512x16xf32, #tpu.memory_space<vmem>>, vector<1x16xf32>,
      }
      %scan3A_46 = arith.constant 32 : i32
      %lt3A = arith.constant 7 : i32
      %lt3A_47 = arith.cmpi slt, %scan3A_20, %lt3A : i32
      %convert_element_type3A = arith.extui %lt3A_47 : i1 to i32
      %cond3A = arith.constant 0 : i32
      %cond3A_48 = arith.cmpi ne, %convert_element_type3A, %cond3A : i32
      scf.if %cond3A_48 {
        %add3A_65 = arith.constant 2 : i32
        %add3A_66 = arith.addi %mul3A_22, %add3A_65 : i32
        %mul3A_67 = arith.constant 32 : i32
        %mul3A_68 = arith.muli %add3A_66, %mul3A_67 : i32
        %scan3A_69 = arith.constant 0 : i32
        %scan3A_70 = arith.constant 0 : i32
        %scan3A_71 = arith.constant 50 : i32
        %scan3A_72 = arith.addi %scan3A_70, %scan3A_71 : i32
        %scan3A_73 = arith.constant 1 : i32
        scf.for %scan3A_75 = %scan3A_70 to %scan3A_72 step %scan3A_73  : i32 {
          %mul3A_76 = arith.constant 32 : i32
          %mul3A_77 = arith.muli %scan3A_75, %mul3A_76 : i32
          %dma_start3A_78 = arith.constant 0 : i32
          %dma_start3A_79 = tpu.memref_slice %arg7[%mul3A_77, %dma_start3A_78] : memref<1600x16xf32, #tpu.memory_space<vmem>> -> memref<32x16xf32, #tpu.memory_space<vmem>>
          %dma_start3A_80 = tpu.memref_slice %arg6[%scan3A_75, %mul3A_68] : memref<50x512xi32, #tpu.memory_space<vmem>> -> memref<1x32xi32, #tpu.memory_space<vmem>>
          %dma_start3A_81 = tpu.memref_squeeze %dma_start3A_80 : memref<1x32xi32, #tpu.memory_space<vmem>> -> memref<32xi32, #tpu.memory_space<vmem>>
          %dma_start3A_82 = arith.constant 0 : i32
          %dma_start3A_83 = arith.constant 0 : i32
          %dma_start3A_84 = tpu.memref_slice %arg4[%dma_start3A_82, %dma_start3A_83] : memref<102400x16xf32, #tpu.memory_space<hbm>> -> memref<102400x16xf32, #tpu.memory_space<hbm>>
          tpu.enqueue_indirect_dma source(%dma_start3A_84 : memref<102400x16xf32, #tpu.memory_space<hbm>>) target(%dma_start3A_79 : memref<32x16xf32, #tpu.memory_space<vmem>>) offsets(%dma_start3A_81 : memref<32xi32, #tpu.memory_space<vmem>>) semaphore(%arg11 : memref<!tpu.dma_semaphore, #tpu.memory_space<semaphore_mem>>)
        }
        %scan3A_74 = arith.constant 50 : i32
      } else {
      }
      %dma_wait3A_49 = arith.constant 0 : i32
      %dma_wait3A_50 = arith.constant 0 : i32
      %dma_wait3A_51 = tpu.memref_slice %arg4[%dma_wait3A_49, %dma_wait3A_50] : memref<102400x16xf32, #tpu.memory_space<hbm>> -> memref<1600x16xf32, #tpu.memory_space<hbm>>
      %dma_wait3A_52 = arith.constant 0 : i32
      %dma_wait3A_53 = arith.constant 0 : i32
      %dma_wait3A_54 = tpu.memref_slice %arg4[%dma_wait3A_52, %dma_wait3A_53] : memref<102400x16xf32, #tpu.memory_space<hbm>> -> memref<1600x16xf32, #tpu.memory_space<hbm>>
      tpu.wait_dma2 semaphore(%arg12 : memref<!tpu.dma_semaphore, #tpu.memory_space<semaphore_mem>>) src(%dma_wait3A_54 : memref<1600x16xf32, #tpu.memory_space<hbm>>) dst(%arg8 : memref<1600x16xf32, #tpu.memory_space<vmem>>)
      %add3A_55 = arith.constant 1 : i32
      %add3A_56 = arith.addi %mul3A_22, %add3A_55 : i32
      %mul3A_57 = arith.constant 32 : i32
      %mul3A_58 = arith.muli %add3A_56, %mul3A_57 : i32
      %scan3A_59 = arith.constant 0 : i32
      %scan3A_60 = arith.constant 0 : i32
      %scan3A_61 = arith.constant 32 : i32
      %scan3A_62 = arith.addi %scan3A_60, %scan3A_61 : i32
      %scan3A_63 = arith.constant 1 : i32
      scf.for %scan3A_65 = %scan3A_60 to %scan3A_62 step %scan3A_63  : i32 {
        %add3A_66 = arith.constant 0 : i32
        %add3A_67 = arith.addi %scan3A_65, %add3A_66 : i32
        %get3A = arith.index_cast %add3A_67 : i32 to index
        %get3A_68 = arith.constant 0 : index
        %get3A_69 = tpu.vector_load %arg8[%get3A, %get3A_68] {strides = array<i32>} : memref<1600x16xf32, #tpu.memory_space<vmem>>, vector<1x16xf32>,
        %get3A_70 = vector.shape_cast %get3A_69 : vector<1x16xf32> to vector<16xf32>
        %add3A_71 = arith.constant 32 : i32
        %add3A_72 = arith.addi %scan3A_65, %add3A_71 : i32
        %get3A_73 = arith.index_cast %add3A_72 : i32 to index
        %get3A_74 = arith.constant 0 : index
        %get3A_75 = tpu.vector_load %arg8[%get3A_73, %get3A_74] {strides = array<i32>} : memref<1600x16xf32, #tpu.memory_space<vmem>>, vector<1x16xf32>,
        %get3A_76 = vector.shape_cast %get3A_75 : vector<1x16xf32> to vector<16xf32>
        %add3A_77 = arith.constant 64 : i32
        %add3A_78 = arith.addi %scan3A_65, %add3A_77 : i32
        %get3A_79 = arith.index_cast %add3A_78 : i32 to index
        %get3A_80 = arith.constant 0 : index
        %get3A_81 = tpu.vector_load %arg8[%get3A_79, %get3A_80] {strides = array<i32>} : memref<1600x16xf32, #tpu.memory_space<vmem>>, vector<1x16xf32>,
        %get3A_82 = vector.shape_cast %get3A_81 : vector<1x16xf32> to vector<16xf32>
        %add3A_83 = arith.constant 96 : i32
        %add3A_84 = arith.addi %scan3A_65, %add3A_83 : i32
        %get3A_85 = arith.index_cast %add3A_84 : i32 to index
        %get3A_86 = arith.constant 0 : index
        %get3A_87 = tpu.vector_load %arg8[%get3A_85, %get3A_86] {strides = array<i32>} : memref<1600x16xf32, #tpu.memory_space<vmem>>, vector<1x16xf32>,
        %get3A_88 = vector.shape_cast %get3A_87 : vector<1x16xf32> to vector<16xf32>
        %add3A_89 = arith.constant 128 : i32
        %add3A_90 = arith.addi %scan3A_65, %add3A_89 : i32
        %get3A_91 = arith.index_cast %add3A_90 : i32 to index
        %get3A_92 = arith.constant 0 : index
        %get3A_93 = tpu.vector_load %arg8[%get3A_91, %get3A_92] {strides = array<i32>} : memref<1600x16xf32, #tpu.memory_space<vmem>>, vector<1x16xf32>,
        %get3A_94 = vector.shape_cast %get3A_93 : vector<1x16xf32> to vector<16xf32>
        %add3A_95 = arith.addf %get3A_70, %get3A_94 : vector<16xf32>
        %add3A_96 = arith.constant 160 : i32
        %add3A_97 = arith.addi %scan3A_65, %add3A_96 : i32
        %get3A_98 = arith.index_cast %add3A_97 : i32 to index
        %get3A_99 = arith.constant 0 : index
        %get3A_100 = tpu.vector_load %arg8[%get3A_98, %get3A_99] {strides = array<i32>} : memref<1600x16xf32, #tpu.memory_space<vmem>>, vector<1x16xf32>,
        %get3A_101 = vector.shape_cast %get3A_100 : vector<1x16xf32> to vector<16xf32>
        %add3A_102 = arith.addf %get3A_76, %get3A_101 : vector<16xf32>
        %add3A_103 = arith.constant 192 : i32
        %add3A_104 = arith.addi %scan3A_65, %add3A_103 : i32
        %get3A_105 = arith.index_cast %add3A_104 : i32 to index
        %get3A_106 = arith.constant 0 : index
        %get3A_107 = tpu.vector_load %arg8[%get3A_105, %get3A_106] {strides = array<i32>} : memref<1600x16xf32, #tpu.memory_space<vmem>>, vector<1x16xf32>,
        %get3A_108 = vector.shape_cast %get3A_107 : vector<1x16xf32> to vector<16xf32>
        %add3A_109 = arith.addf %get3A_82, %get3A_108 : vector<16xf32>
        %add3A_110 = arith.constant 224 : i32
        %add3A_111 = arith.addi %scan3A_65, %add3A_110 : i32
        %get3A_112 = arith.index_cast %add3A_111 : i32 to index
        %get3A_113 = arith.constant 0 : index
        %get3A_114 = tpu.vector_load %arg8[%get3A_112, %get3A_113] {strides = array<i32>} : memref<1600x16xf32, #tpu.memory_space<vmem>>, vector<1x16xf32>,
        %get3A_115 = vector.shape_cast %get3A_114 : vector<1x16xf32> to vector<16xf32>
        %add3A_116 = arith.addf %get3A_88, %get3A_115 : vector<16xf32>
        %add3A_117 = arith.constant 256 : i32
        %add3A_118 = arith.addi %scan3A_65, %add3A_117 : i32
        %get3A_119 = arith.index_cast %add3A_118 : i32 to index
        %get3A_120 = arith.constant 0 : index
        %get3A_121 = tpu.vector_load %arg8[%get3A_119, %get3A_120] {strides = array<i32>} : memref<1600x16xf32, #tpu.memory_space<vmem>>, vector<1x16xf32>,
        %get3A_122 = vector.shape_cast %get3A_121 : vector<1x16xf32> to vector<16xf32>
        %add3A_123 = arith.addf %add3A_95, %get3A_122 : vector<16xf32>
        %add3A_124 = arith.constant 288 : i32
        %add3A_125 = arith.addi %scan3A_65, %add3A_124 : i32
        %get3A_126 = arith.index_cast %add3A_125 : i32 to index
        %get3A_127 = arith.constant 0 : index
        %get3A_128 = tpu.vector_load %arg8[%get3A_126, %get3A_127] {strides = array<i32>} : memref<1600x16xf32, #tpu.memory_space<vmem>>, vector<1x16xf32>,
        %get3A_129 = vector.shape_cast %get3A_128 : vector<1x16xf32> to vector<16xf32>
        %add3A_130 = arith.addf %add3A_102, %get3A_129 : vector<16xf32>
        %add3A_131 = arith.constant 320 : i32
        %add3A_132 = arith.addi %scan3A_65, %add3A_131 : i32
        %get3A_133 = arith.index_cast %add3A_132 : i32 to index
        %get3A_134 = arith.constant 0 : index
        %get3A_135 = tpu.vector_load %arg8[%get3A_133, %get3A_134] {strides = array<i32>} : memref<1600x16xf32, #tpu.memory_space<vmem>>, vector<1x16xf32>,
        %get3A_136 = vector.shape_cast %get3A_135 : vector<1x16xf32> to vector<16xf32>
        %add3A_137 = arith.addf %add3A_109, %get3A_136 : vector<16xf32>
        %add3A_138 = arith.constant 352 : i32
        %add3A_139 = arith.addi %scan3A_65, %add3A_138 : i32
        %get3A_140 = arith.index_cast %add3A_139 : i32 to index
        %get3A_141 = arith.constant 0 : index
        %get3A_142 = tpu.vector_load %arg8[%get3A_140, %get3A_141] {strides = array<i32>} : memref<1600x16xf32, #tpu.memory_space<vmem>>, vector<1x16xf32>,
        %get3A_143 = vector.shape_cast %get3A_142 : vector<1x16xf32> to vector<16xf32>
        %add3A_144 = arith.addf %add3A_116, %get3A_143 : vector<16xf32>
        %add3A_145 = arith.constant 384 : i32
        %add3A_146 = arith.addi %scan3A_65, %add3A_145 : i32
        %get3A_147 = arith.index_cast %add3A_146 : i32 to index
        %get3A_148 = arith.constant 0 : index
        %get3A_149 = tpu.vector_load %arg8[%get3A_147, %get3A_148] {strides = array<i32>} : memref<1600x16xf32, #tpu.memory_space<vmem>>, vector<1x16xf32>,
        %get3A_150 = vector.shape_cast %get3A_149 : vector<1x16xf32> to vector<16xf32>
        %add3A_151 = arith.addf %add3A_123, %get3A_150 : vector<16xf32>
        %add3A_152 = arith.constant 416 : i32
        %add3A_153 = arith.addi %scan3A_65, %add3A_152 : i32
        %get3A_154 = arith.index_cast %add3A_153 : i32 to index
        %get3A_155 = arith.constant 0 : index
        %get3A_156 = tpu.vector_load %arg8[%get3A_154, %get3A_155] {strides = array<i32>} : memref<1600x16xf32, #tpu.memory_space<vmem>>, vector<1x16xf32>,
        %get3A_157 = vector.shape_cast %get3A_156 : vector<1x16xf32> to vector<16xf32>
        %add3A_158 = arith.addf %add3A_130, %get3A_157 : vector<16xf32>
        %add3A_159 = arith.constant 448 : i32
        %add3A_160 = arith.addi %scan3A_65, %add3A_159 : i32
        %get3A_161 = arith.index_cast %add3A_160 : i32 to index
        %get3A_162 = arith.constant 0 : index
        %get3A_163 = tpu.vector_load %arg8[%get3A_161, %get3A_162] {strides = array<i32>} : memref<1600x16xf32, #tpu.memory_space<vmem>>, vector<1x16xf32>,
        %get3A_164 = vector.shape_cast %get3A_163 : vector<1x16xf32> to vector<16xf32>
        %add3A_165 = arith.addf %add3A_137, %get3A_164 : vector<16xf32>
        %add3A_166 = arith.constant 480 : i32
        %add3A_167 = arith.addi %scan3A_65, %add3A_166 : i32
        %get3A_168 = arith.index_cast %add3A_167 : i32 to index
        %get3A_169 = arith.constant 0 : index
        %get3A_170 = tpu.vector_load %arg8[%get3A_168, %get3A_169] {strides = array<i32>} : memref<1600x16xf32, #tpu.memory_space<vmem>>, vector<1x16xf32>,
        %get3A_171 = vector.shape_cast %get3A_170 : vector<1x16xf32> to vector<16xf32>
        %add3A_172 = arith.addf %add3A_144, %get3A_171 : vector<16xf32>
        %add3A_173 = arith.constant 512 : i32
        %add3A_174 = arith.addi %scan3A_65, %add3A_173 : i32
        %get3A_175 = arith.index_cast %add3A_174 : i32 to index
        %get3A_176 = arith.constant 0 : index
        %get3A_177 = tpu.vector_load %arg8[%get3A_175, %get3A_176] {strides = array<i32>} : memref<1600x16xf32, #tpu.memory_space<vmem>>, vector<1x16xf32>,
        %get3A_178 = vector.shape_cast %get3A_177 : vector<1x16xf32> to vector<16xf32>
        %add3A_179 = arith.addf %add3A_151, %get3A_178 : vector<16xf32>
        %add3A_180 = arith.constant 544 : i32
        %add3A_181 = arith.addi %scan3A_65, %add3A_180 : i32
        %get3A_182 = arith.index_cast %add3A_181 : i32 to index
        %get3A_183 = arith.constant 0 : index
        %get3A_184 = tpu.vector_load %arg8[%get3A_182, %get3A_183] {strides = array<i32>} : memref<1600x16xf32, #tpu.memory_space<vmem>>, vector<1x16xf32>,
        %get3A_185 = vector.shape_cast %get3A_184 : vector<1x16xf32> to vector<16xf32>
        %add3A_186 = arith.addf %add3A_158, %get3A_185 : vector<16xf32>
        %add3A_187 = arith.constant 576 : i32
        %add3A_188 = arith.addi %scan3A_65, %add3A_187 : i32
        %get3A_189 = arith.index_cast %add3A_188 : i32 to index
        %get3A_190 = arith.constant 0 : index
        %get3A_191 = tpu.vector_load %arg8[%get3A_189, %get3A_190] {strides = array<i32>} : memref<1600x16xf32, #tpu.memory_space<vmem>>, vector<1x16xf32>,
        %get3A_192 = vector.shape_cast %get3A_191 : vector<1x16xf32> to vector<16xf32>
        %add3A_193 = arith.addf %add3A_165, %get3A_192 : vector<16xf32>
        %add3A_194 = arith.constant 608 : i32
        %add3A_195 = arith.addi %scan3A_65, %add3A_194 : i32
        %get3A_196 = arith.index_cast %add3A_195 : i32 to index
        %get3A_197 = arith.constant 0 : index
        %get3A_198 = tpu.vector_load %arg8[%get3A_196, %get3A_197] {strides = array<i32>} : memref<1600x16xf32, #tpu.memory_space<vmem>>, vector<1x16xf32>,
        %get3A_199 = vector.shape_cast %get3A_198 : vector<1x16xf32> to vector<16xf32>
        %add3A_200 = arith.addf %add3A_172, %get3A_199 : vector<16xf32>
        %add3A_201 = arith.constant 640 : i32
        %add3A_202 = arith.addi %scan3A_65, %add3A_201 : i32
        %get3A_203 = arith.index_cast %add3A_202 : i32 to index
        %get3A_204 = arith.constant 0 : index
        %get3A_205 = tpu.vector_load %arg8[%get3A_203, %get3A_204] {strides = array<i32>} : memref<1600x16xf32, #tpu.memory_space<vmem>>, vector<1x16xf32>,
        %get3A_206 = vector.shape_cast %get3A_205 : vector<1x16xf32> to vector<16xf32>
        %add3A_207 = arith.addf %add3A_179, %get3A_206 : vector<16xf32>
        %add3A_208 = arith.constant 672 : i32
        %add3A_209 = arith.addi %scan3A_65, %add3A_208 : i32
        %get3A_210 = arith.index_cast %add3A_209 : i32 to index
        %get3A_211 = arith.constant 0 : index
        %get3A_212 = tpu.vector_load %arg8[%get3A_210, %get3A_211] {strides = array<i32>} : memref<1600x16xf32, #tpu.memory_space<vmem>>, vector<1x16xf32>,
        %get3A_213 = vector.shape_cast %get3A_212 : vector<1x16xf32> to vector<16xf32>
        %add3A_214 = arith.addf %add3A_186, %get3A_213 : vector<16xf32>
        %add3A_215 = arith.constant 704 : i32
        %add3A_216 = arith.addi %scan3A_65, %add3A_215 : i32
        %get3A_217 = arith.index_cast %add3A_216 : i32 to index
        %get3A_218 = arith.constant 0 : index
        %get3A_219 = tpu.vector_load %arg8[%get3A_217, %get3A_218] {strides = array<i32>} : memref<1600x16xf32, #tpu.memory_space<vmem>>, vector<1x16xf32>,
        %get3A_220 = vector.shape_cast %get3A_219 : vector<1x16xf32> to vector<16xf32>
        %add3A_221 = arith.addf %add3A_193, %get3A_220 : vector<16xf32>
        %add3A_222 = arith.constant 736 : i32
        %add3A_223 = arith.addi %scan3A_65, %add3A_222 : i32
        %get3A_224 = arith.index_cast %add3A_223 : i32 to index
        %get3A_225 = arith.constant 0 : index
        %get3A_226 = tpu.vector_load %arg8[%get3A_224, %get3A_225] {strides = array<i32>} : memref<1600x16xf32, #tpu.memory_space<vmem>>, vector<1x16xf32>,
        %get3A_227 = vector.shape_cast %get3A_226 : vector<1x16xf32> to vector<16xf32>
        %add3A_228 = arith.addf %add3A_200, %get3A_227 : vector<16xf32>
        %add3A_229 = arith.constant 768 : i32
        %add3A_230 = arith.addi %scan3A_65, %add3A_229 : i32
        %get3A_231 = arith.index_cast %add3A_230 : i32 to index
        %get3A_232 = arith.constant 0 : index
        %get3A_233 = tpu.vector_load %arg8[%get3A_231, %get3A_232] {strides = array<i32>} : memref<1600x16xf32, #tpu.memory_space<vmem>>, vector<1x16xf32>,
        %get3A_234 = vector.shape_cast %get3A_233 : vector<1x16xf32> to vector<16xf32>
        %add3A_235 = arith.addf %add3A_207, %get3A_234 : vector<16xf32>
        %add3A_236 = arith.constant 800 : i32
        %add3A_237 = arith.addi %scan3A_65, %add3A_236 : i32
        %get3A_238 = arith.index_cast %add3A_237 : i32 to index
        %get3A_239 = arith.constant 0 : index
        %get3A_240 = tpu.vector_load %arg8[%get3A_238, %get3A_239] {strides = array<i32>} : memref<1600x16xf32, #tpu.memory_space<vmem>>, vector<1x16xf32>,
        %get3A_241 = vector.shape_cast %get3A_240 : vector<1x16xf32> to vector<16xf32>
        %add3A_242 = arith.addf %add3A_214, %get3A_241 : vector<16xf32>
        %add3A_243 = arith.constant 832 : i32
        %add3A_244 = arith.addi %scan3A_65, %add3A_243 : i32
        %get3A_245 = arith.index_cast %add3A_244 : i32 to index
        %get3A_246 = arith.constant 0 : index
        %get3A_247 = tpu.vector_load %arg8[%get3A_245, %get3A_246] {strides = array<i32>} : memref<1600x16xf32, #tpu.memory_space<vmem>>, vector<1x16xf32>,
        %get3A_248 = vector.shape_cast %get3A_247 : vector<1x16xf32> to vector<16xf32>
        %add3A_249 = arith.addf %add3A_221, %get3A_248 : vector<16xf32>
        %add3A_250 = arith.constant 864 : i32
        %add3A_251 = arith.addi %scan3A_65, %add3A_250 : i32
        %get3A_252 = arith.index_cast %add3A_251 : i32 to index
        %get3A_253 = arith.constant 0 : index
        %get3A_254 = tpu.vector_load %arg8[%get3A_252, %get3A_253] {strides = array<i32>} : memref<1600x16xf32, #tpu.memory_space<vmem>>, vector<1x16xf32>,
        %get3A_255 = vector.shape_cast %get3A_254 : vector<1x16xf32> to vector<16xf32>
        %add3A_256 = arith.addf %add3A_228, %get3A_255 : vector<16xf32>
        %add3A_257 = arith.constant 896 : i32
        %add3A_258 = arith.addi %scan3A_65, %add3A_257 : i32
        %get3A_259 = arith.index_cast %add3A_258 : i32 to index
        %get3A_260 = arith.constant 0 : index
        %get3A_261 = tpu.vector_load %arg8[%get3A_259, %get3A_260] {strides = array<i32>} : memref<1600x16xf32, #tpu.memory_space<vmem>>, vector<1x16xf32>,
        %get3A_262 = vector.shape_cast %get3A_261 : vector<1x16xf32> to vector<16xf32>
        %add3A_263 = arith.addf %add3A_235, %get3A_262 : vector<16xf32>
        %add3A_264 = arith.constant 928 : i32
        %add3A_265 = arith.addi %scan3A_65, %add3A_264 : i32
        %get3A_266 = arith.index_cast %add3A_265 : i32 to index
        %get3A_267 = arith.constant 0 : index
        %get3A_268 = tpu.vector_load %arg8[%get3A_266, %get3A_267] {strides = array<i32>} : memref<1600x16xf32, #tpu.memory_space<vmem>>, vector<1x16xf32>,
        %get3A_269 = vector.shape_cast %get3A_268 : vector<1x16xf32> to vector<16xf32>
        %add3A_270 = arith.addf %add3A_242, %get3A_269 : vector<16xf32>
        %add3A_271 = arith.constant 960 : i32
        %add3A_272 = arith.addi %scan3A_65, %add3A_271 : i32
        %get3A_273 = arith.index_cast %add3A_272 : i32 to index
        %get3A_274 = arith.constant 0 : index
        %get3A_275 = tpu.vector_load %arg8[%get3A_273, %get3A_274] {strides = array<i32>} : memref<1600x16xf32, #tpu.memory_space<vmem>>, vector<1x16xf32>,
        %get3A_276 = vector.shape_cast %get3A_275 : vector<1x16xf32> to vector<16xf32>
        %add3A_277 = arith.addf %add3A_249, %get3A_276 : vector<16xf32>
        %add3A_278 = arith.constant 992 : i32
        %add3A_279 = arith.addi %scan3A_65, %add3A_278 : i32
        %get3A_280 = arith.index_cast %add3A_279 : i32 to index
        %get3A_281 = arith.constant 0 : index
        %get3A_282 = tpu.vector_load %arg8[%get3A_280, %get3A_281] {strides = array<i32>} : memref<1600x16xf32, #tpu.memory_space<vmem>>, vector<1x16xf32>,
        %get3A_283 = vector.shape_cast %get3A_282 : vector<1x16xf32> to vector<16xf32>
        %add3A_284 = arith.addf %add3A_256, %get3A_283 : vector<16xf32>
        %add3A_285 = arith.constant 1024 : i32
        %add3A_286 = arith.addi %scan3A_65, %add3A_285 : i32
        %get3A_287 = arith.index_cast %add3A_286 : i32 to index
        %get3A_288 = arith.constant 0 : index
        %get3A_289 = tpu.vector_load %arg8[%get3A_287, %get3A_288] {strides = array<i32>} : memref<1600x16xf32, #tpu.memory_space<vmem>>, vector<1x16xf32>,
        %get3A_290 = vector.shape_cast %get3A_289 : vector<1x16xf32> to vector<16xf32>
        %add3A_291 = arith.addf %add3A_263, %get3A_290 : vector<16xf32>
        %add3A_292 = arith.constant 1056 : i32
        %add3A_293 = arith.addi %scan3A_65, %add3A_292 : i32
        %get3A_294 = arith.index_cast %add3A_293 : i32 to index
        %get3A_295 = arith.constant 0 : index
        %get3A_296 = tpu.vector_load %arg8[%get3A_294, %get3A_295] {strides = array<i32>} : memref<1600x16xf32, #tpu.memory_space<vmem>>, vector<1x16xf32>,
        %get3A_297 = vector.shape_cast %get3A_296 : vector<1x16xf32> to vector<16xf32>
        %add3A_298 = arith.addf %add3A_270, %get3A_297 : vector<16xf32>
        %add3A_299 = arith.constant 1088 : i32
        %add3A_300 = arith.addi %scan3A_65, %add3A_299 : i32
        %get3A_301 = arith.index_cast %add3A_300 : i32 to index
        %get3A_302 = arith.constant 0 : index
        %get3A_303 = tpu.vector_load %arg8[%get3A_301, %get3A_302] {strides = array<i32>} : memref<1600x16xf32, #tpu.memory_space<vmem>>, vector<1x16xf32>,
        %get3A_304 = vector.shape_cast %get3A_303 : vector<1x16xf32> to vector<16xf32>
        %add3A_305 = arith.addf %add3A_277, %get3A_304 : vector<16xf32>
        %add3A_306 = arith.constant 1120 : i32
        %add3A_307 = arith.addi %scan3A_65, %add3A_306 : i32
        %get3A_308 = arith.index_cast %add3A_307 : i32 to index
        %get3A_309 = arith.constant 0 : index
        %get3A_310 = tpu.vector_load %arg8[%get3A_308, %get3A_309] {strides = array<i32>} : memref<1600x16xf32, #tpu.memory_space<vmem>>, vector<1x16xf32>,
        %get3A_311 = vector.shape_cast %get3A_310 : vector<1x16xf32> to vector<16xf32>
        %add3A_312 = arith.addf %add3A_284, %get3A_311 : vector<16xf32>
        %add3A_313 = arith.constant 1152 : i32
        %add3A_314 = arith.addi %scan3A_65, %add3A_313 : i32
        %get3A_315 = arith.index_cast %add3A_314 : i32 to index
        %get3A_316 = arith.constant 0 : index
        %get3A_317 = tpu.vector_load %arg8[%get3A_315, %get3A_316] {strides = array<i32>} : memref<1600x16xf32, #tpu.memory_space<vmem>>, vector<1x16xf32>,
        %get3A_318 = vector.shape_cast %get3A_317 : vector<1x16xf32> to vector<16xf32>
        %add3A_319 = arith.addf %add3A_291, %get3A_318 : vector<16xf32>
        %add3A_320 = arith.constant 1184 : i32
        %add3A_321 = arith.addi %scan3A_65, %add3A_320 : i32
        %get3A_322 = arith.index_cast %add3A_321 : i32 to index
        %get3A_323 = arith.constant 0 : index
        %get3A_324 = tpu.vector_load %arg8[%get3A_322, %get3A_323] {strides = array<i32>} : memref<1600x16xf32, #tpu.memory_space<vmem>>, vector<1x16xf32>,
        %get3A_325 = vector.shape_cast %get3A_324 : vector<1x16xf32> to vector<16xf32>
        %add3A_326 = arith.addf %add3A_298, %get3A_325 : vector<16xf32>
        %add3A_327 = arith.constant 1216 : i32
        %add3A_328 = arith.addi %scan3A_65, %add3A_327 : i32
        %get3A_329 = arith.index_cast %add3A_328 : i32 to index
        %get3A_330 = arith.constant 0 : index
        %get3A_331 = tpu.vector_load %arg8[%get3A_329, %get3A_330] {strides = array<i32>} : memref<1600x16xf32, #tpu.memory_space<vmem>>, vector<1x16xf32>,
        %get3A_332 = vector.shape_cast %get3A_331 : vector<1x16xf32> to vector<16xf32>
        %add3A_333 = arith.addf %add3A_305, %get3A_332 : vector<16xf32>
        %add3A_334 = arith.constant 1248 : i32
        %add3A_335 = arith.addi %scan3A_65, %add3A_334 : i32
        %get3A_336 = arith.index_cast %add3A_335 : i32 to index
        %get3A_337 = arith.constant 0 : index
        %get3A_338 = tpu.vector_load %arg8[%get3A_336, %get3A_337] {strides = array<i32>} : memref<1600x16xf32, #tpu.memory_space<vmem>>, vector<1x16xf32>,
        %get3A_339 = vector.shape_cast %get3A_338 : vector<1x16xf32> to vector<16xf32>
        %add3A_340 = arith.addf %add3A_312, %get3A_339 : vector<16xf32>
        %add3A_341 = arith.constant 1280 : i32
        %add3A_342 = arith.addi %scan3A_65, %add3A_341 : i32
        %get3A_343 = arith.index_cast %add3A_342 : i32 to index
        %get3A_344 = arith.constant 0 : index
        %get3A_345 = tpu.vector_load %arg8[%get3A_343, %get3A_344] {strides = array<i32>} : memref<1600x16xf32, #tpu.memory_space<vmem>>, vector<1x16xf32>,
        %get3A_346 = vector.shape_cast %get3A_345 : vector<1x16xf32> to vector<16xf32>
        %add3A_347 = arith.addf %add3A_319, %get3A_346 : vector<16xf32>
        %add3A_348 = arith.constant 1312 : i32
        %add3A_349 = arith.addi %scan3A_65, %add3A_348 : i32
        %get3A_350 = arith.index_cast %add3A_349 : i32 to index
        %get3A_351 = arith.constant 0 : index
        %get3A_352 = tpu.vector_load %arg8[%get3A_350, %get3A_351] {strides = array<i32>} : memref<1600x16xf32, #tpu.memory_space<vmem>>, vector<1x16xf32>,
        %get3A_353 = vector.shape_cast %get3A_352 : vector<1x16xf32> to vector<16xf32>
        %add3A_354 = arith.addf %add3A_326, %get3A_353 : vector<16xf32>
        %add3A_355 = arith.constant 1344 : i32
        %add3A_356 = arith.addi %scan3A_65, %add3A_355 : i32
        %get3A_357 = arith.index_cast %add3A_356 : i32 to index
        %get3A_358 = arith.constant 0 : index
        %get3A_359 = tpu.vector_load %arg8[%get3A_357, %get3A_358] {strides = array<i32>} : memref<1600x16xf32, #tpu.memory_space<vmem>>, vector<1x16xf32>,
        %get3A_360 = vector.shape_cast %get3A_359 : vector<1x16xf32> to vector<16xf32>
        %add3A_361 = arith.addf %add3A_333, %get3A_360 : vector<16xf32>
        %add3A_362 = arith.constant 1376 : i32
        %add3A_363 = arith.addi %scan3A_65, %add3A_362 : i32
        %get3A_364 = arith.index_cast %add3A_363 : i32 to index
        %get3A_365 = arith.constant 0 : index
        %get3A_366 = tpu.vector_load %arg8[%get3A_364, %get3A_365] {strides = array<i32>} : memref<1600x16xf32, #tpu.memory_space<vmem>>, vector<1x16xf32>,
        %get3A_367 = vector.shape_cast %get3A_366 : vector<1x16xf32> to vector<16xf32>
        %add3A_368 = arith.addf %add3A_340, %get3A_367 : vector<16xf32>
        %add3A_369 = arith.constant 1408 : i32
        %add3A_370 = arith.addi %scan3A_65, %add3A_369 : i32
        %get3A_371 = arith.index_cast %add3A_370 : i32 to index
        %get3A_372 = arith.constant 0 : index
        %get3A_373 = tpu.vector_load %arg8[%get3A_371, %get3A_372] {strides = array<i32>} : memref<1600x16xf32, #tpu.memory_space<vmem>>, vector<1x16xf32>,
        %get3A_374 = vector.shape_cast %get3A_373 : vector<1x16xf32> to vector<16xf32>
        %add3A_375 = arith.addf %add3A_347, %get3A_374 : vector<16xf32>
        %add3A_376 = arith.constant 1440 : i32
        %add3A_377 = arith.addi %scan3A_65, %add3A_376 : i32
        %get3A_378 = arith.index_cast %add3A_377 : i32 to index
        %get3A_379 = arith.constant 0 : index
        %get3A_380 = tpu.vector_load %arg8[%get3A_378, %get3A_379] {strides = array<i32>} : memref<1600x16xf32, #tpu.memory_space<vmem>>, vector<1x16xf32>,
        %get3A_381 = vector.shape_cast %get3A_380 : vector<1x16xf32> to vector<16xf32>
        %add3A_382 = arith.addf %add3A_354, %get3A_381 : vector<16xf32>
        %add3A_383 = arith.constant 1472 : i32
        %add3A_384 = arith.addi %scan3A_65, %add3A_383 : i32
        %get3A_385 = arith.index_cast %add3A_384 : i32 to index
        %get3A_386 = arith.constant 0 : index
        %get3A_387 = tpu.vector_load %arg8[%get3A_385, %get3A_386] {strides = array<i32>} : memref<1600x16xf32, #tpu.memory_space<vmem>>, vector<1x16xf32>,
        %get3A_388 = vector.shape_cast %get3A_387 : vector<1x16xf32> to vector<16xf32>
        %add3A_389 = arith.addf %add3A_361, %get3A_388 : vector<16xf32>
        %add3A_390 = arith.constant 1504 : i32
        %add3A_391 = arith.addi %scan3A_65, %add3A_390 : i32
        %get3A_392 = arith.index_cast %add3A_391 : i32 to index
        %get3A_393 = arith.constant 0 : index
        %get3A_394 = tpu.vector_load %arg8[%get3A_392, %get3A_393] {strides = array<i32>} : memref<1600x16xf32, #tpu.memory_space<vmem>>, vector<1x16xf32>,
        %get3A_395 = vector.shape_cast %get3A_394 : vector<1x16xf32> to vector<16xf32>
        %add3A_396 = arith.addf %add3A_368, %get3A_395 : vector<16xf32>
        %add3A_397 = arith.constant 1536 : i32
        %add3A_398 = arith.addi %scan3A_65, %add3A_397 : i32
        %get3A_399 = arith.index_cast %add3A_398 : i32 to index
        %get3A_400 = arith.constant 0 : index
        %get3A_401 = tpu.vector_load %arg8[%get3A_399, %get3A_400] {strides = array<i32>} : memref<1600x16xf32, #tpu.memory_space<vmem>>, vector<1x16xf32>,
        %get3A_402 = vector.shape_cast %get3A_401 : vector<1x16xf32> to vector<16xf32>
        %add3A_403 = arith.addf %add3A_375, %get3A_402 : vector<16xf32>
        %add3A_404 = arith.constant 1568 : i32
        %add3A_405 = arith.addi %scan3A_65, %add3A_404 : i32
        %get3A_406 = arith.index_cast %add3A_405 : i32 to index
        %get3A_407 = arith.constant 0 : index
        %get3A_408 = tpu.vector_load %arg8[%get3A_406, %get3A_407] {strides = array<i32>} : memref<1600x16xf32, #tpu.memory_space<vmem>>, vector<1x16xf32>,
        %get3A_409 = vector.shape_cast %get3A_408 : vector<1x16xf32> to vector<16xf32>
        %add3A_410 = arith.addf %add3A_382, %get3A_409 : vector<16xf32>
        %add3A_411 = arith.addf %add3A_403, %add3A_410 : vector<16xf32>
        %add3A_412 = arith.addf %add3A_389, %add3A_396 : vector<16xf32>
        %add3A_413 = arith.addf %add3A_411, %add3A_412 : vector<16xf32>
        %add3A_414 = arith.addi %mul3A_58, %scan3A_65 : i32
        %get3A_415 = arith.index_cast %add3A_414 : i32 to index
        %get3A_416 = arith.constant 0 : index
        %get3A_417 = tpu.vector_load %arg10[%get3A_415, %get3A_416] {strides = array<i32>} : memref<512x16xf32, #tpu.memory_space<vmem>>, vector<1x16xf32>,
        %get3A_418 = vector.shape_cast %get3A_417 : vector<1x16xf32> to vector<16xf32>
        %add3A_419 = arith.addf %add3A_413, %get3A_418 : vector<16xf32>
        %add3A_420 = arith.addi %mul3A_58, %scan3A_65 : i32
        %swap3A = arith.index_cast %add3A_420 : i32 to index
        %swap3A_421 = arith.constant 0 : index
        %swap3A_422 = tpu.vector_load %arg9[%swap3A, %swap3A_421] {strides = array<i32>} : memref<512x16xf32, #tpu.memory_space<vmem>>, vector<1x16xf32>,
        %swap3A_423 = vector.shape_cast %swap3A_422 : vector<1x16xf32> to vector<16xf32>
        %swap3A_424 = vector.shape_cast %add3A_419 : vector<16xf32> to vector<1x16xf32>
        tpu.vector_store %arg9[%swap3A, %swap3A_421], %swap3A_424 {strides = array<i32>} : memref<512x16xf32, #tpu.memory_space<vmem>>, vector<1x16xf32>,
      }
      %scan3A_64 = arith.constant 32 : i32
    }
    %scan3A_19 = arith.constant 8 : i32
    "tpu.region"() ({
      %run_scoped3A = tpu.sem_alloc : memref<!tpu.dma_semaphore, #tpu.memory_space<semaphore_mem>>
      %dma_start3A_20 = arith.constant 0 : i32
      %dma_start3A_21 = tpu.memref_slice %arg5[%mul3A_2, %dma_start3A_20] : memref<16384x16xf32, #tpu.memory_space<hbm>> -> memref<512x16xf32, #tpu.memory_space<hbm>>
      %dma_start3A_22 = arith.constant 0 : i32
      %dma_start3A_23 = tpu.memref_slice %arg5[%mul3A_2, %dma_start3A_22] : memref<16384x16xf32, #tpu.memory_space<hbm>> -> memref<512x16xf32, #tpu.memory_space<hbm>>
      tpu.enqueue_dma source(%arg9 : memref<512x16xf32, #tpu.memory_space<vmem>>) target(%dma_start3A_23 : memref<512x16xf32, #tpu.memory_space<hbm>>) target_semaphore(%run_scoped3A : memref<!tpu.dma_semaphore, #tpu.memory_space<semaphore_mem>>)
      %dma_wait3A_24 = arith.constant 0 : i32
      %dma_wait3A_25 = tpu.memref_slice %arg5[%mul3A_2, %dma_wait3A_24] : memref<16384x16xf32, #tpu.memory_space<hbm>> -> memref<512x16xf32, #tpu.memory_space<hbm>>
      %dma_wait3A_26 = arith.constant 0 : i32
      %dma_wait3A_27 = tpu.memref_slice %arg5[%mul3A_2, %dma_wait3A_26] : memref<16384x16xf32, #tpu.memory_space<hbm>> -> memref<512x16xf32, #tpu.memory_space<hbm>>
      tpu.wait_dma2 semaphore(%run_scoped3A : memref<!tpu.dma_semaphore, #tpu.memory_space<semaphore_mem>>) src(%arg9 : memref<512x16xf32, #tpu.memory_space<vmem>>) dst(%dma_wait3A_27 : memref<512x16xf32, #tpu.memory_space<hbm>>)
      tpu.yield
    }) : () -> ()
    return
  }
}

#map = affine_map<(d0, d1) -> (0, 0)>
module attributes {stable_mosaic.version = 14 : i64} {
  func.func @body(%arg0: i32, %arg1: i32, %arg2: memref<50x16384xi32, #tpu.memory_space<hbm>>, %arg3: memref<102400x16xf32, #tpu.memory_space<hbm>>, %arg4: memref<16384x16xf32, #tpu.memory_space<hbm>>, %arg5: memref<50x512xi32, #tpu.memory_space<vmem>>, %arg6: memref<1600x16xf32, #tpu.memory_space<vmem>>, %arg7: memref<1600x16xf32, #tpu.memory_space<vmem>>, %arg8: memref<512x16xf32, #tpu.memory_space<vmem>>, %arg9: memref<!tpu.dma_semaphore, #tpu.memory_space<semaphore_mem>>, %arg10: memref<!tpu.dma_semaphore, #tpu.memory_space<semaphore_mem>>) attributes {dimension_semantics = [#tpu.dimension_semantics<core_parallel>, #tpu.dimension_semantics<subcore_parallel>], iteration_bounds = array<i64: 2, 16>, scalar_prefetch = 0 : i64, scratch_operands = 6 : i64, tpu.core_type = #tpu.core_type<sc_vector_subcore>, window_params = [{transform_indices = #map}, {transform_indices = #map}, {transform_indices = #map}]} {
    %mul3A = arith.constant 2 : i32
    %mul3A_0 = arith.muli %arg1, %mul3A : i32
    %add3A = arith.addi %mul3A_0, %arg0 : i32
    %mul3A_1 = arith.constant 512 : i32
    %mul3A_2 = arith.muli %add3A, %mul3A_1 : i32
    "tpu.region"() ({
      %run_scoped3A = tpu.sem_alloc : memref<!tpu.dma_semaphore, #tpu.memory_space<semaphore_mem>>
      %dma_start3A = arith.constant 0 : i32
      %dma_start3A_14 = tpu.memref_slice %arg2[%dma_start3A, %mul3A_2] : memref<50x16384xi32, #tpu.memory_space<hbm>> -> memref<50x512xi32, #tpu.memory_space<hbm>>
      %dma_start3A_15 = arith.constant 0 : i32
      %dma_start3A_16 = tpu.memref_slice %arg2[%dma_start3A_15, %mul3A_2] : memref<50x16384xi32, #tpu.memory_space<hbm>> -> memref<50x512xi32, #tpu.memory_space<hbm>>
      tpu.enqueue_dma source(%dma_start3A_16 : memref<50x512xi32, #tpu.memory_space<hbm>>) target(%arg5 : memref<50x512xi32, #tpu.memory_space<vmem>>) target_semaphore(%run_scoped3A : memref<!tpu.dma_semaphore, #tpu.memory_space<semaphore_mem>>)
      %dma_wait3A = arith.constant 0 : i32
      %dma_wait3A_17 = tpu.memref_slice %arg2[%dma_wait3A, %mul3A_2] : memref<50x16384xi32, #tpu.memory_space<hbm>> -> memref<50x512xi32, #tpu.memory_space<hbm>>
      %dma_wait3A_18 = arith.constant 0 : i32
      %dma_wait3A_19 = tpu.memref_slice %arg2[%dma_wait3A_18, %mul3A_2] : memref<50x16384xi32, #tpu.memory_space<hbm>> -> memref<50x512xi32, #tpu.memory_space<hbm>>
      tpu.wait_dma2 semaphore(%run_scoped3A : memref<!tpu.dma_semaphore, #tpu.memory_space<semaphore_mem>>) src(%dma_wait3A_19 : memref<50x512xi32, #tpu.memory_space<hbm>>) dst(%arg5 : memref<50x512xi32, #tpu.memory_space<vmem>>)
      tpu.yield
    }) : () -> ()
    %scan3A = arith.constant 0 : i32
    %scan3A_3 = arith.constant 0 : i32
    %scan3A_4 = arith.constant 50 : i32
    %scan3A_5 = arith.addi %scan3A_3, %scan3A_4 : i32
    %scan3A_6 = arith.constant 1 : i32
    scf.for %scan3A_14 = %scan3A_3 to %scan3A_5 step %scan3A_6  : i32 {
      %mul3A_15 = arith.constant 32 : i32
      %mul3A_16 = arith.muli %scan3A_14, %mul3A_15 : i32
      %dma_start3A = arith.constant 0 : i32
      %dma_start3A_17 = tpu.memref_slice %arg6[%mul3A_16, %dma_start3A] : memref<1600x16xf32, #tpu.memory_space<vmem>> -> memref<32x16xf32, #tpu.memory_space<vmem>>
      %dma_start3A_18 = arith.constant 0 : i32
      %dma_start3A_19 = tpu.memref_slice %arg5[%scan3A_14, %dma_start3A_18] : memref<50x512xi32, #tpu.memory_space<vmem>> -> memref<1x32xi32, #tpu.memory_space<vmem>>
      %dma_start3A_20 = tpu.memref_squeeze %dma_start3A_19 : memref<1x32xi32, #tpu.memory_space<vmem>> -> memref<32xi32, #tpu.memory_space<vmem>>
      %dma_start3A_21 = arith.constant 0 : i32
      %dma_start3A_22 = arith.constant 0 : i32
      %dma_start3A_23 = tpu.memref_slice %arg3[%dma_start3A_21, %dma_start3A_22] : memref<102400x16xf32, #tpu.memory_space<hbm>> -> memref<102400x16xf32, #tpu.memory_space<hbm>>
      tpu.enqueue_indirect_dma source(%dma_start3A_23 : memref<102400x16xf32, #tpu.memory_space<hbm>>) target(%dma_start3A_17 : memref<32x16xf32, #tpu.memory_space<vmem>>) offsets(%dma_start3A_20 : memref<32xi32, #tpu.memory_space<vmem>>) semaphore(%arg9 : memref<!tpu.dma_semaphore, #tpu.memory_space<semaphore_mem>>)
    }
    %scan3A_7 = arith.constant 50 : i32
    %scan3A_8 = arith.constant 0 : i32
    %scan3A_9 = arith.constant 0 : i32
    %scan3A_10 = arith.constant 8 : i32
    %scan3A_11 = arith.addi %scan3A_9, %scan3A_10 : i32
    %scan3A_12 = arith.constant 1 : i32
    scf.for %scan3A_14 = %scan3A_9 to %scan3A_11 step %scan3A_12  : i32 {
      %mul3A_15 = arith.constant 2 : i32
      %mul3A_16 = arith.muli %scan3A_14, %mul3A_15 : i32
      %add3A_17 = arith.constant 1 : i32
      %add3A_18 = arith.addi %mul3A_16, %add3A_17 : i32
      %mul3A_19 = arith.constant 32 : i32
      %mul3A_20 = arith.muli %add3A_18, %mul3A_19 : i32
      %scan3A_21 = arith.constant 0 : i32
      %scan3A_22 = arith.constant 0 : i32
      %scan3A_23 = arith.constant 50 : i32
      %scan3A_24 = arith.addi %scan3A_22, %scan3A_23 : i32
      %scan3A_25 = arith.constant 1 : i32
      scf.for %scan3A_58 = %scan3A_22 to %scan3A_24 step %scan3A_25  : i32 {
        %mul3A_59 = arith.constant 32 : i32
        %mul3A_60 = arith.muli %scan3A_58, %mul3A_59 : i32
        %dma_start3A = arith.constant 0 : i32
        %dma_start3A_61 = tpu.memref_slice %arg7[%mul3A_60, %dma_start3A] : memref<1600x16xf32, #tpu.memory_space<vmem>> -> memref<32x16xf32, #tpu.memory_space<vmem>>
        %dma_start3A_62 = tpu.memref_slice %arg5[%scan3A_58, %mul3A_20] : memref<50x512xi32, #tpu.memory_space<vmem>> -> memref<1x32xi32, #tpu.memory_space<vmem>>
        %dma_start3A_63 = tpu.memref_squeeze %dma_start3A_62 : memref<1x32xi32, #tpu.memory_space<vmem>> -> memref<32xi32, #tpu.memory_space<vmem>>
        %dma_start3A_64 = arith.constant 0 : i32
        %dma_start3A_65 = arith.constant 0 : i32
        %dma_start3A_66 = tpu.memref_slice %arg3[%dma_start3A_64, %dma_start3A_65] : memref<102400x16xf32, #tpu.memory_space<hbm>> -> memref<102400x16xf32, #tpu.memory_space<hbm>>
        tpu.enqueue_indirect_dma source(%dma_start3A_66 : memref<102400x16xf32, #tpu.memory_space<hbm>>) target(%dma_start3A_61 : memref<32x16xf32, #tpu.memory_space<vmem>>) offsets(%dma_start3A_63 : memref<32xi32, #tpu.memory_space<vmem>>) semaphore(%arg10 : memref<!tpu.dma_semaphore, #tpu.memory_space<semaphore_mem>>)
      }
      %scan3A_26 = arith.constant 50 : i32
      %dma_wait3A = arith.constant 0 : i32
      %dma_wait3A_27 = arith.constant 0 : i32
      %dma_wait3A_28 = tpu.memref_slice %arg3[%dma_wait3A, %dma_wait3A_27] : memref<102400x16xf32, #tpu.memory_space<hbm>> -> memref<1600x16xf32, #tpu.memory_space<hbm>>
      %dma_wait3A_29 = arith.constant 0 : i32
      %dma_wait3A_30 = arith.constant 0 : i32
      %dma_wait3A_31 = tpu.memref_slice %arg3[%dma_wait3A_29, %dma_wait3A_30] : memref<102400x16xf32, #tpu.memory_space<hbm>> -> memref<1600x16xf32, #tpu.memory_space<hbm>>
      tpu.wait_dma2 semaphore(%arg9 : memref<!tpu.dma_semaphore, #tpu.memory_space<semaphore_mem>>) src(%dma_wait3A_31 : memref<1600x16xf32, #tpu.memory_space<hbm>>) dst(%arg6 : memref<1600x16xf32, #tpu.memory_space<vmem>>)
      %mul3A_32 = arith.constant 32 : i32
      %mul3A_33 = arith.muli %mul3A_16, %mul3A_32 : i32
      %scan3A_34 = arith.constant 0 : i32
      %scan3A_35 = arith.constant 0 : i32
      %scan3A_36 = arith.constant 32 : i32
      %scan3A_37 = arith.addi %scan3A_35, %scan3A_36 : i32
      %scan3A_38 = arith.constant 1 : i32
      scf.for %scan3A_58 = %scan3A_35 to %scan3A_37 step %scan3A_38  : i32 {
        %add3A_59 = arith.constant 0 : i32
        %add3A_60 = arith.addi %scan3A_58, %add3A_59 : i32
        %get3A = arith.index_cast %add3A_60 : i32 to index
        %get3A_61 = arith.constant 0 : index
        %get3A_62 = tpu.vector_load %arg6[%get3A, %get3A_61] {strides = array<i32>} : memref<1600x16xf32, #tpu.memory_space<vmem>>, vector<1x16xf32>,
        %get3A_63 = vector.shape_cast %get3A_62 : vector<1x16xf32> to vector<16xf32>
        %add3A_64 = arith.constant 32 : i32
        %add3A_65 = arith.addi %scan3A_58, %add3A_64 : i32
        %get3A_66 = arith.index_cast %add3A_65 : i32 to index
        %get3A_67 = arith.constant 0 : index
        %get3A_68 = tpu.vector_load %arg6[%get3A_66, %get3A_67] {strides = array<i32>} : memref<1600x16xf32, #tpu.memory_space<vmem>>, vector<1x16xf32>,
        %get3A_69 = vector.shape_cast %get3A_68 : vector<1x16xf32> to vector<16xf32>
        %add3A_70 = arith.constant 64 : i32
        %add3A_71 = arith.addi %scan3A_58, %add3A_70 : i32
        %get3A_72 = arith.index_cast %add3A_71 : i32 to index
        %get3A_73 = arith.constant 0 : index
        %get3A_74 = tpu.vector_load %arg6[%get3A_72, %get3A_73] {strides = array<i32>} : memref<1600x16xf32, #tpu.memory_space<vmem>>, vector<1x16xf32>,
        %get3A_75 = vector.shape_cast %get3A_74 : vector<1x16xf32> to vector<16xf32>
        %add3A_76 = arith.constant 96 : i32
        %add3A_77 = arith.addi %scan3A_58, %add3A_76 : i32
        %get3A_78 = arith.index_cast %add3A_77 : i32 to index
        %get3A_79 = arith.constant 0 : index
        %get3A_80 = tpu.vector_load %arg6[%get3A_78, %get3A_79] {strides = array<i32>} : memref<1600x16xf32, #tpu.memory_space<vmem>>, vector<1x16xf32>,
        %get3A_81 = vector.shape_cast %get3A_80 : vector<1x16xf32> to vector<16xf32>
        %add3A_82 = arith.constant 128 : i32
        %add3A_83 = arith.addi %scan3A_58, %add3A_82 : i32
        %get3A_84 = arith.index_cast %add3A_83 : i32 to index
        %get3A_85 = arith.constant 0 : index
        %get3A_86 = tpu.vector_load %arg6[%get3A_84, %get3A_85] {strides = array<i32>} : memref<1600x16xf32, #tpu.memory_space<vmem>>, vector<1x16xf32>,
        %get3A_87 = vector.shape_cast %get3A_86 : vector<1x16xf32> to vector<16xf32>
        %add3A_88 = arith.addf %get3A_63, %get3A_87 : vector<16xf32>
        %add3A_89 = arith.constant 160 : i32
        %add3A_90 = arith.addi %scan3A_58, %add3A_89 : i32
        %get3A_91 = arith.index_cast %add3A_90 : i32 to index
        %get3A_92 = arith.constant 0 : index
        %get3A_93 = tpu.vector_load %arg6[%get3A_91, %get3A_92] {strides = array<i32>} : memref<1600x16xf32, #tpu.memory_space<vmem>>, vector<1x16xf32>,
        %get3A_94 = vector.shape_cast %get3A_93 : vector<1x16xf32> to vector<16xf32>
        %add3A_95 = arith.addf %get3A_69, %get3A_94 : vector<16xf32>
        %add3A_96 = arith.constant 192 : i32
        %add3A_97 = arith.addi %scan3A_58, %add3A_96 : i32
        %get3A_98 = arith.index_cast %add3A_97 : i32 to index
        %get3A_99 = arith.constant 0 : index
        %get3A_100 = tpu.vector_load %arg6[%get3A_98, %get3A_99] {strides = array<i32>} : memref<1600x16xf32, #tpu.memory_space<vmem>>, vector<1x16xf32>,
        %get3A_101 = vector.shape_cast %get3A_100 : vector<1x16xf32> to vector<16xf32>
        %add3A_102 = arith.addf %get3A_75, %get3A_101 : vector<16xf32>
        %add3A_103 = arith.constant 224 : i32
        %add3A_104 = arith.addi %scan3A_58, %add3A_103 : i32
        %get3A_105 = arith.index_cast %add3A_104 : i32 to index
        %get3A_106 = arith.constant 0 : index
        %get3A_107 = tpu.vector_load %arg6[%get3A_105, %get3A_106] {strides = array<i32>} : memref<1600x16xf32, #tpu.memory_space<vmem>>, vector<1x16xf32>,
        %get3A_108 = vector.shape_cast %get3A_107 : vector<1x16xf32> to vector<16xf32>
        %add3A_109 = arith.addf %get3A_81, %get3A_108 : vector<16xf32>
        %add3A_110 = arith.constant 256 : i32
        %add3A_111 = arith.addi %scan3A_58, %add3A_110 : i32
        %get3A_112 = arith.index_cast %add3A_111 : i32 to index
        %get3A_113 = arith.constant 0 : index
        %get3A_114 = tpu.vector_load %arg6[%get3A_112, %get3A_113] {strides = array<i32>} : memref<1600x16xf32, #tpu.memory_space<vmem>>, vector<1x16xf32>,
        %get3A_115 = vector.shape_cast %get3A_114 : vector<1x16xf32> to vector<16xf32>
        %add3A_116 = arith.addf %add3A_88, %get3A_115 : vector<16xf32>
        %add3A_117 = arith.constant 288 : i32
        %add3A_118 = arith.addi %scan3A_58, %add3A_117 : i32
        %get3A_119 = arith.index_cast %add3A_118 : i32 to index
        %get3A_120 = arith.constant 0 : index
        %get3A_121 = tpu.vector_load %arg6[%get3A_119, %get3A_120] {strides = array<i32>} : memref<1600x16xf32, #tpu.memory_space<vmem>>, vector<1x16xf32>,
        %get3A_122 = vector.shape_cast %get3A_121 : vector<1x16xf32> to vector<16xf32>
        %add3A_123 = arith.addf %add3A_95, %get3A_122 : vector<16xf32>
        %add3A_124 = arith.constant 320 : i32
        %add3A_125 = arith.addi %scan3A_58, %add3A_124 : i32
        %get3A_126 = arith.index_cast %add3A_125 : i32 to index
        %get3A_127 = arith.constant 0 : index
        %get3A_128 = tpu.vector_load %arg6[%get3A_126, %get3A_127] {strides = array<i32>} : memref<1600x16xf32, #tpu.memory_space<vmem>>, vector<1x16xf32>,
        %get3A_129 = vector.shape_cast %get3A_128 : vector<1x16xf32> to vector<16xf32>
        %add3A_130 = arith.addf %add3A_102, %get3A_129 : vector<16xf32>
        %add3A_131 = arith.constant 352 : i32
        %add3A_132 = arith.addi %scan3A_58, %add3A_131 : i32
        %get3A_133 = arith.index_cast %add3A_132 : i32 to index
        %get3A_134 = arith.constant 0 : index
        %get3A_135 = tpu.vector_load %arg6[%get3A_133, %get3A_134] {strides = array<i32>} : memref<1600x16xf32, #tpu.memory_space<vmem>>, vector<1x16xf32>,
        %get3A_136 = vector.shape_cast %get3A_135 : vector<1x16xf32> to vector<16xf32>
        %add3A_137 = arith.addf %add3A_109, %get3A_136 : vector<16xf32>
        %add3A_138 = arith.constant 384 : i32
        %add3A_139 = arith.addi %scan3A_58, %add3A_138 : i32
        %get3A_140 = arith.index_cast %add3A_139 : i32 to index
        %get3A_141 = arith.constant 0 : index
        %get3A_142 = tpu.vector_load %arg6[%get3A_140, %get3A_141] {strides = array<i32>} : memref<1600x16xf32, #tpu.memory_space<vmem>>, vector<1x16xf32>,
        %get3A_143 = vector.shape_cast %get3A_142 : vector<1x16xf32> to vector<16xf32>
        %add3A_144 = arith.addf %add3A_116, %get3A_143 : vector<16xf32>
        %add3A_145 = arith.constant 416 : i32
        %add3A_146 = arith.addi %scan3A_58, %add3A_145 : i32
        %get3A_147 = arith.index_cast %add3A_146 : i32 to index
        %get3A_148 = arith.constant 0 : index
        %get3A_149 = tpu.vector_load %arg6[%get3A_147, %get3A_148] {strides = array<i32>} : memref<1600x16xf32, #tpu.memory_space<vmem>>, vector<1x16xf32>,
        %get3A_150 = vector.shape_cast %get3A_149 : vector<1x16xf32> to vector<16xf32>
        %add3A_151 = arith.addf %add3A_123, %get3A_150 : vector<16xf32>
        %add3A_152 = arith.constant 448 : i32
        %add3A_153 = arith.addi %scan3A_58, %add3A_152 : i32
        %get3A_154 = arith.index_cast %add3A_153 : i32 to index
        %get3A_155 = arith.constant 0 : index
        %get3A_156 = tpu.vector_load %arg6[%get3A_154, %get3A_155] {strides = array<i32>} : memref<1600x16xf32, #tpu.memory_space<vmem>>, vector<1x16xf32>,
        %get3A_157 = vector.shape_cast %get3A_156 : vector<1x16xf32> to vector<16xf32>
        %add3A_158 = arith.addf %add3A_130, %get3A_157 : vector<16xf32>
        %add3A_159 = arith.constant 480 : i32
        %add3A_160 = arith.addi %scan3A_58, %add3A_159 : i32
        %get3A_161 = arith.index_cast %add3A_160 : i32 to index
        %get3A_162 = arith.constant 0 : index
        %get3A_163 = tpu.vector_load %arg6[%get3A_161, %get3A_162] {strides = array<i32>} : memref<1600x16xf32, #tpu.memory_space<vmem>>, vector<1x16xf32>,
        %get3A_164 = vector.shape_cast %get3A_163 : vector<1x16xf32> to vector<16xf32>
        %add3A_165 = arith.addf %add3A_137, %get3A_164 : vector<16xf32>
        %add3A_166 = arith.constant 512 : i32
        %add3A_167 = arith.addi %scan3A_58, %add3A_166 : i32
        %get3A_168 = arith.index_cast %add3A_167 : i32 to index
        %get3A_169 = arith.constant 0 : index
        %get3A_170 = tpu.vector_load %arg6[%get3A_168, %get3A_169] {strides = array<i32>} : memref<1600x16xf32, #tpu.memory_space<vmem>>, vector<1x16xf32>,
        %get3A_171 = vector.shape_cast %get3A_170 : vector<1x16xf32> to vector<16xf32>
        %add3A_172 = arith.addf %add3A_144, %get3A_171 : vector<16xf32>
        %add3A_173 = arith.constant 544 : i32
        %add3A_174 = arith.addi %scan3A_58, %add3A_173 : i32
        %get3A_175 = arith.index_cast %add3A_174 : i32 to index
        %get3A_176 = arith.constant 0 : index
        %get3A_177 = tpu.vector_load %arg6[%get3A_175, %get3A_176] {strides = array<i32>} : memref<1600x16xf32, #tpu.memory_space<vmem>>, vector<1x16xf32>,
        %get3A_178 = vector.shape_cast %get3A_177 : vector<1x16xf32> to vector<16xf32>
        %add3A_179 = arith.addf %add3A_151, %get3A_178 : vector<16xf32>
        %add3A_180 = arith.constant 576 : i32
        %add3A_181 = arith.addi %scan3A_58, %add3A_180 : i32
        %get3A_182 = arith.index_cast %add3A_181 : i32 to index
        %get3A_183 = arith.constant 0 : index
        %get3A_184 = tpu.vector_load %arg6[%get3A_182, %get3A_183] {strides = array<i32>} : memref<1600x16xf32, #tpu.memory_space<vmem>>, vector<1x16xf32>,
        %get3A_185 = vector.shape_cast %get3A_184 : vector<1x16xf32> to vector<16xf32>
        %add3A_186 = arith.addf %add3A_158, %get3A_185 : vector<16xf32>
        %add3A_187 = arith.constant 608 : i32
        %add3A_188 = arith.addi %scan3A_58, %add3A_187 : i32
        %get3A_189 = arith.index_cast %add3A_188 : i32 to index
        %get3A_190 = arith.constant 0 : index
        %get3A_191 = tpu.vector_load %arg6[%get3A_189, %get3A_190] {strides = array<i32>} : memref<1600x16xf32, #tpu.memory_space<vmem>>, vector<1x16xf32>,
        %get3A_192 = vector.shape_cast %get3A_191 : vector<1x16xf32> to vector<16xf32>
        %add3A_193 = arith.addf %add3A_165, %get3A_192 : vector<16xf32>
        %add3A_194 = arith.constant 640 : i32
        %add3A_195 = arith.addi %scan3A_58, %add3A_194 : i32
        %get3A_196 = arith.index_cast %add3A_195 : i32 to index
        %get3A_197 = arith.constant 0 : index
        %get3A_198 = tpu.vector_load %arg6[%get3A_196, %get3A_197] {strides = array<i32>} : memref<1600x16xf32, #tpu.memory_space<vmem>>, vector<1x16xf32>,
        %get3A_199 = vector.shape_cast %get3A_198 : vector<1x16xf32> to vector<16xf32>
        %add3A_200 = arith.addf %add3A_172, %get3A_199 : vector<16xf32>
        %add3A_201 = arith.constant 672 : i32
        %add3A_202 = arith.addi %scan3A_58, %add3A_201 : i32
        %get3A_203 = arith.index_cast %add3A_202 : i32 to index
        %get3A_204 = arith.constant 0 : index
        %get3A_205 = tpu.vector_load %arg6[%get3A_203, %get3A_204] {strides = array<i32>} : memref<1600x16xf32, #tpu.memory_space<vmem>>, vector<1x16xf32>,
        %get3A_206 = vector.shape_cast %get3A_205 : vector<1x16xf32> to vector<16xf32>
        %add3A_207 = arith.addf %add3A_179, %get3A_206 : vector<16xf32>
        %add3A_208 = arith.constant 704 : i32
        %add3A_209 = arith.addi %scan3A_58, %add3A_208 : i32
        %get3A_210 = arith.index_cast %add3A_209 : i32 to index
        %get3A_211 = arith.constant 0 : index
        %get3A_212 = tpu.vector_load %arg6[%get3A_210, %get3A_211] {strides = array<i32>} : memref<1600x16xf32, #tpu.memory_space<vmem>>, vector<1x16xf32>,
        %get3A_213 = vector.shape_cast %get3A_212 : vector<1x16xf32> to vector<16xf32>
        %add3A_214 = arith.addf %add3A_186, %get3A_213 : vector<16xf32>
        %add3A_215 = arith.constant 736 : i32
        %add3A_216 = arith.addi %scan3A_58, %add3A_215 : i32
        %get3A_217 = arith.index_cast %add3A_216 : i32 to index
        %get3A_218 = arith.constant 0 : index
        %get3A_219 = tpu.vector_load %arg6[%get3A_217, %get3A_218] {strides = array<i32>} : memref<1600x16xf32, #tpu.memory_space<vmem>>, vector<1x16xf32>,
        %get3A_220 = vector.shape_cast %get3A_219 : vector<1x16xf32> to vector<16xf32>
        %add3A_221 = arith.addf %add3A_193, %get3A_220 : vector<16xf32>
        %add3A_222 = arith.constant 768 : i32
        %add3A_223 = arith.addi %scan3A_58, %add3A_222 : i32
        %get3A_224 = arith.index_cast %add3A_223 : i32 to index
        %get3A_225 = arith.constant 0 : index
        %get3A_226 = tpu.vector_load %arg6[%get3A_224, %get3A_225] {strides = array<i32>} : memref<1600x16xf32, #tpu.memory_space<vmem>>, vector<1x16xf32>,
        %get3A_227 = vector.shape_cast %get3A_226 : vector<1x16xf32> to vector<16xf32>
        %add3A_228 = arith.addf %add3A_200, %get3A_227 : vector<16xf32>
        %add3A_229 = arith.constant 800 : i32
        %add3A_230 = arith.addi %scan3A_58, %add3A_229 : i32
        %get3A_231 = arith.index_cast %add3A_230 : i32 to index
        %get3A_232 = arith.constant 0 : index
        %get3A_233 = tpu.vector_load %arg6[%get3A_231, %get3A_232] {strides = array<i32>} : memref<1600x16xf32, #tpu.memory_space<vmem>>, vector<1x16xf32>,
        %get3A_234 = vector.shape_cast %get3A_233 : vector<1x16xf32> to vector<16xf32>
        %add3A_235 = arith.addf %add3A_207, %get3A_234 : vector<16xf32>
        %add3A_236 = arith.constant 832 : i32
        %add3A_237 = arith.addi %scan3A_58, %add3A_236 : i32
        %get3A_238 = arith.index_cast %add3A_237 : i32 to index
        %get3A_239 = arith.constant 0 : index
        %get3A_240 = tpu.vector_load %arg6[%get3A_238, %get3A_239] {strides = array<i32>} : memref<1600x16xf32, #tpu.memory_space<vmem>>, vector<1x16xf32>,
        %get3A_241 = vector.shape_cast %get3A_240 : vector<1x16xf32> to vector<16xf32>
        %add3A_242 = arith.addf %add3A_214, %get3A_241 : vector<16xf32>
        %add3A_243 = arith.constant 864 : i32
        %add3A_244 = arith.addi %scan3A_58, %add3A_243 : i32
        %get3A_245 = arith.index_cast %add3A_244 : i32 to index
        %get3A_246 = arith.constant 0 : index
        %get3A_247 = tpu.vector_load %arg6[%get3A_245, %get3A_246] {strides = array<i32>} : memref<1600x16xf32, #tpu.memory_space<vmem>>, vector<1x16xf32>,
        %get3A_248 = vector.shape_cast %get3A_247 : vector<1x16xf32> to vector<16xf32>
        %add3A_249 = arith.addf %add3A_221, %get3A_248 : vector<16xf32>
        %add3A_250 = arith.constant 896 : i32
        %add3A_251 = arith.addi %scan3A_58, %add3A_250 : i32
        %get3A_252 = arith.index_cast %add3A_251 : i32 to index
        %get3A_253 = arith.constant 0 : index
        %get3A_254 = tpu.vector_load %arg6[%get3A_252, %get3A_253] {strides = array<i32>} : memref<1600x16xf32, #tpu.memory_space<vmem>>, vector<1x16xf32>,
        %get3A_255 = vector.shape_cast %get3A_254 : vector<1x16xf32> to vector<16xf32>
        %add3A_256 = arith.addf %add3A_228, %get3A_255 : vector<16xf32>
        %add3A_257 = arith.constant 928 : i32
        %add3A_258 = arith.addi %scan3A_58, %add3A_257 : i32
        %get3A_259 = arith.index_cast %add3A_258 : i32 to index
        %get3A_260 = arith.constant 0 : index
        %get3A_261 = tpu.vector_load %arg6[%get3A_259, %get3A_260] {strides = array<i32>} : memref<1600x16xf32, #tpu.memory_space<vmem>>, vector<1x16xf32>,
        %get3A_262 = vector.shape_cast %get3A_261 : vector<1x16xf32> to vector<16xf32>
        %add3A_263 = arith.addf %add3A_235, %get3A_262 : vector<16xf32>
        %add3A_264 = arith.constant 960 : i32
        %add3A_265 = arith.addi %scan3A_58, %add3A_264 : i32
        %get3A_266 = arith.index_cast %add3A_265 : i32 to index
        %get3A_267 = arith.constant 0 : index
        %get3A_268 = tpu.vector_load %arg6[%get3A_266, %get3A_267] {strides = array<i32>} : memref<1600x16xf32, #tpu.memory_space<vmem>>, vector<1x16xf32>,
        %get3A_269 = vector.shape_cast %get3A_268 : vector<1x16xf32> to vector<16xf32>
        %add3A_270 = arith.addf %add3A_242, %get3A_269 : vector<16xf32>
        %add3A_271 = arith.constant 992 : i32
        %add3A_272 = arith.addi %scan3A_58, %add3A_271 : i32
        %get3A_273 = arith.index_cast %add3A_272 : i32 to index
        %get3A_274 = arith.constant 0 : index
        %get3A_275 = tpu.vector_load %arg6[%get3A_273, %get3A_274] {strides = array<i32>} : memref<1600x16xf32, #tpu.memory_space<vmem>>, vector<1x16xf32>,
        %get3A_276 = vector.shape_cast %get3A_275 : vector<1x16xf32> to vector<16xf32>
        %add3A_277 = arith.addf %add3A_249, %get3A_276 : vector<16xf32>
        %add3A_278 = arith.constant 1024 : i32
        %add3A_279 = arith.addi %scan3A_58, %add3A_278 : i32
        %get3A_280 = arith.index_cast %add3A_279 : i32 to index
        %get3A_281 = arith.constant 0 : index
        %get3A_282 = tpu.vector_load %arg6[%get3A_280, %get3A_281] {strides = array<i32>} : memref<1600x16xf32, #tpu.memory_space<vmem>>, vector<1x16xf32>,
        %get3A_283 = vector.shape_cast %get3A_282 : vector<1x16xf32> to vector<16xf32>
        %add3A_284 = arith.addf %add3A_256, %get3A_283 : vector<16xf32>
        %add3A_285 = arith.constant 1056 : i32
        %add3A_286 = arith.addi %scan3A_58, %add3A_285 : i32
        %get3A_287 = arith.index_cast %add3A_286 : i32 to index
        %get3A_288 = arith.constant 0 : index
        %get3A_289 = tpu.vector_load %arg6[%get3A_287, %get3A_288] {strides = array<i32>} : memref<1600x16xf32, #tpu.memory_space<vmem>>, vector<1x16xf32>,
        %get3A_290 = vector.shape_cast %get3A_289 : vector<1x16xf32> to vector<16xf32>
        %add3A_291 = arith.addf %add3A_263, %get3A_290 : vector<16xf32>
        %add3A_292 = arith.constant 1088 : i32
        %add3A_293 = arith.addi %scan3A_58, %add3A_292 : i32
        %get3A_294 = arith.index_cast %add3A_293 : i32 to index
        %get3A_295 = arith.constant 0 : index
        %get3A_296 = tpu.vector_load %arg6[%get3A_294, %get3A_295] {strides = array<i32>} : memref<1600x16xf32, #tpu.memory_space<vmem>>, vector<1x16xf32>,
        %get3A_297 = vector.shape_cast %get3A_296 : vector<1x16xf32> to vector<16xf32>
        %add3A_298 = arith.addf %add3A_270, %get3A_297 : vector<16xf32>
        %add3A_299 = arith.constant 1120 : i32
        %add3A_300 = arith.addi %scan3A_58, %add3A_299 : i32
        %get3A_301 = arith.index_cast %add3A_300 : i32 to index
        %get3A_302 = arith.constant 0 : index
        %get3A_303 = tpu.vector_load %arg6[%get3A_301, %get3A_302] {strides = array<i32>} : memref<1600x16xf32, #tpu.memory_space<vmem>>, vector<1x16xf32>,
        %get3A_304 = vector.shape_cast %get3A_303 : vector<1x16xf32> to vector<16xf32>
        %add3A_305 = arith.addf %add3A_277, %get3A_304 : vector<16xf32>
        %add3A_306 = arith.constant 1152 : i32
        %add3A_307 = arith.addi %scan3A_58, %add3A_306 : i32
        %get3A_308 = arith.index_cast %add3A_307 : i32 to index
        %get3A_309 = arith.constant 0 : index
        %get3A_310 = tpu.vector_load %arg6[%get3A_308, %get3A_309] {strides = array<i32>} : memref<1600x16xf32, #tpu.memory_space<vmem>>, vector<1x16xf32>,
        %get3A_311 = vector.shape_cast %get3A_310 : vector<1x16xf32> to vector<16xf32>
        %add3A_312 = arith.addf %add3A_284, %get3A_311 : vector<16xf32>
        %add3A_313 = arith.constant 1184 : i32
        %add3A_314 = arith.addi %scan3A_58, %add3A_313 : i32
        %get3A_315 = arith.index_cast %add3A_314 : i32 to index
        %get3A_316 = arith.constant 0 : index
        %get3A_317 = tpu.vector_load %arg6[%get3A_315, %get3A_316] {strides = array<i32>} : memref<1600x16xf32, #tpu.memory_space<vmem>>, vector<1x16xf32>,
        %get3A_318 = vector.shape_cast %get3A_317 : vector<1x16xf32> to vector<16xf32>
        %add3A_319 = arith.addf %add3A_291, %get3A_318 : vector<16xf32>
        %add3A_320 = arith.constant 1216 : i32
        %add3A_321 = arith.addi %scan3A_58, %add3A_320 : i32
        %get3A_322 = arith.index_cast %add3A_321 : i32 to index
        %get3A_323 = arith.constant 0 : index
        %get3A_324 = tpu.vector_load %arg6[%get3A_322, %get3A_323] {strides = array<i32>} : memref<1600x16xf32, #tpu.memory_space<vmem>>, vector<1x16xf32>,
        %get3A_325 = vector.shape_cast %get3A_324 : vector<1x16xf32> to vector<16xf32>
        %add3A_326 = arith.addf %add3A_298, %get3A_325 : vector<16xf32>
        %add3A_327 = arith.constant 1248 : i32
        %add3A_328 = arith.addi %scan3A_58, %add3A_327 : i32
        %get3A_329 = arith.index_cast %add3A_328 : i32 to index
        %get3A_330 = arith.constant 0 : index
        %get3A_331 = tpu.vector_load %arg6[%get3A_329, %get3A_330] {strides = array<i32>} : memref<1600x16xf32, #tpu.memory_space<vmem>>, vector<1x16xf32>,
        %get3A_332 = vector.shape_cast %get3A_331 : vector<1x16xf32> to vector<16xf32>
        %add3A_333 = arith.addf %add3A_305, %get3A_332 : vector<16xf32>
        %add3A_334 = arith.constant 1280 : i32
        %add3A_335 = arith.addi %scan3A_58, %add3A_334 : i32
        %get3A_336 = arith.index_cast %add3A_335 : i32 to index
        %get3A_337 = arith.constant 0 : index
        %get3A_338 = tpu.vector_load %arg6[%get3A_336, %get3A_337] {strides = array<i32>} : memref<1600x16xf32, #tpu.memory_space<vmem>>, vector<1x16xf32>,
        %get3A_339 = vector.shape_cast %get3A_338 : vector<1x16xf32> to vector<16xf32>
        %add3A_340 = arith.addf %add3A_312, %get3A_339 : vector<16xf32>
        %add3A_341 = arith.constant 1312 : i32
        %add3A_342 = arith.addi %scan3A_58, %add3A_341 : i32
        %get3A_343 = arith.index_cast %add3A_342 : i32 to index
        %get3A_344 = arith.constant 0 : index
        %get3A_345 = tpu.vector_load %arg6[%get3A_343, %get3A_344] {strides = array<i32>} : memref<1600x16xf32, #tpu.memory_space<vmem>>, vector<1x16xf32>,
        %get3A_346 = vector.shape_cast %get3A_345 : vector<1x16xf32> to vector<16xf32>
        %add3A_347 = arith.addf %add3A_319, %get3A_346 : vector<16xf32>
        %add3A_348 = arith.constant 1344 : i32
        %add3A_349 = arith.addi %scan3A_58, %add3A_348 : i32
        %get3A_350 = arith.index_cast %add3A_349 : i32 to index
        %get3A_351 = arith.constant 0 : index
        %get3A_352 = tpu.vector_load %arg6[%get3A_350, %get3A_351] {strides = array<i32>} : memref<1600x16xf32, #tpu.memory_space<vmem>>, vector<1x16xf32>,
        %get3A_353 = vector.shape_cast %get3A_352 : vector<1x16xf32> to vector<16xf32>
        %add3A_354 = arith.addf %add3A_326, %get3A_353 : vector<16xf32>
        %add3A_355 = arith.constant 1376 : i32
        %add3A_356 = arith.addi %scan3A_58, %add3A_355 : i32
        %get3A_357 = arith.index_cast %add3A_356 : i32 to index
        %get3A_358 = arith.constant 0 : index
        %get3A_359 = tpu.vector_load %arg6[%get3A_357, %get3A_358] {strides = array<i32>} : memref<1600x16xf32, #tpu.memory_space<vmem>>, vector<1x16xf32>,
        %get3A_360 = vector.shape_cast %get3A_359 : vector<1x16xf32> to vector<16xf32>
        %add3A_361 = arith.addf %add3A_333, %get3A_360 : vector<16xf32>
        %add3A_362 = arith.constant 1408 : i32
        %add3A_363 = arith.addi %scan3A_58, %add3A_362 : i32
        %get3A_364 = arith.index_cast %add3A_363 : i32 to index
        %get3A_365 = arith.constant 0 : index
        %get3A_366 = tpu.vector_load %arg6[%get3A_364, %get3A_365] {strides = array<i32>} : memref<1600x16xf32, #tpu.memory_space<vmem>>, vector<1x16xf32>,
        %get3A_367 = vector.shape_cast %get3A_366 : vector<1x16xf32> to vector<16xf32>
        %add3A_368 = arith.addf %add3A_340, %get3A_367 : vector<16xf32>
        %add3A_369 = arith.constant 1440 : i32
        %add3A_370 = arith.addi %scan3A_58, %add3A_369 : i32
        %get3A_371 = arith.index_cast %add3A_370 : i32 to index
        %get3A_372 = arith.constant 0 : index
        %get3A_373 = tpu.vector_load %arg6[%get3A_371, %get3A_372] {strides = array<i32>} : memref<1600x16xf32, #tpu.memory_space<vmem>>, vector<1x16xf32>,
        %get3A_374 = vector.shape_cast %get3A_373 : vector<1x16xf32> to vector<16xf32>
        %add3A_375 = arith.addf %add3A_347, %get3A_374 : vector<16xf32>
        %add3A_376 = arith.constant 1472 : i32
        %add3A_377 = arith.addi %scan3A_58, %add3A_376 : i32
        %get3A_378 = arith.index_cast %add3A_377 : i32 to index
        %get3A_379 = arith.constant 0 : index
        %get3A_380 = tpu.vector_load %arg6[%get3A_378, %get3A_379] {strides = array<i32>} : memref<1600x16xf32, #tpu.memory_space<vmem>>, vector<1x16xf32>,
        %get3A_381 = vector.shape_cast %get3A_380 : vector<1x16xf32> to vector<16xf32>
        %add3A_382 = arith.addf %add3A_354, %get3A_381 : vector<16xf32>
        %add3A_383 = arith.constant 1504 : i32
        %add3A_384 = arith.addi %scan3A_58, %add3A_383 : i32
        %get3A_385 = arith.index_cast %add3A_384 : i32 to index
        %get3A_386 = arith.constant 0 : index
        %get3A_387 = tpu.vector_load %arg6[%get3A_385, %get3A_386] {strides = array<i32>} : memref<1600x16xf32, #tpu.memory_space<vmem>>, vector<1x16xf32>,
        %get3A_388 = vector.shape_cast %get3A_387 : vector<1x16xf32> to vector<16xf32>
        %add3A_389 = arith.addf %add3A_361, %get3A_388 : vector<16xf32>
        %add3A_390 = arith.constant 1536 : i32
        %add3A_391 = arith.addi %scan3A_58, %add3A_390 : i32
        %get3A_392 = arith.index_cast %add3A_391 : i32 to index
        %get3A_393 = arith.constant 0 : index
        %get3A_394 = tpu.vector_load %arg6[%get3A_392, %get3A_393] {strides = array<i32>} : memref<1600x16xf32, #tpu.memory_space<vmem>>, vector<1x16xf32>,
        %get3A_395 = vector.shape_cast %get3A_394 : vector<1x16xf32> to vector<16xf32>
        %add3A_396 = arith.addf %add3A_368, %get3A_395 : vector<16xf32>
        %add3A_397 = arith.constant 1568 : i32
        %add3A_398 = arith.addi %scan3A_58, %add3A_397 : i32
        %get3A_399 = arith.index_cast %add3A_398 : i32 to index
        %get3A_400 = arith.constant 0 : index
        %get3A_401 = tpu.vector_load %arg6[%get3A_399, %get3A_400] {strides = array<i32>} : memref<1600x16xf32, #tpu.memory_space<vmem>>, vector<1x16xf32>,
        %get3A_402 = vector.shape_cast %get3A_401 : vector<1x16xf32> to vector<16xf32>
        %add3A_403 = arith.addf %add3A_375, %get3A_402 : vector<16xf32>
        %add3A_404 = arith.addf %add3A_396, %add3A_403 : vector<16xf32>
        %add3A_405 = arith.addf %add3A_382, %add3A_389 : vector<16xf32>
        %add3A_406 = arith.addf %add3A_404, %add3A_405 : vector<16xf32>
        %add3A_407 = arith.addi %mul3A_33, %scan3A_58 : i32
        %swap3A = arith.index_cast %add3A_407 : i32 to index
        %swap3A_408 = arith.constant 0 : index
        %swap3A_409 = tpu.vector_load %arg8[%swap3A, %swap3A_408] {strides = array<i32>} : memref<512x16xf32, #tpu.memory_space<vmem>>, vector<1x16xf32>,
        %swap3A_410 = vector.shape_cast %swap3A_409 : vector<1x16xf32> to vector<16xf32>
        %swap3A_411 = vector.shape_cast %add3A_406 : vector<16xf32> to vector<1x16xf32>
        tpu.vector_store %arg8[%swap3A, %swap3A_408], %swap3A_411 {strides = array<i32>} : memref<512x16xf32, #tpu.memory_space<vmem>>, vector<1x16xf32>,
      }
      %scan3A_39 = arith.constant 32 : i32
      %lt3A = arith.constant 7 : i32
      %lt3A_40 = arith.cmpi slt, %scan3A_14, %lt3A : i32
      %convert_element_type3A = arith.extui %lt3A_40 : i1 to i32
      %cond3A = arith.constant 0 : i32
      %cond3A_41 = arith.cmpi ne, %convert_element_type3A, %cond3A : i32
      scf.if %cond3A_41 {
        %add3A_58 = arith.constant 2 : i32
        %add3A_59 = arith.addi %mul3A_16, %add3A_58 : i32
        %mul3A_60 = arith.constant 32 : i32
        %mul3A_61 = arith.muli %add3A_59, %mul3A_60 : i32
        %scan3A_62 = arith.constant 0 : i32
        %scan3A_63 = arith.constant 0 : i32
        %scan3A_64 = arith.constant 50 : i32
        %scan3A_65 = arith.addi %scan3A_63, %scan3A_64 : i32
        %scan3A_66 = arith.constant 1 : i32
        scf.for %scan3A_68 = %scan3A_63 to %scan3A_65 step %scan3A_66  : i32 {
          %mul3A_69 = arith.constant 32 : i32
          %mul3A_70 = arith.muli %scan3A_68, %mul3A_69 : i32
          %dma_start3A = arith.constant 0 : i32
          %dma_start3A_71 = tpu.memref_slice %arg6[%mul3A_70, %dma_start3A] : memref<1600x16xf32, #tpu.memory_space<vmem>> -> memref<32x16xf32, #tpu.memory_space<vmem>>
          %dma_start3A_72 = tpu.memref_slice %arg5[%scan3A_68, %mul3A_61] : memref<50x512xi32, #tpu.memory_space<vmem>> -> memref<1x32xi32, #tpu.memory_space<vmem>>
          %dma_start3A_73 = tpu.memref_squeeze %dma_start3A_72 : memref<1x32xi32, #tpu.memory_space<vmem>> -> memref<32xi32, #tpu.memory_space<vmem>>
          %dma_start3A_74 = arith.constant 0 : i32
          %dma_start3A_75 = arith.constant 0 : i32
          %dma_start3A_76 = tpu.memref_slice %arg3[%dma_start3A_74, %dma_start3A_75] : memref<102400x16xf32, #tpu.memory_space<hbm>> -> memref<102400x16xf32, #tpu.memory_space<hbm>>
          tpu.enqueue_indirect_dma source(%dma_start3A_76 : memref<102400x16xf32, #tpu.memory_space<hbm>>) target(%dma_start3A_71 : memref<32x16xf32, #tpu.memory_space<vmem>>) offsets(%dma_start3A_73 : memref<32xi32, #tpu.memory_space<vmem>>) semaphore(%arg9 : memref<!tpu.dma_semaphore, #tpu.memory_space<semaphore_mem>>)
        }
        %scan3A_67 = arith.constant 50 : i32
      } else {
      }
      %dma_wait3A_42 = arith.constant 0 : i32
      %dma_wait3A_43 = arith.constant 0 : i32
      %dma_wait3A_44 = tpu.memref_slice %arg3[%dma_wait3A_42, %dma_wait3A_43] : memref<102400x16xf32, #tpu.memory_space<hbm>> -> memref<1600x16xf32, #tpu.memory_space<hbm>>
      %dma_wait3A_45 = arith.constant 0 : i32
      %dma_wait3A_46 = arith.constant 0 : i32
      %dma_wait3A_47 = tpu.memref_slice %arg3[%dma_wait3A_45, %dma_wait3A_46] : memref<102400x16xf32, #tpu.memory_space<hbm>> -> memref<1600x16xf32, #tpu.memory_space<hbm>>
      tpu.wait_dma2 semaphore(%arg10 : memref<!tpu.dma_semaphore, #tpu.memory_space<semaphore_mem>>) src(%dma_wait3A_47 : memref<1600x16xf32, #tpu.memory_space<hbm>>) dst(%arg7 : memref<1600x16xf32, #tpu.memory_space<vmem>>)
      %add3A_48 = arith.constant 1 : i32
      %add3A_49 = arith.addi %mul3A_16, %add3A_48 : i32
      %mul3A_50 = arith.constant 32 : i32
      %mul3A_51 = arith.muli %add3A_49, %mul3A_50 : i32
      %scan3A_52 = arith.constant 0 : i32
      %scan3A_53 = arith.constant 0 : i32
      %scan3A_54 = arith.constant 32 : i32
      %scan3A_55 = arith.addi %scan3A_53, %scan3A_54 : i32
      %scan3A_56 = arith.constant 1 : i32
      scf.for %scan3A_58 = %scan3A_53 to %scan3A_55 step %scan3A_56  : i32 {
        %add3A_59 = arith.constant 0 : i32
        %add3A_60 = arith.addi %scan3A_58, %add3A_59 : i32
        %get3A = arith.index_cast %add3A_60 : i32 to index
        %get3A_61 = arith.constant 0 : index
        %get3A_62 = tpu.vector_load %arg7[%get3A, %get3A_61] {strides = array<i32>} : memref<1600x16xf32, #tpu.memory_space<vmem>>, vector<1x16xf32>,
        %get3A_63 = vector.shape_cast %get3A_62 : vector<1x16xf32> to vector<16xf32>
        %add3A_64 = arith.constant 32 : i32
        %add3A_65 = arith.addi %scan3A_58, %add3A_64 : i32
        %get3A_66 = arith.index_cast %add3A_65 : i32 to index
        %get3A_67 = arith.constant 0 : index
        %get3A_68 = tpu.vector_load %arg7[%get3A_66, %get3A_67] {strides = array<i32>} : memref<1600x16xf32, #tpu.memory_space<vmem>>, vector<1x16xf32>,
        %get3A_69 = vector.shape_cast %get3A_68 : vector<1x16xf32> to vector<16xf32>
        %add3A_70 = arith.constant 64 : i32
        %add3A_71 = arith.addi %scan3A_58, %add3A_70 : i32
        %get3A_72 = arith.index_cast %add3A_71 : i32 to index
        %get3A_73 = arith.constant 0 : index
        %get3A_74 = tpu.vector_load %arg7[%get3A_72, %get3A_73] {strides = array<i32>} : memref<1600x16xf32, #tpu.memory_space<vmem>>, vector<1x16xf32>,
        %get3A_75 = vector.shape_cast %get3A_74 : vector<1x16xf32> to vector<16xf32>
        %add3A_76 = arith.constant 96 : i32
        %add3A_77 = arith.addi %scan3A_58, %add3A_76 : i32
        %get3A_78 = arith.index_cast %add3A_77 : i32 to index
        %get3A_79 = arith.constant 0 : index
        %get3A_80 = tpu.vector_load %arg7[%get3A_78, %get3A_79] {strides = array<i32>} : memref<1600x16xf32, #tpu.memory_space<vmem>>, vector<1x16xf32>,
        %get3A_81 = vector.shape_cast %get3A_80 : vector<1x16xf32> to vector<16xf32>
        %add3A_82 = arith.constant 128 : i32
        %add3A_83 = arith.addi %scan3A_58, %add3A_82 : i32
        %get3A_84 = arith.index_cast %add3A_83 : i32 to index
        %get3A_85 = arith.constant 0 : index
        %get3A_86 = tpu.vector_load %arg7[%get3A_84, %get3A_85] {strides = array<i32>} : memref<1600x16xf32, #tpu.memory_space<vmem>>, vector<1x16xf32>,
        %get3A_87 = vector.shape_cast %get3A_86 : vector<1x16xf32> to vector<16xf32>
        %add3A_88 = arith.addf %get3A_63, %get3A_87 : vector<16xf32>
        %add3A_89 = arith.constant 160 : i32
        %add3A_90 = arith.addi %scan3A_58, %add3A_89 : i32
        %get3A_91 = arith.index_cast %add3A_90 : i32 to index
        %get3A_92 = arith.constant 0 : index
        %get3A_93 = tpu.vector_load %arg7[%get3A_91, %get3A_92] {strides = array<i32>} : memref<1600x16xf32, #tpu.memory_space<vmem>>, vector<1x16xf32>,
        %get3A_94 = vector.shape_cast %get3A_93 : vector<1x16xf32> to vector<16xf32>
        %add3A_95 = arith.addf %get3A_69, %get3A_94 : vector<16xf32>
        %add3A_96 = arith.constant 192 : i32
        %add3A_97 = arith.addi %scan3A_58, %add3A_96 : i32
        %get3A_98 = arith.index_cast %add3A_97 : i32 to index
        %get3A_99 = arith.constant 0 : index
        %get3A_100 = tpu.vector_load %arg7[%get3A_98, %get3A_99] {strides = array<i32>} : memref<1600x16xf32, #tpu.memory_space<vmem>>, vector<1x16xf32>,
        %get3A_101 = vector.shape_cast %get3A_100 : vector<1x16xf32> to vector<16xf32>
        %add3A_102 = arith.addf %get3A_75, %get3A_101 : vector<16xf32>
        %add3A_103 = arith.constant 224 : i32
        %add3A_104 = arith.addi %scan3A_58, %add3A_103 : i32
        %get3A_105 = arith.index_cast %add3A_104 : i32 to index
        %get3A_106 = arith.constant 0 : index
        %get3A_107 = tpu.vector_load %arg7[%get3A_105, %get3A_106] {strides = array<i32>} : memref<1600x16xf32, #tpu.memory_space<vmem>>, vector<1x16xf32>,
        %get3A_108 = vector.shape_cast %get3A_107 : vector<1x16xf32> to vector<16xf32>
        %add3A_109 = arith.addf %get3A_81, %get3A_108 : vector<16xf32>
        %add3A_110 = arith.constant 256 : i32
        %add3A_111 = arith.addi %scan3A_58, %add3A_110 : i32
        %get3A_112 = arith.index_cast %add3A_111 : i32 to index
        %get3A_113 = arith.constant 0 : index
        %get3A_114 = tpu.vector_load %arg7[%get3A_112, %get3A_113] {strides = array<i32>} : memref<1600x16xf32, #tpu.memory_space<vmem>>, vector<1x16xf32>,
        %get3A_115 = vector.shape_cast %get3A_114 : vector<1x16xf32> to vector<16xf32>
        %add3A_116 = arith.addf %add3A_88, %get3A_115 : vector<16xf32>
        %add3A_117 = arith.constant 288 : i32
        %add3A_118 = arith.addi %scan3A_58, %add3A_117 : i32
        %get3A_119 = arith.index_cast %add3A_118 : i32 to index
        %get3A_120 = arith.constant 0 : index
        %get3A_121 = tpu.vector_load %arg7[%get3A_119, %get3A_120] {strides = array<i32>} : memref<1600x16xf32, #tpu.memory_space<vmem>>, vector<1x16xf32>,
        %get3A_122 = vector.shape_cast %get3A_121 : vector<1x16xf32> to vector<16xf32>
        %add3A_123 = arith.addf %add3A_95, %get3A_122 : vector<16xf32>
        %add3A_124 = arith.constant 320 : i32
        %add3A_125 = arith.addi %scan3A_58, %add3A_124 : i32
        %get3A_126 = arith.index_cast %add3A_125 : i32 to index
        %get3A_127 = arith.constant 0 : index
        %get3A_128 = tpu.vector_load %arg7[%get3A_126, %get3A_127] {strides = array<i32>} : memref<1600x16xf32, #tpu.memory_space<vmem>>, vector<1x16xf32>,
        %get3A_129 = vector.shape_cast %get3A_128 : vector<1x16xf32> to vector<16xf32>
        %add3A_130 = arith.addf %add3A_102, %get3A_129 : vector<16xf32>
        %add3A_131 = arith.constant 352 : i32
        %add3A_132 = arith.addi %scan3A_58, %add3A_131 : i32
        %get3A_133 = arith.index_cast %add3A_132 : i32 to index
        %get3A_134 = arith.constant 0 : index
        %get3A_135 = tpu.vector_load %arg7[%get3A_133, %get3A_134] {strides = array<i32>} : memref<1600x16xf32, #tpu.memory_space<vmem>>, vector<1x16xf32>,
        %get3A_136 = vector.shape_cast %get3A_135 : vector<1x16xf32> to vector<16xf32>
        %add3A_137 = arith.addf %add3A_109, %get3A_136 : vector<16xf32>
        %add3A_138 = arith.constant 384 : i32
        %add3A_139 = arith.addi %scan3A_58, %add3A_138 : i32
        %get3A_140 = arith.index_cast %add3A_139 : i32 to index
        %get3A_141 = arith.constant 0 : index
        %get3A_142 = tpu.vector_load %arg7[%get3A_140, %get3A_141] {strides = array<i32>} : memref<1600x16xf32, #tpu.memory_space<vmem>>, vector<1x16xf32>,
        %get3A_143 = vector.shape_cast %get3A_142 : vector<1x16xf32> to vector<16xf32>
        %add3A_144 = arith.addf %add3A_116, %get3A_143 : vector<16xf32>
        %add3A_145 = arith.constant 416 : i32
        %add3A_146 = arith.addi %scan3A_58, %add3A_145 : i32
        %get3A_147 = arith.index_cast %add3A_146 : i32 to index
        %get3A_148 = arith.constant 0 : index
        %get3A_149 = tpu.vector_load %arg7[%get3A_147, %get3A_148] {strides = array<i32>} : memref<1600x16xf32, #tpu.memory_space<vmem>>, vector<1x16xf32>,
        %get3A_150 = vector.shape_cast %get3A_149 : vector<1x16xf32> to vector<16xf32>
        %add3A_151 = arith.addf %add3A_123, %get3A_150 : vector<16xf32>
        %add3A_152 = arith.constant 448 : i32
        %add3A_153 = arith.addi %scan3A_58, %add3A_152 : i32
        %get3A_154 = arith.index_cast %add3A_153 : i32 to index
        %get3A_155 = arith.constant 0 : index
        %get3A_156 = tpu.vector_load %arg7[%get3A_154, %get3A_155] {strides = array<i32>} : memref<1600x16xf32, #tpu.memory_space<vmem>>, vector<1x16xf32>,
        %get3A_157 = vector.shape_cast %get3A_156 : vector<1x16xf32> to vector<16xf32>
        %add3A_158 = arith.addf %add3A_130, %get3A_157 : vector<16xf32>
        %add3A_159 = arith.constant 480 : i32
        %add3A_160 = arith.addi %scan3A_58, %add3A_159 : i32
        %get3A_161 = arith.index_cast %add3A_160 : i32 to index
        %get3A_162 = arith.constant 0 : index
        %get3A_163 = tpu.vector_load %arg7[%get3A_161, %get3A_162] {strides = array<i32>} : memref<1600x16xf32, #tpu.memory_space<vmem>>, vector<1x16xf32>,
        %get3A_164 = vector.shape_cast %get3A_163 : vector<1x16xf32> to vector<16xf32>
        %add3A_165 = arith.addf %add3A_137, %get3A_164 : vector<16xf32>
        %add3A_166 = arith.constant 512 : i32
        %add3A_167 = arith.addi %scan3A_58, %add3A_166 : i32
        %get3A_168 = arith.index_cast %add3A_167 : i32 to index
        %get3A_169 = arith.constant 0 : index
        %get3A_170 = tpu.vector_load %arg7[%get3A_168, %get3A_169] {strides = array<i32>} : memref<1600x16xf32, #tpu.memory_space<vmem>>, vector<1x16xf32>,
        %get3A_171 = vector.shape_cast %get3A_170 : vector<1x16xf32> to vector<16xf32>
        %add3A_172 = arith.addf %add3A_144, %get3A_171 : vector<16xf32>
        %add3A_173 = arith.constant 544 : i32
        %add3A_174 = arith.addi %scan3A_58, %add3A_173 : i32
        %get3A_175 = arith.index_cast %add3A_174 : i32 to index
        %get3A_176 = arith.constant 0 : index
        %get3A_177 = tpu.vector_load %arg7[%get3A_175, %get3A_176] {strides = array<i32>} : memref<1600x16xf32, #tpu.memory_space<vmem>>, vector<1x16xf32>,
        %get3A_178 = vector.shape_cast %get3A_177 : vector<1x16xf32> to vector<16xf32>
        %add3A_179 = arith.addf %add3A_151, %get3A_178 : vector<16xf32>
        %add3A_180 = arith.constant 576 : i32
        %add3A_181 = arith.addi %scan3A_58, %add3A_180 : i32
        %get3A_182 = arith.index_cast %add3A_181 : i32 to index
        %get3A_183 = arith.constant 0 : index
        %get3A_184 = tpu.vector_load %arg7[%get3A_182, %get3A_183] {strides = array<i32>} : memref<1600x16xf32, #tpu.memory_space<vmem>>, vector<1x16xf32>,
        %get3A_185 = vector.shape_cast %get3A_184 : vector<1x16xf32> to vector<16xf32>
        %add3A_186 = arith.addf %add3A_158, %get3A_185 : vector<16xf32>
        %add3A_187 = arith.constant 608 : i32
        %add3A_188 = arith.addi %scan3A_58, %add3A_187 : i32
        %get3A_189 = arith.index_cast %add3A_188 : i32 to index
        %get3A_190 = arith.constant 0 : index
        %get3A_191 = tpu.vector_load %arg7[%get3A_189, %get3A_190] {strides = array<i32>} : memref<1600x16xf32, #tpu.memory_space<vmem>>, vector<1x16xf32>,
        %get3A_192 = vector.shape_cast %get3A_191 : vector<1x16xf32> to vector<16xf32>
        %add3A_193 = arith.addf %add3A_165, %get3A_192 : vector<16xf32>
        %add3A_194 = arith.constant 640 : i32
        %add3A_195 = arith.addi %scan3A_58, %add3A_194 : i32
        %get3A_196 = arith.index_cast %add3A_195 : i32 to index
        %get3A_197 = arith.constant 0 : index
        %get3A_198 = tpu.vector_load %arg7[%get3A_196, %get3A_197] {strides = array<i32>} : memref<1600x16xf32, #tpu.memory_space<vmem>>, vector<1x16xf32>,
        %get3A_199 = vector.shape_cast %get3A_198 : vector<1x16xf32> to vector<16xf32>
        %add3A_200 = arith.addf %add3A_172, %get3A_199 : vector<16xf32>
        %add3A_201 = arith.constant 672 : i32
        %add3A_202 = arith.addi %scan3A_58, %add3A_201 : i32
        %get3A_203 = arith.index_cast %add3A_202 : i32 to index
        %get3A_204 = arith.constant 0 : index
        %get3A_205 = tpu.vector_load %arg7[%get3A_203, %get3A_204] {strides = array<i32>} : memref<1600x16xf32, #tpu.memory_space<vmem>>, vector<1x16xf32>,
        %get3A_206 = vector.shape_cast %get3A_205 : vector<1x16xf32> to vector<16xf32>
        %add3A_207 = arith.addf %add3A_179, %get3A_206 : vector<16xf32>
        %add3A_208 = arith.constant 704 : i32
        %add3A_209 = arith.addi %scan3A_58, %add3A_208 : i32
        %get3A_210 = arith.index_cast %add3A_209 : i32 to index
        %get3A_211 = arith.constant 0 : index
        %get3A_212 = tpu.vector_load %arg7[%get3A_210, %get3A_211] {strides = array<i32>} : memref<1600x16xf32, #tpu.memory_space<vmem>>, vector<1x16xf32>,
        %get3A_213 = vector.shape_cast %get3A_212 : vector<1x16xf32> to vector<16xf32>
        %add3A_214 = arith.addf %add3A_186, %get3A_213 : vector<16xf32>
        %add3A_215 = arith.constant 736 : i32
        %add3A_216 = arith.addi %scan3A_58, %add3A_215 : i32
        %get3A_217 = arith.index_cast %add3A_216 : i32 to index
        %get3A_218 = arith.constant 0 : index
        %get3A_219 = tpu.vector_load %arg7[%get3A_217, %get3A_218] {strides = array<i32>} : memref<1600x16xf32, #tpu.memory_space<vmem>>, vector<1x16xf32>,
        %get3A_220 = vector.shape_cast %get3A_219 : vector<1x16xf32> to vector<16xf32>
        %add3A_221 = arith.addf %add3A_193, %get3A_220 : vector<16xf32>
        %add3A_222 = arith.constant 768 : i32
        %add3A_223 = arith.addi %scan3A_58, %add3A_222 : i32
        %get3A_224 = arith.index_cast %add3A_223 : i32 to index
        %get3A_225 = arith.constant 0 : index
        %get3A_226 = tpu.vector_load %arg7[%get3A_224, %get3A_225] {strides = array<i32>} : memref<1600x16xf32, #tpu.memory_space<vmem>>, vector<1x16xf32>,
        %get3A_227 = vector.shape_cast %get3A_226 : vector<1x16xf32> to vector<16xf32>
        %add3A_228 = arith.addf %add3A_200, %get3A_227 : vector<16xf32>
        %add3A_229 = arith.constant 800 : i32
        %add3A_230 = arith.addi %scan3A_58, %add3A_229 : i32
        %get3A_231 = arith.index_cast %add3A_230 : i32 to index
        %get3A_232 = arith.constant 0 : index
        %get3A_233 = tpu.vector_load %arg7[%get3A_231, %get3A_232] {strides = array<i32>} : memref<1600x16xf32, #tpu.memory_space<vmem>>, vector<1x16xf32>,
        %get3A_234 = vector.shape_cast %get3A_233 : vector<1x16xf32> to vector<16xf32>
        %add3A_235 = arith.addf %add3A_207, %get3A_234 : vector<16xf32>
        %add3A_236 = arith.constant 832 : i32
        %add3A_237 = arith.addi %scan3A_58, %add3A_236 : i32
        %get3A_238 = arith.index_cast %add3A_237 : i32 to index
        %get3A_239 = arith.constant 0 : index
        %get3A_240 = tpu.vector_load %arg7[%get3A_238, %get3A_239] {strides = array<i32>} : memref<1600x16xf32, #tpu.memory_space<vmem>>, vector<1x16xf32>,
        %get3A_241 = vector.shape_cast %get3A_240 : vector<1x16xf32> to vector<16xf32>
        %add3A_242 = arith.addf %add3A_214, %get3A_241 : vector<16xf32>
        %add3A_243 = arith.constant 864 : i32
        %add3A_244 = arith.addi %scan3A_58, %add3A_243 : i32
        %get3A_245 = arith.index_cast %add3A_244 : i32 to index
        %get3A_246 = arith.constant 0 : index
        %get3A_247 = tpu.vector_load %arg7[%get3A_245, %get3A_246] {strides = array<i32>} : memref<1600x16xf32, #tpu.memory_space<vmem>>, vector<1x16xf32>,
        %get3A_248 = vector.shape_cast %get3A_247 : vector<1x16xf32> to vector<16xf32>
        %add3A_249 = arith.addf %add3A_221, %get3A_248 : vector<16xf32>
        %add3A_250 = arith.constant 896 : i32
        %add3A_251 = arith.addi %scan3A_58, %add3A_250 : i32
        %get3A_252 = arith.index_cast %add3A_251 : i32 to index
        %get3A_253 = arith.constant 0 : index
        %get3A_254 = tpu.vector_load %arg7[%get3A_252, %get3A_253] {strides = array<i32>} : memref<1600x16xf32, #tpu.memory_space<vmem>>, vector<1x16xf32>,
        %get3A_255 = vector.shape_cast %get3A_254 : vector<1x16xf32> to vector<16xf32>
        %add3A_256 = arith.addf %add3A_228, %get3A_255 : vector<16xf32>
        %add3A_257 = arith.constant 928 : i32
        %add3A_258 = arith.addi %scan3A_58, %add3A_257 : i32
        %get3A_259 = arith.index_cast %add3A_258 : i32 to index
        %get3A_260 = arith.constant 0 : index
        %get3A_261 = tpu.vector_load %arg7[%get3A_259, %get3A_260] {strides = array<i32>} : memref<1600x16xf32, #tpu.memory_space<vmem>>, vector<1x16xf32>,
        %get3A_262 = vector.shape_cast %get3A_261 : vector<1x16xf32> to vector<16xf32>
        %add3A_263 = arith.addf %add3A_235, %get3A_262 : vector<16xf32>
        %add3A_264 = arith.constant 960 : i32
        %add3A_265 = arith.addi %scan3A_58, %add3A_264 : i32
        %get3A_266 = arith.index_cast %add3A_265 : i32 to index
        %get3A_267 = arith.constant 0 : index
        %get3A_268 = tpu.vector_load %arg7[%get3A_266, %get3A_267] {strides = array<i32>} : memref<1600x16xf32, #tpu.memory_space<vmem>>, vector<1x16xf32>,
        %get3A_269 = vector.shape_cast %get3A_268 : vector<1x16xf32> to vector<16xf32>
        %add3A_270 = arith.addf %add3A_242, %get3A_269 : vector<16xf32>
        %add3A_271 = arith.constant 992 : i32
        %add3A_272 = arith.addi %scan3A_58, %add3A_271 : i32
        %get3A_273 = arith.index_cast %add3A_272 : i32 to index
        %get3A_274 = arith.constant 0 : index
        %get3A_275 = tpu.vector_load %arg7[%get3A_273, %get3A_274] {strides = array<i32>} : memref<1600x16xf32, #tpu.memory_space<vmem>>, vector<1x16xf32>,
        %get3A_276 = vector.shape_cast %get3A_275 : vector<1x16xf32> to vector<16xf32>
        %add3A_277 = arith.addf %add3A_249, %get3A_276 : vector<16xf32>
        %add3A_278 = arith.constant 1024 : i32
        %add3A_279 = arith.addi %scan3A_58, %add3A_278 : i32
        %get3A_280 = arith.index_cast %add3A_279 : i32 to index
        %get3A_281 = arith.constant 0 : index
        %get3A_282 = tpu.vector_load %arg7[%get3A_280, %get3A_281] {strides = array<i32>} : memref<1600x16xf32, #tpu.memory_space<vmem>>, vector<1x16xf32>,
        %get3A_283 = vector.shape_cast %get3A_282 : vector<1x16xf32> to vector<16xf32>
        %add3A_284 = arith.addf %add3A_256, %get3A_283 : vector<16xf32>
        %add3A_285 = arith.constant 1056 : i32
        %add3A_286 = arith.addi %scan3A_58, %add3A_285 : i32
        %get3A_287 = arith.index_cast %add3A_286 : i32 to index
        %get3A_288 = arith.constant 0 : index
        %get3A_289 = tpu.vector_load %arg7[%get3A_287, %get3A_288] {strides = array<i32>} : memref<1600x16xf32, #tpu.memory_space<vmem>>, vector<1x16xf32>,
        %get3A_290 = vector.shape_cast %get3A_289 : vector<1x16xf32> to vector<16xf32>
        %add3A_291 = arith.addf %add3A_263, %get3A_290 : vector<16xf32>
        %add3A_292 = arith.constant 1088 : i32
        %add3A_293 = arith.addi %scan3A_58, %add3A_292 : i32
        %get3A_294 = arith.index_cast %add3A_293 : i32 to index
        %get3A_295 = arith.constant 0 : index
        %get3A_296 = tpu.vector_load %arg7[%get3A_294, %get3A_295] {strides = array<i32>} : memref<1600x16xf32, #tpu.memory_space<vmem>>, vector<1x16xf32>,
        %get3A_297 = vector.shape_cast %get3A_296 : vector<1x16xf32> to vector<16xf32>
        %add3A_298 = arith.addf %add3A_270, %get3A_297 : vector<16xf32>
        %add3A_299 = arith.constant 1120 : i32
        %add3A_300 = arith.addi %scan3A_58, %add3A_299 : i32
        %get3A_301 = arith.index_cast %add3A_300 : i32 to index
        %get3A_302 = arith.constant 0 : index
        %get3A_303 = tpu.vector_load %arg7[%get3A_301, %get3A_302] {strides = array<i32>} : memref<1600x16xf32, #tpu.memory_space<vmem>>, vector<1x16xf32>,
        %get3A_304 = vector.shape_cast %get3A_303 : vector<1x16xf32> to vector<16xf32>
        %add3A_305 = arith.addf %add3A_277, %get3A_304 : vector<16xf32>
        %add3A_306 = arith.constant 1152 : i32
        %add3A_307 = arith.addi %scan3A_58, %add3A_306 : i32
        %get3A_308 = arith.index_cast %add3A_307 : i32 to index
        %get3A_309 = arith.constant 0 : index
        %get3A_310 = tpu.vector_load %arg7[%get3A_308, %get3A_309] {strides = array<i32>} : memref<1600x16xf32, #tpu.memory_space<vmem>>, vector<1x16xf32>,
        %get3A_311 = vector.shape_cast %get3A_310 : vector<1x16xf32> to vector<16xf32>
        %add3A_312 = arith.addf %add3A_284, %get3A_311 : vector<16xf32>
        %add3A_313 = arith.constant 1184 : i32
        %add3A_314 = arith.addi %scan3A_58, %add3A_313 : i32
        %get3A_315 = arith.index_cast %add3A_314 : i32 to index
        %get3A_316 = arith.constant 0 : index
        %get3A_317 = tpu.vector_load %arg7[%get3A_315, %get3A_316] {strides = array<i32>} : memref<1600x16xf32, #tpu.memory_space<vmem>>, vector<1x16xf32>,
        %get3A_318 = vector.shape_cast %get3A_317 : vector<1x16xf32> to vector<16xf32>
        %add3A_319 = arith.addf %add3A_291, %get3A_318 : vector<16xf32>
        %add3A_320 = arith.constant 1216 : i32
        %add3A_321 = arith.addi %scan3A_58, %add3A_320 : i32
        %get3A_322 = arith.index_cast %add3A_321 : i32 to index
        %get3A_323 = arith.constant 0 : index
        %get3A_324 = tpu.vector_load %arg7[%get3A_322, %get3A_323] {strides = array<i32>} : memref<1600x16xf32, #tpu.memory_space<vmem>>, vector<1x16xf32>,
        %get3A_325 = vector.shape_cast %get3A_324 : vector<1x16xf32> to vector<16xf32>
        %add3A_326 = arith.addf %add3A_298, %get3A_325 : vector<16xf32>
        %add3A_327 = arith.constant 1248 : i32
        %add3A_328 = arith.addi %scan3A_58, %add3A_327 : i32
        %get3A_329 = arith.index_cast %add3A_328 : i32 to index
        %get3A_330 = arith.constant 0 : index
        %get3A_331 = tpu.vector_load %arg7[%get3A_329, %get3A_330] {strides = array<i32>} : memref<1600x16xf32, #tpu.memory_space<vmem>>, vector<1x16xf32>,
        %get3A_332 = vector.shape_cast %get3A_331 : vector<1x16xf32> to vector<16xf32>
        %add3A_333 = arith.addf %add3A_305, %get3A_332 : vector<16xf32>
        %add3A_334 = arith.constant 1280 : i32
        %add3A_335 = arith.addi %scan3A_58, %add3A_334 : i32
        %get3A_336 = arith.index_cast %add3A_335 : i32 to index
        %get3A_337 = arith.constant 0 : index
        %get3A_338 = tpu.vector_load %arg7[%get3A_336, %get3A_337] {strides = array<i32>} : memref<1600x16xf32, #tpu.memory_space<vmem>>, vector<1x16xf32>,
        %get3A_339 = vector.shape_cast %get3A_338 : vector<1x16xf32> to vector<16xf32>
        %add3A_340 = arith.addf %add3A_312, %get3A_339 : vector<16xf32>
        %add3A_341 = arith.constant 1312 : i32
        %add3A_342 = arith.addi %scan3A_58, %add3A_341 : i32
        %get3A_343 = arith.index_cast %add3A_342 : i32 to index
        %get3A_344 = arith.constant 0 : index
        %get3A_345 = tpu.vector_load %arg7[%get3A_343, %get3A_344] {strides = array<i32>} : memref<1600x16xf32, #tpu.memory_space<vmem>>, vector<1x16xf32>,
        %get3A_346 = vector.shape_cast %get3A_345 : vector<1x16xf32> to vector<16xf32>
        %add3A_347 = arith.addf %add3A_319, %get3A_346 : vector<16xf32>
        %add3A_348 = arith.constant 1344 : i32
        %add3A_349 = arith.addi %scan3A_58, %add3A_348 : i32
        %get3A_350 = arith.index_cast %add3A_349 : i32 to index
        %get3A_351 = arith.constant 0 : index
        %get3A_352 = tpu.vector_load %arg7[%get3A_350, %get3A_351] {strides = array<i32>} : memref<1600x16xf32, #tpu.memory_space<vmem>>, vector<1x16xf32>,
        %get3A_353 = vector.shape_cast %get3A_352 : vector<1x16xf32> to vector<16xf32>
        %add3A_354 = arith.addf %add3A_326, %get3A_353 : vector<16xf32>
        %add3A_355 = arith.constant 1376 : i32
        %add3A_356 = arith.addi %scan3A_58, %add3A_355 : i32
        %get3A_357 = arith.index_cast %add3A_356 : i32 to index
        %get3A_358 = arith.constant 0 : index
        %get3A_359 = tpu.vector_load %arg7[%get3A_357, %get3A_358] {strides = array<i32>} : memref<1600x16xf32, #tpu.memory_space<vmem>>, vector<1x16xf32>,
        %get3A_360 = vector.shape_cast %get3A_359 : vector<1x16xf32> to vector<16xf32>
        %add3A_361 = arith.addf %add3A_333, %get3A_360 : vector<16xf32>
        %add3A_362 = arith.constant 1408 : i32
        %add3A_363 = arith.addi %scan3A_58, %add3A_362 : i32
        %get3A_364 = arith.index_cast %add3A_363 : i32 to index
        %get3A_365 = arith.constant 0 : index
        %get3A_366 = tpu.vector_load %arg7[%get3A_364, %get3A_365] {strides = array<i32>} : memref<1600x16xf32, #tpu.memory_space<vmem>>, vector<1x16xf32>,
        %get3A_367 = vector.shape_cast %get3A_366 : vector<1x16xf32> to vector<16xf32>
        %add3A_368 = arith.addf %add3A_340, %get3A_367 : vector<16xf32>
        %add3A_369 = arith.constant 1440 : i32
        %add3A_370 = arith.addi %scan3A_58, %add3A_369 : i32
        %get3A_371 = arith.index_cast %add3A_370 : i32 to index
        %get3A_372 = arith.constant 0 : index
        %get3A_373 = tpu.vector_load %arg7[%get3A_371, %get3A_372] {strides = array<i32>} : memref<1600x16xf32, #tpu.memory_space<vmem>>, vector<1x16xf32>,
        %get3A_374 = vector.shape_cast %get3A_373 : vector<1x16xf32> to vector<16xf32>
        %add3A_375 = arith.addf %add3A_347, %get3A_374 : vector<16xf32>
        %add3A_376 = arith.constant 1472 : i32
        %add3A_377 = arith.addi %scan3A_58, %add3A_376 : i32
        %get3A_378 = arith.index_cast %add3A_377 : i32 to index
        %get3A_379 = arith.constant 0 : index
        %get3A_380 = tpu.vector_load %arg7[%get3A_378, %get3A_379] {strides = array<i32>} : memref<1600x16xf32, #tpu.memory_space<vmem>>, vector<1x16xf32>,
        %get3A_381 = vector.shape_cast %get3A_380 : vector<1x16xf32> to vector<16xf32>
        %add3A_382 = arith.addf %add3A_354, %get3A_381 : vector<16xf32>
        %add3A_383 = arith.constant 1504 : i32
        %add3A_384 = arith.addi %scan3A_58, %add3A_383 : i32
        %get3A_385 = arith.index_cast %add3A_384 : i32 to index
        %get3A_386 = arith.constant 0 : index
        %get3A_387 = tpu.vector_load %arg7[%get3A_385, %get3A_386] {strides = array<i32>} : memref<1600x16xf32, #tpu.memory_space<vmem>>, vector<1x16xf32>,
        %get3A_388 = vector.shape_cast %get3A_387 : vector<1x16xf32> to vector<16xf32>
        %add3A_389 = arith.addf %add3A_361, %get3A_388 : vector<16xf32>
        %add3A_390 = arith.constant 1536 : i32
        %add3A_391 = arith.addi %scan3A_58, %add3A_390 : i32
        %get3A_392 = arith.index_cast %add3A_391 : i32 to index
        %get3A_393 = arith.constant 0 : index
        %get3A_394 = tpu.vector_load %arg7[%get3A_392, %get3A_393] {strides = array<i32>} : memref<1600x16xf32, #tpu.memory_space<vmem>>, vector<1x16xf32>,
        %get3A_395 = vector.shape_cast %get3A_394 : vector<1x16xf32> to vector<16xf32>
        %add3A_396 = arith.addf %add3A_368, %get3A_395 : vector<16xf32>
        %add3A_397 = arith.constant 1568 : i32
        %add3A_398 = arith.addi %scan3A_58, %add3A_397 : i32
        %get3A_399 = arith.index_cast %add3A_398 : i32 to index
        %get3A_400 = arith.constant 0 : index
        %get3A_401 = tpu.vector_load %arg7[%get3A_399, %get3A_400] {strides = array<i32>} : memref<1600x16xf32, #tpu.memory_space<vmem>>, vector<1x16xf32>,
        %get3A_402 = vector.shape_cast %get3A_401 : vector<1x16xf32> to vector<16xf32>
        %add3A_403 = arith.addf %add3A_375, %get3A_402 : vector<16xf32>
        %add3A_404 = arith.addf %add3A_396, %add3A_403 : vector<16xf32>
        %add3A_405 = arith.addf %add3A_382, %add3A_389 : vector<16xf32>
        %add3A_406 = arith.addf %add3A_404, %add3A_405 : vector<16xf32>
        %add3A_407 = arith.addi %mul3A_51, %scan3A_58 : i32
        %swap3A = arith.index_cast %add3A_407 : i32 to index
        %swap3A_408 = arith.constant 0 : index
        %swap3A_409 = tpu.vector_load %arg8[%swap3A, %swap3A_408] {strides = array<i32>} : memref<512x16xf32, #tpu.memory_space<vmem>>, vector<1x16xf32>,
        %swap3A_410 = vector.shape_cast %swap3A_409 : vector<1x16xf32> to vector<16xf32>
        %swap3A_411 = vector.shape_cast %add3A_406 : vector<16xf32> to vector<1x16xf32>
        tpu.vector_store %arg8[%swap3A, %swap3A_408], %swap3A_411 {strides = array<i32>} : memref<512x16xf32, #tpu.memory_space<vmem>>, vector<1x16xf32>,
      }
      %scan3A_57 = arith.constant 32 : i32
    }
    %scan3A_13 = arith.constant 8 : i32
    "tpu.region"() ({
      %run_scoped3A = tpu.sem_alloc : memref<!tpu.dma_semaphore, #tpu.memory_space<semaphore_mem>>
      %dma_start3A = arith.constant 0 : i32
      %dma_start3A_14 = tpu.memref_slice %arg4[%mul3A_2, %dma_start3A] : memref<16384x16xf32, #tpu.memory_space<hbm>> -> memref<512x16xf32, #tpu.memory_space<hbm>>
      %dma_start3A_15 = arith.constant 0 : i32
      %dma_start3A_16 = tpu.memref_slice %arg4[%mul3A_2, %dma_start3A_15] : memref<16384x16xf32, #tpu.memory_space<hbm>> -> memref<512x16xf32, #tpu.memory_space<hbm>>
      tpu.enqueue_dma source(%arg8 : memref<512x16xf32, #tpu.memory_space<vmem>>) target(%dma_start3A_16 : memref<512x16xf32, #tpu.memory_space<hbm>>) target_semaphore(%run_scoped3A : memref<!tpu.dma_semaphore, #tpu.memory_space<semaphore_mem>>)
      %dma_wait3A = arith.constant 0 : i32
      %dma_wait3A_17 = tpu.memref_slice %arg4[%mul3A_2, %dma_wait3A] : memref<16384x16xf32, #tpu.memory_space<hbm>> -> memref<512x16xf32, #tpu.memory_space<hbm>>
      %dma_wait3A_18 = arith.constant 0 : i32
      %dma_wait3A_19 = tpu.memref_slice %arg4[%mul3A_2, %dma_wait3A_18] : memref<16384x16xf32, #tpu.memory_space<hbm>> -> memref<512x16xf32, #tpu.memory_space<hbm>>
      tpu.wait_dma2 semaphore(%run_scoped3A : memref<!tpu.dma_semaphore, #tpu.memory_space<semaphore_mem>>) src(%arg8 : memref<512x16xf32, #tpu.memory_space<vmem>>) dst(%dma_wait3A_19 : memref<512x16xf32, #tpu.memory_space<hbm>>)
      tpu.yield
    }) : () -> ()
    return
  }
}

module attributes {stable_mosaic.version = 14 : i64} {
  func.func @_proj_body(%arg0: i32, %arg1: memref<64x4096xf32, #tpu.memory_space<vmem>>, %arg2: memref<64x16xf32, #tpu.memory_space<vmem>>, %arg3: memref<1x128xf32, #tpu.memory_space<vmem>>, %arg4: memref<512x128xf32, #tpu.memory_space<vmem>>) attributes {dimension_semantics = [#tpu.dimension_semantics<arbitrary>], iteration_bounds = array<i64: 25>, scalar_prefetch = 0 : i64, scratch_operands = 0 : i64, tpu.core_type = #tpu.core_type<tc>, window_params = [{transform_indices = @transform_0, window_bounds = array<i64: 64, 4096>}, {pipeline_mode = #tpu.pipeline_mode<synchronous>, transform_indices = @transform_1, window_bounds = array<i64: 64, 16>}, {pipeline_mode = #tpu.pipeline_mode<synchronous>, transform_indices = @transform_2, window_bounds = array<i64: 1, 128>}, {transform_indices = @transform_3, window_bounds = array<i64: 512, 128>}]} {
    %get3A = arith.constant 0 : index
    %get3A_0 = arith.constant 0 : index
    %get3A_1 = vector.load %arg1[%get3A, %get3A_0] : memref<64x4096xf32, #tpu.memory_space<vmem>>, vector<64x4096xf32>
    %get3A_2 = arith.constant 0 : index
    %get3A_3 = arith.constant 0 : index
    %get3A_4 = vector.load %arg2[%get3A_2, %get3A_3] : memref<64x16xf32, #tpu.memory_space<vmem>>, vector<64x16xf32>
    %slice3A = vector.extract_strided_slice %get3A_1 {offsets = [0, 0], sizes = [64, 512], strides = [1, 1]} : vector<64x4096xf32> to vector<64x512xf32>
    %dot_general3A = arith.constant dense<0.000000e+00> : vector<512x16xf32>
    %dot_general3A_5 = tpu.matmul %slice3A, %get3A_4, %dot_general3A {dimension_numbers = #tpu.dot_dimension_numbers<[0], [0], [1], [1], [0, 1, 1, 1], [], []>, transpose_lhs_hint = false} : vector<64x512xf32>, vector<64x16xf32>, vector<512x16xf32> -> vector<512x16xf32>
    %slice3A_6 = vector.extract_strided_slice %get3A_1 {offsets = [0, 512], sizes = [64, 512], strides = [1, 1]} : vector<64x4096xf32> to vector<64x512xf32>
    %dot_general3A_7 = arith.constant dense<0.000000e+00> : vector<512x16xf32>
    %dot_general3A_8 = tpu.matmul %slice3A_6, %get3A_4, %dot_general3A_7 {dimension_numbers = #tpu.dot_dimension_numbers<[0], [0], [1], [1], [0, 1, 1, 1], [], []>, transpose_lhs_hint = false} : vector<64x512xf32>, vector<64x16xf32>, vector<512x16xf32> -> vector<512x16xf32>
    %slice3A_9 = vector.extract_strided_slice %get3A_1 {offsets = [0, 1024], sizes = [64, 512], strides = [1, 1]} : vector<64x4096xf32> to vector<64x512xf32>
    %dot_general3A_10 = arith.constant dense<0.000000e+00> : vector<512x16xf32>
    %dot_general3A_11 = tpu.matmul %slice3A_9, %get3A_4, %dot_general3A_10 {dimension_numbers = #tpu.dot_dimension_numbers<[0], [0], [1], [1], [0, 1, 1, 1], [], []>, transpose_lhs_hint = false} : vector<64x512xf32>, vector<64x16xf32>, vector<512x16xf32> -> vector<512x16xf32>
    %slice3A_12 = vector.extract_strided_slice %get3A_1 {offsets = [0, 1536], sizes = [64, 512], strides = [1, 1]} : vector<64x4096xf32> to vector<64x512xf32>
    %dot_general3A_13 = arith.constant dense<0.000000e+00> : vector<512x16xf32>
    %dot_general3A_14 = tpu.matmul %slice3A_12, %get3A_4, %dot_general3A_13 {dimension_numbers = #tpu.dot_dimension_numbers<[0], [0], [1], [1], [0, 1, 1, 1], [], []>, transpose_lhs_hint = false} : vector<64x512xf32>, vector<64x16xf32>, vector<512x16xf32> -> vector<512x16xf32>
    %slice3A_15 = vector.extract_strided_slice %get3A_1 {offsets = [0, 2048], sizes = [64, 512], strides = [1, 1]} : vector<64x4096xf32> to vector<64x512xf32>
    %dot_general3A_16 = arith.constant dense<0.000000e+00> : vector<512x16xf32>
    %dot_general3A_17 = tpu.matmul %slice3A_15, %get3A_4, %dot_general3A_16 {dimension_numbers = #tpu.dot_dimension_numbers<[0], [0], [1], [1], [0, 1, 1, 1], [], []>, transpose_lhs_hint = false} : vector<64x512xf32>, vector<64x16xf32>, vector<512x16xf32> -> vector<512x16xf32>
    %slice3A_18 = vector.extract_strided_slice %get3A_1 {offsets = [0, 2560], sizes = [64, 512], strides = [1, 1]} : vector<64x4096xf32> to vector<64x512xf32>
    %dot_general3A_19 = arith.constant dense<0.000000e+00> : vector<512x16xf32>
    %dot_general3A_20 = tpu.matmul %slice3A_18, %get3A_4, %dot_general3A_19 {dimension_numbers = #tpu.dot_dimension_numbers<[0], [0], [1], [1], [0, 1, 1, 1], [], []>, transpose_lhs_hint = false} : vector<64x512xf32>, vector<64x16xf32>, vector<512x16xf32> -> vector<512x16xf32>
    %slice3A_21 = vector.extract_strided_slice %get3A_1 {offsets = [0, 3072], sizes = [64, 512], strides = [1, 1]} : vector<64x4096xf32> to vector<64x512xf32>
    %dot_general3A_22 = arith.constant dense<0.000000e+00> : vector<512x16xf32>
    %dot_general3A_23 = tpu.matmul %slice3A_21, %get3A_4, %dot_general3A_22 {dimension_numbers = #tpu.dot_dimension_numbers<[0], [0], [1], [1], [0, 1, 1, 1], [], []>, transpose_lhs_hint = false} : vector<64x512xf32>, vector<64x16xf32>, vector<512x16xf32> -> vector<512x16xf32>
    %slice3A_24 = vector.extract_strided_slice %get3A_1 {offsets = [0, 3584], sizes = [64, 512], strides = [1, 1]} : vector<64x4096xf32> to vector<64x512xf32>
    %dot_general3A_25 = arith.constant dense<0.000000e+00> : vector<512x16xf32>
    %dot_general3A_26 = tpu.matmul %slice3A_24, %get3A_4, %dot_general3A_25 {dimension_numbers = #tpu.dot_dimension_numbers<[0], [0], [1], [1], [0, 1, 1, 1], [], []>, transpose_lhs_hint = false} : vector<64x512xf32>, vector<64x16xf32>, vector<512x16xf32> -> vector<512x16xf32>
    %concatenate3A = tpu.concatenate %dot_general3A_5, %dot_general3A_8, %dot_general3A_11, %dot_general3A_14, %dot_general3A_17, %dot_general3A_20, %dot_general3A_23, %dot_general3A_26 in 1 : vector<512x16xf32>, vector<512x16xf32>, vector<512x16xf32>, vector<512x16xf32>, vector<512x16xf32>, vector<512x16xf32>, vector<512x16xf32>, vector<512x16xf32> -> vector<512x128xf32>
    %get3A_27 = arith.constant 0 : index
    %get3A_28 = arith.constant 0 : index
    %get3A_29 = vector.load %arg3[%get3A_27, %get3A_28] : memref<1x128xf32, #tpu.memory_space<vmem>>, vector<1x128xf32>
    %add3A = vector.broadcast %get3A_29 : vector<1x128xf32> to vector<512x128xf32>
    %add3A_30 = arith.addf %concatenate3A, %add3A : vector<512x128xf32>
    %swap3A = arith.constant 0 : index
    %swap3A_31 = arith.constant 0 : index
    %swap3A_32 = vector.load %arg4[%swap3A, %swap3A_31] : memref<512x128xf32, #tpu.memory_space<vmem>>, vector<512x128xf32>
    tpu.vector_store %arg4[%swap3A, %swap3A_31], %add3A_30 {strides = array<i32>} : memref<512x128xf32, #tpu.memory_space<vmem>>, vector<512x128xf32>,
    return
  }
  func.func @transform_0(%arg0: i32) -> (i32, i32) {
    %c0_i32 = arith.constant 0 : i32
    %c0_i32_0 = arith.constant 0 : i32
    return %c0_i32, %arg0 : i32, i32
  }
  func.func @transform_1(%arg0: i32) -> (i32, i32) {
    %c0_i32 = arith.constant 0 : i32
    %c0_i32_0 = arith.constant 0 : i32
    %c0_i32_1 = arith.constant 0 : i32
    return %c0_i32, %c0_i32_0 : i32, i32
  }
  func.func @transform_2(%arg0: i32) -> (i32, i32) {
    %c0_i32 = arith.constant 0 : i32
    %c0_i32_0 = arith.constant 0 : i32
    %c0_i32_1 = arith.constant 0 : i32
    return %c0_i32, %c0_i32_0 : i32, i32
  }
  func.func @transform_3(%arg0: i32) -> (i32, i32) {
    %c0_i32 = arith.constant 0 : i32
    %c0_i32_0 = arith.constant 0 : i32
    return %arg0, %c0_i32 : i32, i32
  }
}

</mosaic_0001>

<sc_bundles>
// kernel: kernel.6.cloned.1.call-start
scs
__scs_entry_jumppad:
0x0: {  	(pc) =	sbr.rel $0x88, $3  }
0x1: {  	(tag) =	ssettag $0x0;
	lr =	simm.s32 $0x1  }
0x2: {  	[smem:$0x3F9B] =	sst lr;
	_ =	strace $0xD0000000  }
0x3: {  	_ = 	snop  }
0x4: {  	_ = 	snop  }
0x5: {  	_ = 	snop  }
0x6: {  	_ = 	snop  }
0x7: {  	_ = 	snop  }
__scs_overlays_trampoline_lowered:
0x8: {  	[smem:$0x3FAA] =	sst s0  }
0x9: {  	[smem:$0x3FAB] =	sst s1  }
0xa: {  	[smem:$0x3FAC] =	sst s2  }
0xb: {  	[smem:$0x3FAD] =	sst s3  }
0xc: {  	[smem:$0x3FAE] =	sst s4  }
0xd: {  	[smem:$0x3FAF] =	sst s5  }
0xe: {  	[smem:$0x3FB0] =	sst s6  }
0xf: {  	[smem:$0x3FB1] =	sst s7  }
0x10: {  	[smem:$0x3FB2] =	sst s8  }
0x11: {  	[smem:$0x3FB3] =	sst s9;
	s0 =	simm.s32 @!p0 $0x0  }
0x12: {  	s1 =	sld [smem:$0x3F99];
	s0 =	simm.s32 @p0 $0x1  }
0x13: {  	[smem:$0x3FB4] =	sst s0;
	s0 =	simm.s32 @!p1 $0x0  }
0x14: {  	s2 =	sld [smem:$0x3F98];
	s0 =	simm.s32 @p1 $0x1  }
0x15: {  	[smem:$0x3FB5] =	sst s0;
	s0 =	simm.s32 @!p2 $0x0  }
0x16: {  	s3 =	sld [smem:$0x3FDB];
	s0 =	simm.s32 @p2 $0x1  }
0x17: {  	s4 =	simm.s32 $0x1BF5;
	[smem:$0x3FB7] =	sst s0  }
0x18: {  	s0 =	sld [smem:$0x3F9A];
	_ =	swait.ge [sflag:s4], $0x0  }
0x19: {  	s7 =	sld [smem:$0x3F9B]  }
0x1a: {  	s8 =	sadd.s32 $0xFFFFE003, lr  }
0x1b: {  	s9 =	sadd.s32 $0xFFFFFEF7, lr;
	s5 =	simm.s32 $0xFFFFFFFF;
	p2 =	slt.u32 s8, $0xFFFFF086  }
0x1c: {  	p1 =	slt.u32 s9, $0xF7A;
	s5 =	simm.s32 @!p2 $0x0  }
0x1d: {  	s5 =	simm.s32 @p1 $0x1;
	p0 =	seq.s32 s7, s2  }
0x1e: {  	s7 =	smul.u32 @!p0 $0xF7A, s2;
	p2 =	seq.s32 @!p0 s5, $0x0  }
0x1f: {  	s9 =	smul.u32 $0xF7A, s1;
	s8 =	simm.s32 @!p0 $0x1BF5;
	p2 =	por !p2, p0  }
0x20: {  	[sflag:s8] =	ssyncset.s32 @!p0 $0xFFFFF086;
	s6 =	sadd.s32 @!p0 s3, s7;
	s7 =	simm.s32 @!p0 $0x108  }
0x21: {  	s3 =	sadd.s32 s3, s9;
	s6 =	sadd.s32 @!p0 $0x88, s6;
	s7 =	simm.s32 @p2 $0x1082  }
0x22: {  	[simem:s7], [sflag:s8] =	dma.local @!p0 [hbm:s6], $0xF7A  }
0x23: {  	s9 =	sor.u32 $0xD0000000, s2;
	s6 =	simm.s32 $0x108;
	_ =	swait.ge @!p0 [sflag:s8], $0x0  }
0x24: {  	s3 =	sadd.s32 $0x88, s3;
	s6 =	simm.s32 @!p1 $0x1082;
	[sflag:s4] =	ssyncset.s32 $0xFFFFF086  }
0x25: {  	[simem:s6], [sflag:s4] =	dma.local [hbm:s3], $0xF7A  }
0x26: {  	[smem:$0x3F9B] =	sst s1;
	(tag) =	ssettag s2;
	_ =	strace s9  }
0x27: {  	s1 =	sld [smem:$0x3FAB]  }
0x28: {  	s2 =	sld [smem:$0x3FAC]  }
0x29: {  	s4 =	sld [smem:$0x3FAE]  }
0x2a: {  	p0 =	seq.s32 s5, $0x0;
	s5 =	sld [smem:$0x3FAF]  }
0x2b: {  	s6 =	sld [smem:$0x3FB0]  }
0x2c: {  	s7 =	sld [smem:$0x3FB1]  }
0x2d: {  	s3 =	simm.s32 $0x108;
	s8 =	sld [smem:$0x3FB2]  }
0x2e: {  	s3 =	simm.s32 @!p0 $0x1082;
	s9 =	sld [smem:$0x3FB3]  }
0x2f: {  	lr =	sadd.s32 s0, s3;
	s0 =	sld [smem:$0x3FAA]  }
0x30: {  	s3 =	sld [smem:$0x3FAD]  }
0x31: {  	[smem:$0x3FB6] =	sst s10  }
0x32: {  	s10 =	sld [smem:$0x3FB4];
	_ =	sdelay $0x3  }
0x33: {  	p0 =	seq.s32 s10, $0x1;
	s10 =	sld [smem:$0x3FB6];
	_ =	sdelay $0x3  }
0x34: {  	[smem:$0x3FB6] =	sst s10  }
0x35: {  	s10 =	sld [smem:$0x3FB5];
	_ =	sdelay $0x3  }
0x36: {  	p1 =	seq.s32 s10, $0x1;
	s10 =	sld [smem:$0x3FB6];
	_ =	sdelay $0x3  }
0x37: {  	[smem:$0x3FB6] =	sst s10  }
0x38: {  	s10 =	sld [smem:$0x3FB7]  }
0x39: {  	_ = 	snop;
	(pc) =	sbr.ind lr, $3  }
0x3a: {  	_ = 	snop  }
0x3b: {  	_ = 	snop  }
0x3c: {  	p2 =	seq.s32 s10, $0x1;
	s10 =	sld [smem:$0x3FB6]  }
0x3d: {  	_ =	shalt  }
0x3e: {  	_ =	shalt  }
0x3f: {  	_ =	shalt  }
0x40: {  	_ =	shalt  }
0x41: {  	_ =	shalt  }
0x42: {  	_ =	shalt  }
0x43: {  	_ =	shalt  }
0x44: {  	_ =	shalt  }
0x45: {  	_ =	shalt  }
0x46: {  	_ =	shalt  }
0x47: {  	_ =	shalt  }
0x48: {  	_ =	shalt  }
0x49: {  	_ =	shalt  }
0x4a: {  	_ =	shalt  }
0x4b: {  	_ =	shalt  }
0x4c: {  	_ =	shalt  }
0x4d: {  	_ =	shalt  }
0x4e: {  	_ =	shalt  }
0x4f: {  	_ =	shalt  }
0x50: {  	_ =	shalt  }
0x51: {  	_ =	shalt  }
0x52: {  	_ =	shalt  }
0x53: {  	_ =	shalt  }
0x54: {  	_ =	shalt  }
0x55: {  	_ =	shalt  }
0x56: {  	_ =	shalt  }
0x57: {  	_ =	shalt  }
0x58: {  	_ =	shalt  }
0x59: {  	_ =	shalt  }
0x5a: {  	_ =	shalt  }
0x5b: {  	_ =	shalt  }
0x5c: {  	_ =	shalt  }
0x5d: {  	_ =	shalt  }
0x5e: {  	_ =	shalt  }
0x5f: {  	_ =	shalt  }
0x60: {  	_ =	shalt  }
0x61: {  	_ =	shalt  }
0x62: {  	_ =	shalt  }
0x63: {  	_ =	shalt  }
0x64: {  	_ =	shalt  }
0x65: {  	_ =	shalt  }
0x66: {  	_ =	shalt  }
0x67: {  	_ =	shalt  }
0x68: {  	_ =	shalt  }
0x69: {  	_ =	shalt  }
0x6a: {  	_ =	shalt  }
0x6b: {  	_ =	shalt  }
0x6c: {  	_ =	shalt  }
0x6d: {  	_ =	shalt  }
0x6e: {  	_ =	shalt  }
0x6f: {  	_ =	shalt  }
0x70: {  	_ =	shalt  }
0x71: {  	_ =	shalt  }
0x72: {  	_ =	shalt  }
0x73: {  	_ =	shalt  }
0x74: {  	_ =	shalt  }
0x75: {  	_ =	shalt  }
0x76: {  	_ =	shalt  }
0x77: {  	_ =	shalt  }
0x78: {  	_ =	shalt  }
0x79: {  	_ =	shalt  }
0x7a: {  	_ =	shalt  }
0x7b: {  	_ =	shalt  }
0x7c: {  	_ =	shalt  }
0x7d: {  	_ =	shalt  }
0x7e: {  	_ =	shalt  }
0x7f: {  	_ =	shalt  }
0x80: {  	_ =	shalt  }
0x81: {  	_ =	shalt  }
0x82: {  	_ =	shalt  }
0x83: {  	_ =	shalt  }
0x84: {  	_ =	shalt  }
0x85: {  	_ =	shalt  }
0x86: {  	_ =	shalt  }
0x87: {  	_ =	shalt  }
.Lfunc_end0:
.L_simem_size_0:
called_computation_lowered:
.L_overlay_start_0:
0x88: {  	s2 =	sld [smem:$0x3FD9]  }
0x89: {  	s3 =	sld [smem:$0x3FFE];
	_ =	sdelay $0x1  }
0x8a: {  	s1 =	srdreg.scid  }
0x8b: {  	s0 =	sand.u32 $0x1, s1  }
0x8c: {  	s16 =	sshll.u32 s0, $0xA;
	s2 =	sadd.s32 s3, s2  }
0x8d: {  	s2 =	sadd.s32 s2, s16  }
0x8e: {  	[smem:$0x3FC2] =	sst s2  }
0x8f: {  	_ = 	snop  }
0x90: {  	(tm) =	ssettm $0x1  }
0x91: {  	s17 =	sld [smem:$0x3FFB];
	_ =	sdelay $0x3  }
0x92: {  	_ =	strace s17  }
0x93: {  	s2 =	sld [smem:$0x3FFC];
	_ =	sdelay $0x3  }
0x94: {  	_ =	strace s2  }
0x95: {  	s2 =	sld [smem:$0x3FFD];
	_ =	sdelay $0x3  }
0x96: {  	_ =	strace s2  }
0x97: {  	_ =	strace $0x8FFFFFFF  }
0x98: {  	s18 =	sld [smem:$0x3FDB];
	_ =	sdelay $0x1  }
0x99: {  	s19 =	simm.s32 $_scs_section_size  }
0x9a: {  	s4 =	simm.s32 $_size__tile_overlayer_lowered;
	s5 =	simm.s32 $_tile_overlayer_lowered  }
0x9b: {  	s22 =	simm.s32 $0x1BFF;
	s21 =	sshll.u32 s5, $0x1;
	s2 =	sadd.s32 s19, s18  }
0x9c: {  	s6 =	simm.s32 $0x0;
	s20 =	sshll.u32 s4, $0x1;
	s4 =	sadd.s32 s21, s2  }
0x9d: {  	[timem:s6], [sflag:s22] =	dma.local [hbm:s4], s20  }
0x9e: {  	_ =	swait.ge [sflag:s22], s20  }
0x9f: {  	s3 =	ssub.s32 $0x0, s20;
	[sflag:s22] =	ssyncset.done $0x0  }
0xa0: {  	[sflag:s22] =	ssyncadd.s32 s3;
	_ =	sdelay $0x1  }
0xa1: {  	s23 =	simm.s32 $0x1B8B  }
0xa2: {  	_ =	swait.ge [sflag:s23], $0x1  }
0xa3: {  	[sflag:s23] =	ssyncset.done $0x0  }
0xa4: {  	s25 =	simm.s32 $0x1B8E;
	s24 =	sld [smem:$0x3FFE];
	[sflag:s23] =	ssyncadd.s32 $0xFFFFFFFF  }
0xa5: {  	s26 =	simm.s32 $execute0_lowered;
	[smem:$0x3FD2] =	sst s25  }
0xa6: {  	s4 =	sshll.u32 s26, $0x1;
	_ =	strace $0x80000046;
	[dreg:$0x1] =	wrdreg $0xFFFFFFFF  }
0xa7: {  	s28 =	simm.s32 $_size_execute0_lowered;
	s2 =	sadd.s32 s2, s4;
	[dreg:$0x0] =	wrdreg $0x0  }
0xa8: {  	s4 =	sshll.u32 s28, $0x1;
	[dreg:$0x2] =	wrdreg s2  }
0xa9: {  	[dreg:$0x3] =	wrdreg s4  }
0xaa: {  	[dreg:$0x4] =	wrdreg $0xC0  }
0xab: {  	_ =	task [dreg:s6], $0x5FFFF  }
0xac: {  	[dreg:$0x1] =	wrdreg $0xFFFFFFFF  }
0xad: {  	[dreg:$0x0] =	wrdreg $0x60  }
0xae: {  	[dreg:$0x2] =	wrdreg s24  }
0xaf: {  	[dreg:$0x3] =	wrdreg $0x9  }
0xb0: {  	_ =	task.clear_ibuf [dreg:s6], $0x4FFFF;
	_ =	strace $0x90000046  }
0xb1: {  	s29 =	simm.s32 $0x9;
	_ =	strace $0x80000048  }
0xb2: {  	_ =	swait.ge [sflag:s29], $0x1  }
0xb3: {  	[sflag:s29] =	ssyncadd.s32 $0xFFFFFFFF  }
0xb4: {  	_ =	strace $0x90000048  }
0xb5: {  	_ =	sfence  }
0xb6: {  	s30 =	sld [smem:$0x0];
	_ =	sdelay $0x2  }
0xb7: {  	s31 =	sshll.u32 s1, $0xD;
	s1 =	sshrl.u32 s1, $0x2  }
0xb8: {  	s3 =	sand.u32 $0x4000, s31;
	s1 =	sadd.s32 s1, s30  }
0xb9: {  	s0 =	sor.u32 s3, s0;
	s1 =	sshll.u32 s1, $0x11  }
0xba: {  	s0 =	sor.u32 s1, s0  }
0xbb: {  	s0 =	sadd.s32 $0x8F2B, s0  }
0xbc: {  	[sflag:s0] =	ssyncadd.remote.s32 $0x1  }
0xbd: {  	_ =	sfence.sel $0xFFFF  }
0xbe: {  	[dreg:$0x0] =	wrdreg $0xFFFFFFFF;
	(pc) =	sbr.abs _section_cstart, $3  }
0xbf: {  	[dreg:$0x1] =	wrdreg $0xFFFFFFFF  }
0xc0: {  	_ =	task.clear_ibuf [dreg:s6], $0x2FFFF;
	_ =	strace $0x9FFFFFFF  }
0xc1: {  	(tm) =	ssettm $0x7FFFFFFF  }
tec
execute0_lowered:
.L_overlay_start_1:
0x0: {  	(tag) =	ssettag $0x1  }
0x1: {  	s4 =	rddreg [dreg:$0x0]  }
0x2: {  	s2 =	srdreg.scid;
	s0 =	rddreg [dreg:$0x1]  }
0x3: {  	s1 =	stileid.u32;
	s8 =	simm.s32 $0x4000;
	s9 =	simm.s32 $0x3  }
0x4: {  	s10 =	simm.s32 $0x20;
	s11 =	simm.s32 $0x1;
	s12 =	simm.s32 $0x2  }
0x5: {  	s13 =	simm.s32 $0x12C00;
	s14 =	simm.s32 $0x0;
	s3 =	sand.u32 $0x1, s2  }
0x6: {  	s2 =	simm.s32 $0x0;
	s5 =	sshll.u32 s1, $0xA;
	s6 =	sshll.u32 s3, $0x9  }
0x7: {  	[smem:$0x7FF] =	sst s2;
	s7 =	ssub.s32 $0x2, s3;
	s5 =	sor.u32 s6, s5  }
0x8: {  	s3 =	sadd.s32 $0x1A000, s4;
	_ =	strace $0x80000047;
	s6 =	sshrl.u32 s5, $0x3  }
0x9: {  	s31 =	sshrl.u32 s7, $0x1;
	s5 =	sshll.u32 s5, $0x1;
	s6 =	sadd.s32 s6, s4  }
0xa: {  	s7 =	ssub.s32 s7, s31;
	s5 =	sadd.s32 s5, s4;
	s4 =	sadd.s32 $0x1000, s6  }
0xb: {  	s5 =	sadd.s32 $0x4C000, s5;
	s6 =	smax.u32 s7, $0x1;
	s7 =	simm.s32 $0x200  }
.LBB2_1:
0xc: {  	[tilespmem:s2], [sflag:$0x3] =	stream.strided.gather [hbm4b:s4+s7], $0x6400, s8, s7, $0x38;
	[tilespmem:$0x14C00] =	vst v63  }
0xd: {  	_ =	swait.ge [sflag:s9], $0x6400  }
0xe: {  	[sflag:s9] =	ssyncset.done $0x0  }
0xf: {  	s16 =	simm.s32 $0x0;
	[sflag:s9] =	ssyncadd.s32 $0xFFFF9C00  }
.LBB2_2:
0x10: {  	p0 =	sne.s32 s16, $0x18800  }
.Ltmp0:
0x11: {  	_ = 	snop;
	(pc) =	sbr.rel @p0 .LBB2_2-.Ltmp0, $4  }
0x12: {  	_ = 	snop  }
0x13: {  	s17 =	sshra.s32 s16, $0x2  }
0x14: {  	s15 =	simm.s32 $0x20;
	s16 =	sadd.s32 $0x800, s16;
	s18 =	sadd.s32 $0x6400, s17  }
0x15: {  	[tilespmem:s18], [sflag:$0x1] =	stream.indirect.gather [hbm4b:s3+s15], $0x10, s17, s15, $0xb8;
	[tilespmem:$0x14C00] =	vst v63  }
0x16: {  	s16 =	simm.s32 $0x0  }
0x17: {  	s17 =	simm.s32 $0x12C00;
	s18 =	simm.s32 $0x40;
	s19 =	simm.s32 $0x12E00  }
.LBB2_4:
0x18: {  	s20 =	simm.s32 $0x800;
	s21 =	simm.s32 $0xC800;
	s22 =	sadd.s32 $0x0, s15  }
.LBB2_5:
0x19: {  	[tilespmem:s21], [sflag:$0x2] =	stream.indirect.gather [hbm4b:s3+s10], $0x10, s22, s10, $0xb8;
	[tilespmem:$0x14C00] =	vst v63  }
0x1a: {  	s21 =	smov.u32 s20;
	p0 =	sne.s32 s20, $0x18800  }
.Ltmp1:
0x1b: {  	s20 =	sadd.s32 $0x800, s20;
	(pc) =	sbr.rel @p0 .LBB2_5-.Ltmp1, $3  }
0x1c: {  	_ =	sdelay $0x1  }
0x1d: {  	s22 =	sshra.s32 s21, $0x2  }
0x1e: {  	s21 =	sadd.s32 $0xC800, s22;
	s22 =	sadd.s32 s22, s15  }
0x1f: {  	[tilespmem:s21], [sflag:$0x2] =	stream.indirect.gather [hbm4b:s3+s10], $0x10, s22, s10, $0xb8;
	[tilespmem:$0x14C00] =	vst v63  }
0x20: {  	_ =	swait.ge [sflag:s11], $0x6400  }
0x21: {  	[sflag:s11] =	ssyncset.done $0x0  }
0x22: {  	s20 =	simm.s32 $0x0;
	[sflag:s11] =	ssyncadd.s32 $0xFFFF9C00  }
0x23: {  	v0 =	vld [tilespmem:s20+$0xC400]  }
0x24: {  	v2 =	vld [tilespmem:s20+$0xC000]  }
0x25: {  	v3 =	vld [tilespmem:s20+$0xBC00]  }
0x26: {  	v4 =	vld [tilespmem:s20+$0xB800]  }
0x27: {  	v5 =	vld [tilespmem:s20+$0xB400]  }
0x28: {  	v6 =	vld [tilespmem:s20+$0xB000]  }
0x29: {  	v7 =	vld [tilespmem:s20+$0xAC00]  }
0x2a: {  	v8 =	vld [tilespmem:s20+$0xA800]  }
0x2b: {  	v9 =	vld [tilespmem:s20+$0xA400]  }
0x2c: {  	v10 =	vld [tilespmem:s20+$0xA000]  }
0x2d: {  	v11 =	vld [tilespmem:s20+$0x9C00]  }
0x2e: {  	v12 =	vld [tilespmem:s20+$0x9800]  }
0x2f: {  	v13 =	vld [tilespmem:s20+$0x9400]  }
0x30: {  	v14 =	vld [tilespmem:s20+$0x9000]  }
0x31: {  	v15 =	vld [tilespmem:s20+$0x8C00]  }
0x32: {  	v16 =	vld [tilespmem:s20+$0x8800]  }
0x33: {  	v17 =	vld [tilespmem:s20+$0x8400]  }
0x34: {  	v18 =	vld [tilespmem:s20+$0x8000]  }
0x35: {  	v19 =	vld [tilespmem:s20+$0x7C00]  }
0x36: {  	v20 =	vld [tilespmem:s20+$0x7800]  }
0x37: {  	v21 =	vld [tilespmem:s20+$0x7400]  }
0x38: {  	v22 =	vld [tilespmem:s20+$0x6800]  }
0x39: {  	v23 =	vld [tilespmem:s20+$0x7000]  }
0x3a: {  	v24 =	vld [tilespmem:s20+$0x6A00]  }
0x3b: {  	v25 =	vld [tilespmem:s20+$0x6C00]  }
0x3c: {  	v26 =	vld [tilespmem:s20+$0x6400]  }
0x3d: {  	v1 =	vmov s17;
	s21 =	simm.s32 $0x40;
	v27 =	vld [tilespmem:s20+$0x6600]  }
.LBB2_7:
0x3e: {  	p0 =	sne.s32 s21, $0x7C0;
	v28 =	vld [tilespmem:s20+$0x6E00]  }
0x3f: {  	v29 =	vld [tilespmem:s20+$0x7200]  }
0x40: {  	v30 =	vld [tilespmem:s20+$0x7600]  }
0x41: {  	v31 =	vld [tilespmem:s20+$0x7A00]  }
0x42: {  	v32 =	vld [tilespmem:s20+$0x7E00]  }
0x43: {  	v25 =	vadd.f32 v25, v26;
	v26 =	vadd.f32 v28, v27;
	v27 =	vld [tilespmem:s20+$0x8200]  }
0x44: {  	v22 =	vadd.f32 v23, v22;
	v23 =	vadd.f32 v29, v24;
	v24 =	vld [tilespmem:s20+$0x8600]  }
0x45: {  	v21 =	vadd.f32 v21, v25;
	v25 =	vadd.f32 v30, v26;
	v26 =	vld [tilespmem:s20+$0x8A00]  }
0x46: {  	v20 =	vadd.f32 v20, v22;
	v22 =	vadd.f32 v31, v23;
	v23 =	vld [tilespmem:s20+$0x8E00]  }
0x47: {  	v19 =	vadd.f32 v19, v21;
	v21 =	vadd.f32 v32, v25;
	v25 =	vld [tilespmem:s20+$0x9200]  }
0x48: {  	v18 =	vadd.f32 v18, v20;
	v20 =	vadd.f32 v27, v22;
	v22 =	vld [tilespmem:s20+$0x9600]  }
0x49: {  	v17 =	vadd.f32 v17, v19;
	v19 =	vadd.f32 v24, v21;
	v21 =	vld [tilespmem:s20+$0x9A00]  }
0x4a: {  	v16 =	vadd.f32 v16, v18;
	v18 =	vadd.f32 v26, v20;
	v20 =	vld [tilespmem:s20+$0x9E00]  }
0x4b: {  	v15 =	vadd.f32 v15, v17;
	v17 =	vadd.f32 v23, v19;
	v19 =	vld [tilespmem:s20+$0xA200]  }
0x4c: {  	v14 =	vadd.f32 v14, v16;
	v16 =	vadd.f32 v25, v18;
	v18 =	vld [tilespmem:s20+$0xA600]  }
0x4d: {  	v13 =	vadd.f32 v13, v15;
	v15 =	vadd.f32 v22, v17;
	v17 =	vld [tilespmem:s20+$0xAA00]  }
0x4e: {  	v12 =	vadd.f32 v12, v14;
	v14 =	vadd.f32 v21, v16;
	v16 =	vld [tilespmem:s20+$0xAE00]  }
0x4f: {  	v11 =	vadd.f32 v11, v13;
	v13 =	vadd.f32 v20, v15;
	v15 =	vld [tilespmem:s20+$0xB200]  }
0x50: {  	v10 =	vadd.f32 v10, v12;
	v12 =	vadd.f32 v19, v14;
	v14 =	vld [tilespmem:s20+$0xB600]  }
0x51: {  	v9 =	vadd.f32 v9, v11;
	v11 =	vadd.f32 v18, v13;
	v13 =	vld [tilespmem:s20+$0xBA00]  }
0x52: {  	v8 =	vadd.f32 v8, v10;
	v10 =	vadd.f32 v17, v12;
	v12 =	vld [tilespmem:s20+$0xBE00]  }
0x53: {  	v7 =	vadd.f32 v7, v9;
	v9 =	vadd.f32 v16, v11;
	v11 =	vld [tilespmem:s20+$0xC200]  }
0x54: {  	v6 =	vadd.f32 v6, v8;
	v8 =	vadd.f32 v15, v10;
	v10 =	vld [tilespmem:s20+$0xC600]  }
0x55: {  	v5 =	vadd.f32 v5, v7;
	v7 =	vadd.f32 v14, v9  }
0x56: {  	v4 =	vadd.f32 v4, v6;
	v6 =	vadd.f32 v13, v8  }
0x57: {  	v3 =	vadd.f32 v3, v5;
	v5 =	vadd.f32 v12, v7  }
0x58: {  	v2 =	vadd.f32 v2, v4;
	v4 =	vadd.f32 v11, v6  }
0x59: {  	v0 =	vadd.f32 v0, v3;
	v3 =	vadd.f32 v10, v5;
	_ =	sdelay $0x1  }
0x5a: {  	v2 =	vadd.f32 v4, v2;
	v0 =	vadd.f32 v3, v0;
	_ =	sdelay $0x1  }
0x5b: {  	v0 =	vadd.f32 v0, v2;
	_ =	sdelay $0x1  }
0x5c: {  	[tilespmem:v1+s20+$0x0 ss:$0x1] =	vst.idx.msk $0xffff, v0;
	s20 =	sshra.s32 s21, $0x2  }
0x5d: {  	v0 =	vld [tilespmem:s20+$0xC400]  }
0x5e: {  	v2 =	vld [tilespmem:s20+$0xC000]  }
0x5f: {  	v3 =	vld [tilespmem:s20+$0xBC00]  }
0x60: {  	v4 =	vld [tilespmem:s20+$0xB800]  }
0x61: {  	v5 =	vld [tilespmem:s20+$0xB400]  }
0x62: {  	v6 =	vld [tilespmem:s20+$0xB000]  }
0x63: {  	v7 =	vld [tilespmem:s20+$0xAC00]  }
0x64: {  	v8 =	vld [tilespmem:s20+$0xA800]  }
0x65: {  	v9 =	vld [tilespmem:s20+$0xA400]  }
0x66: {  	v10 =	vld [tilespmem:s20+$0xA000]  }
0x67: {  	v11 =	vld [tilespmem:s20+$0x9C00]  }
0x68: {  	v12 =	vld [tilespmem:s20+$0x9800]  }
0x69: {  	v13 =	vld [tilespmem:s20+$0x9400]  }
0x6a: {  	v14 =	vld [tilespmem:s20+$0x9000]  }
0x6b: {  	v15 =	vld [tilespmem:s20+$0x8C00]  }
0x6c: {  	v16 =	vld [tilespmem:s20+$0x8800]  }
0x6d: {  	v17 =	vld [tilespmem:s20+$0x8400]  }
0x6e: {  	v18 =	vld [tilespmem:s20+$0x8000]  }
0x6f: {  	v19 =	vld [tilespmem:s20+$0x7C00]  }
0x70: {  	v20 =	vld [tilespmem:s20+$0x7800]  }
0x71: {  	v21 =	vld [tilespmem:s20+$0x7400]  }
0x72: {  	v22 =	vld [tilespmem:s20+$0x6800]  }
.Ltmp2:
0x73: {  	v23 =	vld [tilespmem:s20+$0x7000];
	(pc) =	sbr.rel @p0 .LBB2_7-.Ltmp2, $4  }
0x74: {  	v24 =	vld [tilespmem:s20+$0x6A00]  }
0x75: {  	v25 =	vld [tilespmem:s20+$0x6C00]  }
0x76: {  	v26 =	vld [tilespmem:s20+$0x6400]  }
0x77: {  	s21 =	sadd.s32 $0x40, s21;
	v27 =	vld [tilespmem:s20+$0x6600]  }
0x78: {  	v28 =	vld [tilespmem:s20+$0x6E00]  }
0x79: {  	v29 =	vld [tilespmem:s20+$0x7200]  }
0x7a: {  	v30 =	vld [tilespmem:s20+$0x7600]  }
0x7b: {  	v31 =	vld [tilespmem:s20+$0x7A00]  }
0x7c: {  	v32 =	vld [tilespmem:s20+$0x7E00];
	v25 =	vadd.f32 v25, v26  }
0x7d: {  	v60 =	vld [tilespmem:s20+$0x8200];
	v59 =	vadd.f32 v28, v27  }
0x7e: {  	v22 =	vadd.f32 v23, v22;
	v62 =	vld [tilespmem:s20+$0x8600];
	v21 =	vadd.f32 v21, v25  }
0x7f: {  	v61 =	vadd.f32 v29, v24;
	v28 =	vld [tilespmem:s20+$0x8A00];
	v63 =	vadd.f32 v30, v59  }
0x80: {  	v20 =	vadd.f32 v20, v22;
	v30 =	vld [tilespmem:s20+$0x8E00];
	v19 =	vadd.f32 v19, v21  }
0x81: {  	v34 =	vld [tilespmem:s20+$0x9600];
	v29 =	vadd.f32 v31, v61;
	v31 =	vadd.f32 v32, v63  }
0x82: {  	v18 =	vadd.f32 v18, v20;
	v32 =	vld [tilespmem:s20+$0x9200];
	v17 =	vadd.f32 v17, v19  }
0x83: {  	v36 =	vld [tilespmem:s20+$0x9A00];
	v33 =	vadd.f32 v60, v29;
	v35 =	vadd.f32 v62, v31  }
0x84: {  	v38 =	vld [tilespmem:s20+$0x9E00];
	v16 =	vadd.f32 v16, v18;
	v15 =	vadd.f32 v15, v17  }
0x85: {  	v40 =	vld [tilespmem:s20+$0xA200];
	v37 =	vadd.f32 v28, v33;
	v39 =	vadd.f32 v30, v35  }
0x86: {  	v42 =	vld [tilespmem:s20+$0xA600];
	v14 =	vadd.f32 v14, v16;
	v13 =	vadd.f32 v13, v15  }
0x87: {  	v44 =	vld [tilespmem:s20+$0xAA00];
	v41 =	vadd.f32 v32, v37;
	v43 =	vadd.f32 v34, v39  }
0x88: {  	v46 =	vld [tilespmem:s20+$0xAE00];
	v12 =	vadd.f32 v12, v14;
	v11 =	vadd.f32 v11, v13  }
0x89: {  	v48 =	vld [tilespmem:s20+$0xB200];
	v45 =	vadd.f32 v36, v41;
	v47 =	vadd.f32 v38, v43  }
0x8a: {  	v50 =	vld [tilespmem:s20+$0xB600];
	v10 =	vadd.f32 v10, v12;
	v9 =	vadd.f32 v9, v11  }
0x8b: {  	v52 =	vld [tilespmem:s20+$0xBA00];
	v49 =	vadd.f32 v40, v45;
	v51 =	vadd.f32 v42, v47  }
0x8c: {  	v54 =	vld [tilespmem:s20+$0xBE00];
	v8 =	vadd.f32 v8, v10;
	v7 =	vadd.f32 v7, v9  }
0x8d: {  	v56 =	vld [tilespmem:s20+$0xC200];
	v53 =	vadd.f32 v44, v49;
	v55 =	vadd.f32 v46, v51  }
0x8e: {  	v58 =	vld [tilespmem:s20+$0xC600];
	v6 =	vadd.f32 v6, v8;
	v5 =	vadd.f32 v5, v7  }
0x8f: {  	v57 =	vadd.f32 v48, v53;
	v59 =	vadd.f32 v50, v55  }
0x90: {  	v4 =	vadd.f32 v4, v6;
	v3 =	vadd.f32 v3, v5  }
0x91: {  	v60 =	vadd.f32 v52, v57;
	v61 =	vadd.f32 v54, v59  }
0x92: {  	v2 =	vadd.f32 v2, v4;
	v0 =	vadd.f32 v0, v3  }
0x93: {  	v62 =	vadd.f32 v56, v60;
	v63 =	vadd.f32 v58, v61  }
0x94: {  	p0 =	seq.s32 s16, $0x7  }
.Ltmp3:
0x95: {  	v2 =	vadd.f32 v62, v2;
	v0 =	vadd.f32 v63, v0;
	(pc) =	sbr.rel @p0 .LBB2_12-.Ltmp3, $3  }
0x96: {  	_ = 	snop  }
0x97: {  	v0 =	vadd.f32 v0, v2;
	_ =	sdelay $0x1  }
0x98: {  	[tilespmem:v1+s20+$0x0 ss:$0x1] =	vst.idx.msk $0xffff, v0  }
0x99: {  	s20 =	simm.s32 $0x800;
	s21 =	simm.s32 $0x6400;
	s22 =	sadd.s32 $0x0, s18  }
.LBB2_10:
0x9a: {  	[tilespmem:s21], [sflag:$0x1] =	stream.indirect.gather [hbm4b:s3+s10], $0x10, s22, s10, $0xb8;
	[tilespmem:$0x14C00] =	vst v63  }
0x9b: {  	s21 =	smov.u32 s20;
	p0 =	sne.s32 s20, $0x18800  }
.Ltmp4:
0x9c: {  	s20 =	sadd.s32 $0x800, s20;
	(pc) =	sbr.rel @p0 .LBB2_10-.Ltmp4, $3  }
0x9d: {  	_ =	sdelay $0x1  }
0x9e: {  	s22 =	sshra.s32 s21, $0x2  }
0x9f: {  	s21 =	sadd.s32 $0x6400, s22;
	s22 =	sadd.s32 s22, s18  }
0xa0: {  	[tilespmem:s21], [sflag:$0x1] =	stream.indirect.gather [hbm4b:s3+s10], $0x10, s22, s10, $0xb8;
	[tilespmem:$0x14C00] =	vst v63  }
.LBB2_12:
0xa1: {  	_ =	swait.ge [sflag:s12], $0x6400  }
0xa2: {  	[sflag:s12] =	ssyncset.done $0x0  }
0xa3: {  	s20 =	simm.s32 $0x0;
	[sflag:s12] =	ssyncadd.s32 $0xFFFF9C00  }
0xa4: {  	v0 =	vld [tilespmem:s20+$0x12800]  }
0xa5: {  	v2 =	vld [tilespmem:s20+$0x12400]  }
0xa6: {  	v3 =	vld [tilespmem:s20+$0x12000]  }
0xa7: {  	v4 =	vld [tilespmem:s20+$0x11C00]  }
0xa8: {  	v5 =	vld [tilespmem:s20+$0x11800]  }
0xa9: {  	v6 =	vld [tilespmem:s20+$0x11400]  }
0xaa: {  	v7 =	vld [tilespmem:s20+$0x11000]  }
0xab: {  	v8 =	vld [tilespmem:s20+$0x10C00]  }
0xac: {  	v9 =	vld [tilespmem:s20+$0x10800]  }
0xad: {  	v10 =	vld [tilespmem:s20+$0x10400]  }
0xae: {  	v11 =	vld [tilespmem:s20+$0x10000]  }
0xaf: {  	v12 =	vld [tilespmem:s20+$0xFC00]  }
0xb0: {  	v13 =	vld [tilespmem:s20+$0xF800]  }
0xb1: {  	v14 =	vld [tilespmem:s20+$0xF400]  }
0xb2: {  	v15 =	vld [tilespmem:s20+$0xF000]  }
0xb3: {  	v16 =	vld [tilespmem:s20+$0xEC00]  }
0xb4: {  	v17 =	vld [tilespmem:s20+$0xE800]  }
0xb5: {  	v18 =	vld [tilespmem:s20+$0xE400]  }
0xb6: {  	v19 =	vld [tilespmem:s20+$0xE000]  }
0xb7: {  	v20 =	vld [tilespmem:s20+$0xDC00]  }
0xb8: {  	v21 =	vld [tilespmem:s20+$0xD800]  }
0xb9: {  	v22 =	vld [tilespmem:s20+$0xCC00]  }
0xba: {  	v23 =	vld [tilespmem:s20+$0xD400]  }
0xbb: {  	v24 =	vld [tilespmem:s20+$0xCE00]  }
0xbc: {  	v25 =	vld [tilespmem:s20+$0xD000]  }
0xbd: {  	v26 =	vld [tilespmem:s20+$0xC800]  }
0xbe: {  	v1 =	vmov s19;
	s21 =	simm.s32 $0x40;
	v27 =	vld [tilespmem:s20+$0xCA00]  }
.LBB2_13:
0xbf: {  	p0 =	sne.s32 s21, $0x7C0;
	v28 =	vld [tilespmem:s20+$0xD200]  }
0xc0: {  	v29 =	vld [tilespmem:s20+$0xD600]  }
0xc1: {  	v30 =	vld [tilespmem:s20+$0xDA00]  }
0xc2: {  	v31 =	vld [tilespmem:s20+$0xDE00]  }
0xc3: {  	v32 =	vld [tilespmem:s20+$0xE200]  }
0xc4: {  	v25 =	vadd.f32 v25, v26;
	v26 =	vadd.f32 v28, v27;
	v27 =	vld [tilespmem:s20+$0xE600]  }
0xc5: {  	v22 =	vadd.f32 v23, v22;
	v23 =	vadd.f32 v29, v24;
	v24 =	vld [tilespmem:s20+$0xEA00]  }
0xc6: {  	v21 =	vadd.f32 v21, v25;
	v25 =	vadd.f32 v30, v26;
	v26 =	vld [tilespmem:s20+$0xEE00]  }
0xc7: {  	v20 =	vadd.f32 v20, v22;
	v22 =	vadd.f32 v31, v23;
	v23 =	vld [tilespmem:s20+$0xF200]  }
0xc8: {  	v19 =	vadd.f32 v19, v21;
	v21 =	vadd.f32 v32, v25;
	v25 =	vld [tilespmem:s20+$0xF600]  }
0xc9: {  	v18 =	vadd.f32 v18, v20;
	v20 =	vadd.f32 v27, v22;
	v22 =	vld [tilespmem:s20+$0xFA00]  }
0xca: {  	v17 =	vadd.f32 v17, v19;
	v19 =	vadd.f32 v24, v21;
	v21 =	vld [tilespmem:s20+$0xFE00]  }
0xcb: {  	v16 =	vadd.f32 v16, v18;
	v18 =	vadd.f32 v26, v20;
	v20 =	vld [tilespmem:s20+$0x10200]  }
0xcc: {  	v15 =	vadd.f32 v15, v17;
	v17 =	vadd.f32 v23, v19;
	v19 =	vld [tilespmem:s20+$0x10600]  }
0xcd: {  	v14 =	vadd.f32 v14, v16;
	v16 =	vadd.f32 v25, v18;
	v18 =	vld [tilespmem:s20+$0x10A00]  }
0xce: {  	v13 =	vadd.f32 v13, v15;
	v15 =	vadd.f32 v22, v17;
	v17 =	vld [tilespmem:s20+$0x10E00]  }
0xcf: {  	v12 =	vadd.f32 v12, v14;
	v14 =	vadd.f32 v21, v16;
	v16 =	vld [tilespmem:s20+$0x11200]  }
0xd0: {  	v11 =	vadd.f32 v11, v13;
	v13 =	vadd.f32 v20, v15;
	v15 =	vld [tilespmem:s20+$0x11600]  }
0xd1: {  	v10 =	vadd.f32 v10, v12;
	v12 =	vadd.f32 v19, v14;
	v14 =	vld [tilespmem:s20+$0x11A00]  }
0xd2: {  	v9 =	vadd.f32 v9, v11;
	v11 =	vadd.f32 v18, v13;
	v13 =	vld [tilespmem:s20+$0x11E00]  }
0xd3: {  	v8 =	vadd.f32 v8, v10;
	v10 =	vadd.f32 v17, v12;
	v12 =	vld [tilespmem:s20+$0x12200]  }
0xd4: {  	v7 =	vadd.f32 v7, v9;
	v9 =	vadd.f32 v16, v11;
	v11 =	vld [tilespmem:s20+$0x12600]  }
0xd5: {  	v6 =	vadd.f32 v6, v8;
	v8 =	vadd.f32 v15, v10;
	v10 =	vld [tilespmem:s20+$0x12A00]  }
0xd6: {  	v5 =	vadd.f32 v5, v7;
	v7 =	vadd.f32 v14, v9  }
0xd7: {  	v4 =	vadd.f32 v4, v6;
	v6 =	vadd.f32 v13, v8  }
0xd8: {  	v3 =	vadd.f32 v3, v5;
	v5 =	vadd.f32 v12, v7  }
0xd9: {  	v2 =	vadd.f32 v2, v4;
	v4 =	vadd.f32 v11, v6  }
0xda: {  	v0 =	vadd.f32 v0, v3;
	v3 =	vadd.f32 v10, v5;
	_ =	sdelay $0x1  }
0xdb: {  	v2 =	vadd.f32 v4, v2;
	v0 =	vadd.f32 v3, v0;
	_ =	sdelay $0x1  }
0xdc: {  	v0 =	vadd.f32 v0, v2;
	_ =	sdelay $0x1  }
0xdd: {  	[tilespmem:v1+s20+$0x0 ss:$0x1] =	vst.idx.msk $0xffff, v0;
	s20 =	sshra.s32 s21, $0x2  }
0xde: {  	v0 =	vld [tilespmem:s20+$0x12800]  }
0xdf: {  	v2 =	vld [tilespmem:s20+$0x12400]  }
0xe0: {  	v3 =	vld [tilespmem:s20+$0x12000]  }
0xe1: {  	v4 =	vld [tilespmem:s20+$0x11C00]  }
0xe2: {  	v5 =	vld [tilespmem:s20+$0x11800]  }
0xe3: {  	v6 =	vld [tilespmem:s20+$0x11400]  }
0xe4: {  	v7 =	vld [tilespmem:s20+$0x11000]  }
0xe5: {  	v8 =	vld [tilespmem:s20+$0x10C00]  }
0xe6: {  	v9 =	vld [tilespmem:s20+$0x10800]  }
0xe7: {  	v10 =	vld [tilespmem:s20+$0x10400]  }
0xe8: {  	v11 =	vld [tilespmem:s20+$0x10000]  }
0xe9: {  	v12 =	vld [tilespmem:s20+$0xFC00]  }
0xea: {  	v13 =	vld [tilespmem:s20+$0xF800]  }
0xeb: {  	v14 =	vld [tilespmem:s20+$0xF400]  }
0xec: {  	v15 =	vld [tilespmem:s20+$0xF000]  }
0xed: {  	v16 =	vld [tilespmem:s20+$0xEC00]  }
0xee: {  	v17 =	vld [tilespmem:s20+$0xE800]  }
0xef: {  	v18 =	vld [tilespmem:s20+$0xE400]  }
0xf0: {  	v19 =	vld [tilespmem:s20+$0xE000]  }
0xf1: {  	v20 =	vld [tilespmem:s20+$0xDC00]  }
0xf2: {  	v21 =	vld [tilespmem:s20+$0xD800]  }
0xf3: {  	v22 =	vld [tilespmem:s20+$0xCC00]  }
.Ltmp5:
0xf4: {  	v23 =	vld [tilespmem:s20+$0xD400];
	(pc) =	sbr.rel @p0 .LBB2_13-.Ltmp5, $4  }
0xf5: {  	v24 =	vld [tilespmem:s20+$0xCE00]  }
0xf6: {  	v25 =	vld [tilespmem:s20+$0xD000]  }
0xf7: {  	v26 =	vld [tilespmem:s20+$0xC800]  }
0xf8: {  	s21 =	sadd.s32 $0x40, s21;
	v27 =	vld [tilespmem:s20+$0xCA00]  }
0xf9: {  	v28 =	vld [tilespmem:s20+$0xD200]  }
0xfa: {  	v29 =	vld [tilespmem:s20+$0xD600]  }
0xfb: {  	v30 =	vld [tilespmem:s20+$0xDA00]  }
0xfc: {  	v31 =	vld [tilespmem:s20+$0xDE00]  }
0xfd: {  	v32 =	vld [tilespmem:s20+$0xE200];
	v25 =	vadd.f32 v25, v26  }
0xfe: {  	v60 =	vld [tilespmem:s20+$0xE600];
	v59 =	vadd.f32 v28, v27  }
0xff: {  	v22 =	vadd.f32 v23, v22;
	v62 =	vld [tilespmem:s20+$0xEA00];
	v21 =	vadd.f32 v21, v25  }
0x100: {  	v61 =	vadd.f32 v29, v24;
	v28 =	vld [tilespmem:s20+$0xEE00];
	v63 =	vadd.f32 v30, v59  }
0x101: {  	v20 =	vadd.f32 v20, v22;
	v30 =	vld [tilespmem:s20+$0xF200];
	v19 =	vadd.f32 v19, v21  }
0x102: {  	v34 =	vld [tilespmem:s20+$0xFA00];
	v29 =	vadd.f32 v31, v61;
	v31 =	vadd.f32 v32, v63  }
0x103: {  	v18 =	vadd.f32 v18, v20;
	v32 =	vld [tilespmem:s20+$0xF600];
	v17 =	vadd.f32 v17, v19  }
0x104: {  	v36 =	vld [tilespmem:s20+$0xFE00];
	v33 =	vadd.f32 v60, v29;
	v35 =	vadd.f32 v62, v31  }
0x105: {  	v38 =	vld [tilespmem:s20+$0x10200];
	v16 =	vadd.f32 v16, v18;
	v15 =	vadd.f32 v15, v17  }
0x106: {  	v40 =	vld [tilespmem:s20+$0x10600];
	v37 =	vadd.f32 v28, v33;
	v39 =	vadd.f32 v30, v35  }
0x107: {  	v42 =	vld [tilespmem:s20+$0x10A00];
	v14 =	vadd.f32 v14, v16;
	v13 =	vadd.f32 v13, v15  }
0x108: {  	v44 =	vld [tilespmem:s20+$0x10E00];
	v41 =	vadd.f32 v32, v37;
	v43 =	vadd.f32 v34, v39  }
0x109: {  	v46 =	vld [tilespmem:s20+$0x11200];
	v12 =	vadd.f32 v12, v14;
	v11 =	vadd.f32 v11, v13  }
0x10a: {  	v48 =	vld [tilespmem:s20+$0x11600];
	v45 =	vadd.f32 v36, v41;
	v47 =	vadd.f32 v38, v43  }
0x10b: {  	v50 =	vld [tilespmem:s20+$0x11A00];
	v10 =	vadd.f32 v10, v12;
	v9 =	vadd.f32 v9, v11  }
0x10c: {  	v52 =	vld [tilespmem:s20+$0x11E00];
	v49 =	vadd.f32 v40, v45;
	v51 =	vadd.f32 v42, v47  }
0x10d: {  	v54 =	vld [tilespmem:s20+$0x12200];
	v8 =	vadd.f32 v8, v10;
	v7 =	vadd.f32 v7, v9  }
0x10e: {  	v56 =	vld [tilespmem:s20+$0x12600];
	v53 =	vadd.f32 v44, v49;
	v55 =	vadd.f32 v46, v51  }
0x10f: {  	v58 =	vld [tilespmem:s20+$0x12A00];
	v6 =	vadd.f32 v6, v8;
	v5 =	vadd.f32 v5, v7  }
0x110: {  	v57 =	vadd.f32 v48, v53;
	v59 =	vadd.f32 v50, v55  }
0x111: {  	v4 =	vadd.f32 v4, v6;
	v3 =	vadd.f32 v3, v5  }
0x112: {  	v60 =	vadd.f32 v52, v57;
	v61 =	vadd.f32 v54, v59  }
0x113: {  	v2 =	vadd.f32 v2, v4;
	v0 =	vadd.f32 v0, v3  }
0x114: {  	s16 =	sadd.s32 $0x1, s16;
	v62 =	vadd.f32 v56, v60;
	v63 =	vadd.f32 v58, v61  }
0x115: {  	p0 =	sne.s32 s16, $0x8  }
.Ltmp6:
0x116: {  	v2 =	vadd.f32 v62, v2;
	v0 =	vadd.f32 v63, v0;
	(pc) =	sbr.rel @p0 .LBB2_4-.Ltmp6, $4  }
0x117: {  	_ = 	snop  }
0x118: {  	v0 =	vadd.f32 v0, v2  }
0x119: {  	s15 =	sadd.s32 $0x40, s15  }
0x11a: {  	s17 =	sadd.s32 $0x400, s17;
	s18 =	sadd.s32 $0x40, s18;
	s19 =	sadd.s32 $0x400, s19;
	[tilespmem:v1+s20+$0x0 ss:$0x1] =	vst.idx.msk $0xffff, v0  }
0x11b: {  	s14 =	sadd.s32 $0x1, s14  }
0x11c: {  	p0 =	sne.s32 s14, s6  }
.Ltmp7:
0x11d: {  	_ = 	snop;
	(pc) =	sbr.rel @p0 .LBB2_1-.Ltmp7, $4  }
0x11e: {  	[hbm4b:s5+s2] =	stream.linear.scatter [tilespmem:s13], [sflag:$0x3], $0x2000, $0x38;
	[tilespmem:$0x14C00] =	vst v63  }
0x11f: {  	_ =	swait.ge [sflag:s9], $0x2000  }
0x120: {  	[sflag:s9] =	ssyncset.done $0x0  }
0x121: {  	[sflag:s9] =	ssyncadd.s32 $0xFFFFE000  }
0x122: {  	_ =	sfence.sel $0x180000  }
0x123: {  	[bflag:$0x0] =	sbarrier.arrive $0xFFFF  }
0x124: {  	p0 =	sne.s32 s1, $0x0;
	_ =	strace $0x90000047  }
0x125: {  	s0 =	sadd.s32 @!p0 $0x100000, s0;
	[bflag:$0x2] =	sbarrier.arrive $0xFFFF  }
0x126: {  	[sflag:s0] =	ssyncadd.tile.s32 @!p0 $0x1;
	_ =	shalt  }
.Lfunc_end2:
_tile_overlayer_lowered:
.L_overlay_start_2:
0x127: {  	(tag) =	ssettag $0x2  }
0x128: {  	s0 =	rddreg [dreg:$0x0];
	s2 =	stileid.u32  }
0x129: {  	s1 =	rddreg [dreg:$0x1];
	p0 =	sne.s32 s2, $0x0  }
0x12a: {  	s3 =	rddreg [dreg:$0x2];
	[bflag:$0x3] =	sbarrier.arrive $0xFFFF;
	s2 =	simm.s32 @!p0 $0x1C03  }
0x12b: {  	[timem:s3], [sflag:s2] =	dma.local @!p0 [hbm:s0], s1  }
0x12c: {  	s0 =	simm.s32 @!p0 $0x3  }
0x12d: {  	_ =	swait.ge @!p0 [sflag:s0], s1  }
0x12e: {  	s1 =	ssub.s32 @!p0 $0x0, s1;
	[sflag:s0] =	ssyncset.done @!p0 $0x0  }
0x12f: {  	[sflag:s0] =	ssyncadd.s32 @!p0 s1  }
0x130: {  	[bflag:$0x3] =	sbarrier.arrive $0xFFFF  }
0x131: {  	_ =	shalt  }

// kernel: kernel.9.cloned.1.call-start
scs
__scs_entry_jumppad:
0x0: {  	(pc) =	sbr.rel $0x88, $3  }
0x1: {  	(tag) =	ssettag $0x0;
	lr =	simm.s32 $0x1  }
0x2: {  	[smem:$0x3F9B] =	sst lr;
	_ =	strace $0xD0000000  }
0x3: {  	_ = 	snop  }
0x4: {  	_ = 	snop  }
0x5: {  	_ = 	snop  }
0x6: {  	_ = 	snop  }
0x7: {  	_ = 	snop  }
__scs_overlays_trampoline_lowered:
0x8: {  	[smem:$0x3FAA] =	sst s0  }
0x9: {  	[smem:$0x3FAB] =	sst s1  }
0xa: {  	[smem:$0x3FAC] =	sst s2  }
0xb: {  	[smem:$0x3FAD] =	sst s3  }
0xc: {  	[smem:$0x3FAE] =	sst s4  }
0xd: {  	[smem:$0x3FAF] =	sst s5  }
0xe: {  	[smem:$0x3FB0] =	sst s6  }
0xf: {  	[smem:$0x3FB1] =	sst s7  }
0x10: {  	[smem:$0x3FB2] =	sst s8  }
0x11: {  	[smem:$0x3FB3] =	sst s9;
	s0 =	simm.s32 @!p0 $0x0  }
0x12: {  	s1 =	sld [smem:$0x3F99];
	s0 =	simm.s32 @p0 $0x1  }
0x13: {  	[smem:$0x3FB4] =	sst s0;
	s0 =	simm.s32 @!p1 $0x0  }
0x14: {  	s2 =	sld [smem:$0x3F98];
	s0 =	simm.s32 @p1 $0x1  }
0x15: {  	[smem:$0x3FB5] =	sst s0;
	s0 =	simm.s32 @!p2 $0x0  }
0x16: {  	s3 =	sld [smem:$0x3FDB];
	s0 =	simm.s32 @p2 $0x1  }
0x17: {  	s4 =	simm.s32 $0x1BF5;
	[smem:$0x3FB7] =	sst s0  }
0x18: {  	s0 =	sld [smem:$0x3F9A];
	_ =	swait.ge [sflag:s4], $0x0  }
0x19: {  	s7 =	sld [smem:$0x3F9B]  }
0x1a: {  	s8 =	sadd.s32 $0xFFFFE003, lr  }
0x1b: {  	s9 =	sadd.s32 $0xFFFFFEF7, lr;
	s5 =	simm.s32 $0xFFFFFFFF;
	p2 =	slt.u32 s8, $0xFFFFF086  }
0x1c: {  	p1 =	slt.u32 s9, $0xF7A;
	s5 =	simm.s32 @!p2 $0x0  }
0x1d: {  	s5 =	simm.s32 @p1 $0x1;
	p0 =	seq.s32 s7, s2  }
0x1e: {  	s7 =	smul.u32 @!p0 $0xF7A, s2;
	p2 =	seq.s32 @!p0 s5, $0x0  }
0x1f: {  	s9 =	smul.u32 $0xF7A, s1;
	s8 =	simm.s32 @!p0 $0x1BF5;
	p2 =	por !p2, p0  }
0x20: {  	[sflag:s8] =	ssyncset.s32 @!p0 $0xFFFFF086;
	s6 =	sadd.s32 @!p0 s3, s7;
	s7 =	simm.s32 @!p0 $0x108  }
0x21: {  	s3 =	sadd.s32 s3, s9;
	s6 =	sadd.s32 @!p0 $0x88, s6;
	s7 =	simm.s32 @p2 $0x1082  }
0x22: {  	[simem:s7], [sflag:s8] =	dma.local @!p0 [hbm:s6], $0xF7A  }
0x23: {  	s9 =	sor.u32 $0xD0000000, s2;
	s6 =	simm.s32 $0x108;
	_ =	swait.ge @!p0 [sflag:s8], $0x0  }
0x24: {  	s3 =	sadd.s32 $0x88, s3;
	s6 =	simm.s32 @!p1 $0x1082;
	[sflag:s4] =	ssyncset.s32 $0xFFFFF086  }
0x25: {  	[simem:s6], [sflag:s4] =	dma.local [hbm:s3], $0xF7A  }
0x26: {  	[smem:$0x3F9B] =	sst s1;
	(tag) =	ssettag s2;
	_ =	strace s9  }
0x27: {  	s1 =	sld [smem:$0x3FAB]  }
0x28: {  	s2 =	sld [smem:$0x3FAC]  }
0x29: {  	s4 =	sld [smem:$0x3FAE]  }
0x2a: {  	p0 =	seq.s32 s5, $0x0;
	s5 =	sld [smem:$0x3FAF]  }
0x2b: {  	s6 =	sld [smem:$0x3FB0]  }
0x2c: {  	s7 =	sld [smem:$0x3FB1]  }
0x2d: {  	s3 =	simm.s32 $0x108;
	s8 =	sld [smem:$0x3FB2]  }
0x2e: {  	s3 =	simm.s32 @!p0 $0x1082;
	s9 =	sld [smem:$0x3FB3]  }
0x2f: {  	lr =	sadd.s32 s0, s3;
	s0 =	sld [smem:$0x3FAA]  }
0x30: {  	s3 =	sld [smem:$0x3FAD]  }
0x31: {  	[smem:$0x3FB6] =	sst s10  }
0x32: {  	s10 =	sld [smem:$0x3FB4];
	_ =	sdelay $0x3  }
0x33: {  	p0 =	seq.s32 s10, $0x1;
	s10 =	sld [smem:$0x3FB6];
	_ =	sdelay $0x3  }
0x34: {  	[smem:$0x3FB6] =	sst s10  }
0x35: {  	s10 =	sld [smem:$0x3FB5];
	_ =	sdelay $0x3  }
0x36: {  	p1 =	seq.s32 s10, $0x1;
	s10 =	sld [smem:$0x3FB6];
	_ =	sdelay $0x3  }
0x37: {  	[smem:$0x3FB6] =	sst s10  }
0x38: {  	s10 =	sld [smem:$0x3FB7]  }
0x39: {  	_ = 	snop;
	(pc) =	sbr.ind lr, $3  }
0x3a: {  	_ = 	snop  }
0x3b: {  	_ = 	snop  }
0x3c: {  	p2 =	seq.s32 s10, $0x1;
	s10 =	sld [smem:$0x3FB6]  }
0x3d: {  	_ =	shalt  }
0x3e: {  	_ =	shalt  }
0x3f: {  	_ =	shalt  }
0x40: {  	_ =	shalt  }
0x41: {  	_ =	shalt  }
0x42: {  	_ =	shalt  }
0x43: {  	_ =	shalt  }
0x44: {  	_ =	shalt  }
0x45: {  	_ =	shalt  }
0x46: {  	_ =	shalt  }
0x47: {  	_ =	shalt  }
0x48: {  	_ =	shalt  }
0x49: {  	_ =	shalt  }
0x4a: {  	_ =	shalt  }
0x4b: {  	_ =	shalt  }
0x4c: {  	_ =	shalt  }
0x4d: {  	_ =	shalt  }
0x4e: {  	_ =	shalt  }
0x4f: {  	_ =	shalt  }
0x50: {  	_ =	shalt  }
0x51: {  	_ =	shalt  }
0x52: {  	_ =	shalt  }
0x53: {  	_ =	shalt  }
0x54: {  	_ =	shalt  }
0x55: {  	_ =	shalt  }
0x56: {  	_ =	shalt  }
0x57: {  	_ =	shalt  }
0x58: {  	_ =	shalt  }
0x59: {  	_ =	shalt  }
0x5a: {  	_ =	shalt  }
0x5b: {  	_ =	shalt  }
0x5c: {  	_ =	shalt  }
0x5d: {  	_ =	shalt  }
0x5e: {  	_ =	shalt  }
0x5f: {  	_ =	shalt  }
0x60: {  	_ =	shalt  }
0x61: {  	_ =	shalt  }
0x62: {  	_ =	shalt  }
0x63: {  	_ =	shalt  }
0x64: {  	_ =	shalt  }
0x65: {  	_ =	shalt  }
0x66: {  	_ =	shalt  }
0x67: {  	_ =	shalt  }
0x68: {  	_ =	shalt  }
0x69: {  	_ =	shalt  }
0x6a: {  	_ =	shalt  }
0x6b: {  	_ =	shalt  }
0x6c: {  	_ =	shalt  }
0x6d: {  	_ =	shalt  }
0x6e: {  	_ =	shalt  }
0x6f: {  	_ =	shalt  }
0x70: {  	_ =	shalt  }
0x71: {  	_ =	shalt  }
0x72: {  	_ =	shalt  }
0x73: {  	_ =	shalt  }
0x74: {  	_ =	shalt  }
0x75: {  	_ =	shalt  }
0x76: {  	_ =	shalt  }
0x77: {  	_ =	shalt  }
0x78: {  	_ =	shalt  }
0x79: {  	_ =	shalt  }
0x7a: {  	_ =	shalt  }
0x7b: {  	_ =	shalt  }
0x7c: {  	_ =	shalt  }
0x7d: {  	_ =	shalt  }
0x7e: {  	_ =	shalt  }
0x7f: {  	_ =	shalt  }
0x80: {  	_ =	shalt  }
0x81: {  	_ =	shalt  }
0x82: {  	_ =	shalt  }
0x83: {  	_ =	shalt  }
0x84: {  	_ =	shalt  }
0x85: {  	_ =	shalt  }
0x86: {  	_ =	shalt  }
0x87: {  	_ =	shalt  }
.Lfunc_end0:
.L_simem_size_0:
called_computation.1_lowered:
.L_overlay_start_0:
0x88: {  	s2 =	sld [smem:$0x3FD9]  }
0x89: {  	s3 =	sld [smem:$0x3FFE];
	_ =	sdelay $0x1  }
0x8a: {  	s1 =	srdreg.scid  }
0x8b: {  	s0 =	sand.u32 $0x1, s1  }
0x8c: {  	s16 =	sshll.u32 s0, $0xA;
	s2 =	sadd.s32 s3, s2  }
0x8d: {  	s2 =	sadd.s32 s2, s16  }
0x8e: {  	[smem:$0x3FC2] =	sst s2  }
0x8f: {  	_ = 	snop  }
0x90: {  	(tm) =	ssettm $0x1  }
0x91: {  	s17 =	sld [smem:$0x3FFB];
	_ =	sdelay $0x3  }
0x92: {  	_ =	strace s17  }
0x93: {  	s2 =	sld [smem:$0x3FFC];
	_ =	sdelay $0x3  }
0x94: {  	_ =	strace s2  }
0x95: {  	s2 =	sld [smem:$0x3FFD];
	_ =	sdelay $0x3  }
0x96: {  	_ =	strace s2  }
0x97: {  	_ =	strace $0x8FFFFFFF  }
0x98: {  	s18 =	sld [smem:$0x3FDB];
	_ =	sdelay $0x1  }
0x99: {  	s19 =	simm.s32 $_scs_section_size  }
0x9a: {  	s4 =	simm.s32 $_size__tile_overlayer_lowered;
	s5 =	simm.s32 $_tile_overlayer_lowered  }
0x9b: {  	s22 =	simm.s32 $0x1BFF;
	s21 =	sshll.u32 s5, $0x1;
	s2 =	sadd.s32 s19, s18  }
0x9c: {  	s6 =	simm.s32 $0x0;
	s20 =	sshll.u32 s4, $0x1;
	s4 =	sadd.s32 s21, s2  }
0x9d: {  	[timem:s6], [sflag:s22] =	dma.local [hbm:s4], s20  }
0x9e: {  	_ =	swait.ge [sflag:s22], s20  }
0x9f: {  	s3 =	ssub.s32 $0x0, s20;
	[sflag:s22] =	ssyncset.done $0x0  }
0xa0: {  	[sflag:s22] =	ssyncadd.s32 s3;
	_ =	sdelay $0x1  }
0xa1: {  	s23 =	simm.s32 $0x1B8B  }
0xa2: {  	_ =	swait.ge [sflag:s23], $0x1  }
0xa3: {  	[sflag:s23] =	ssyncset.done $0x0  }
0xa4: {  	s25 =	simm.s32 $0x1B8E;
	s24 =	sld [smem:$0x3FFE];
	[sflag:s23] =	ssyncadd.s32 $0xFFFFFFFF  }
0xa5: {  	s26 =	simm.s32 $execute0_lowered;
	[smem:$0x3FD2] =	sst s25  }
0xa6: {  	s4 =	sshll.u32 s26, $0x1;
	_ =	strace $0x80000049;
	[dreg:$0x1] =	wrdreg $0xFFFFFFFF  }
0xa7: {  	s28 =	simm.s32 $_size_execute0_lowered;
	s2 =	sadd.s32 s2, s4;
	[dreg:$0x0] =	wrdreg $0x0  }
0xa8: {  	s4 =	sshll.u32 s28, $0x1;
	[dreg:$0x2] =	wrdreg s2  }
0xa9: {  	[dreg:$0x3] =	wrdreg s4  }
0xaa: {  	[dreg:$0x4] =	wrdreg $0xC0  }
0xab: {  	_ =	task [dreg:s6], $0x5FFFF  }
0xac: {  	[dreg:$0x1] =	wrdreg $0xFFFFFFFF  }
0xad: {  	[dreg:$0x0] =	wrdreg $0x60  }
0xae: {  	[dreg:$0x2] =	wrdreg s24  }
0xaf: {  	[dreg:$0x3] =	wrdreg $0x9  }
0xb0: {  	_ =	task.clear_ibuf [dreg:s6], $0x4FFFF;
	_ =	strace $0x90000049  }
0xb1: {  	s29 =	simm.s32 $0x9;
	_ =	strace $0x8000004B  }
0xb2: {  	_ =	swait.ge [sflag:s29], $0x1  }
0xb3: {  	[sflag:s29] =	ssyncadd.s32 $0xFFFFFFFF  }
0xb4: {  	_ =	strace $0x9000004B  }
0xb5: {  	_ =	sfence  }
0xb6: {  	s30 =	sld [smem:$0x0];
	_ =	sdelay $0x2  }
0xb7: {  	s31 =	sshll.u32 s1, $0xD;
	s1 =	sshrl.u32 s1, $0x2  }
0xb8: {  	s3 =	sand.u32 $0x4000, s31;
	s1 =	sadd.s32 s1, s30  }
0xb9: {  	s0 =	sor.u32 s3, s0;
	s1 =	sshll.u32 s1, $0x11  }
0xba: {  	s0 =	sor.u32 s1, s0  }
0xbb: {  	s0 =	sadd.s32 $0x8F2B, s0  }
0xbc: {  	[sflag:s0] =	ssyncadd.remote.s32 $0x1  }
0xbd: {  	_ =	sfence.sel $0xFFFF  }
0xbe: {  	[dreg:$0x0] =	wrdreg $0xFFFFFFFF;
	(pc) =	sbr.abs _section_cstart, $3  }
0xbf: {  	[dreg:$0x1] =	wrdreg $0xFFFFFFFF  }
0xc0: {  	_ =	task.clear_ibuf [dreg:s6], $0x2FFFF;
	_ =	strace $0x9FFFFFFF  }
0xc1: {  	(tm) =	ssettm $0x7FFFFFFF  }
tec
execute0_lowered:
.L_overlay_start_1:
0x0: {  	(tag) =	ssettag $0x1  }
0x1: {  	s3 =	rddreg [dreg:$0x0]  }
0x2: {  	s0 =	rddreg [dreg:$0x1]  }
0x3: {  	s4 =	srdreg.scid;
	s2 =	simm.s32 $0x0;
	s1 =	stileid.u32  }
0x4: {  	s9 =	simm.s32 $0x200;
	s10 =	simm.s32 $0x4000;
	s11 =	simm.s32 $0x3  }
0x5: {  	s12 =	simm.s32 $0x2;
	s13 =	simm.s32 $0x20;
	s14 =	simm.s32 $0x1  }
0x6: {  	s15 =	simm.s32 $0x12C00;
	s16 =	simm.s32 $0x0;
	s4 =	sand.u32 $0x1, s4  }
0x7: {  	[smem:$0x7FF] =	sst s2;
	s5 =	sshll.u32 s1, $0xA;
	s6 =	sshll.u32 s4, $0x9  }
0x8: {  	_ =	strace $0x8000004A;
	s4 =	ssub.s32 $0x2, s4;
	s5 =	sor.u32 s6, s5  }
0x9: {  	s31 =	sshrl.u32 s4, $0x1;
	s6 =	sshrl.u32 s5, $0x3;
	s5 =	sshll.u32 s5, $0x1  }
0xa: {  	s8 =	ssub.s32 s4, s31;
	s6 =	sadd.s32 s6, s3;
	s7 =	sadd.s32 s5, s3  }
0xb: {  	s3 =	sadd.s32 $0x6D000, s3;
	s4 =	sadd.s32 $0x4C000, s7;
	s5 =	sadd.s32 $0x54000, s6  }
0xc: {  	s6 =	sadd.s32 $0x1000, s7;
	s7 =	smax.u32 s8, $0x1;
	s8 =	simm.s32 $0x14C00  }
.LBB2_1:
0xd: {  	[tilespmem:s8], [sflag:$0x2] =	stream.linear.gather [hbm4b:s4+s2], $0x2000, $0x38;
	[tilespmem:$0x16C00] =	vst v63  }
0xe: {  	_ = 	snop  }
0xf: {  	[tilespmem:s2], [sflag:$0x3] =	stream.strided.gather [hbm4b:s5+s9], $0x6400, s10, s9, $0x38;
	[tilespmem:$0x16C00] =	vst v63  }
0x10: {  	_ =	swait.ge [sflag:s11], $0x6400  }
0x11: {  	[sflag:s11] =	ssyncset.done $0x0  }
0x12: {  	[sflag:s11] =	ssyncadd.s32 $0xFFFF9C00  }
0x13: {  	_ =	swait.ge [sflag:s12], $0x2000  }
0x14: {  	[sflag:s12] =	ssyncset.done $0x0  }
0x15: {  	s18 =	simm.s32 $0x0;
	[sflag:s12] =	ssyncadd.s32 $0xFFFFE000  }
.LBB2_2:
0x16: {  	p0 =	sne.s32 s18, $0x18800  }
.Ltmp0:
0x17: {  	_ = 	snop;
	(pc) =	sbr.rel @p0 .LBB2_2-.Ltmp0, $4  }
0x18: {  	_ = 	snop  }
0x19: {  	s19 =	sshra.s32 s18, $0x2  }
0x1a: {  	s17 =	simm.s32 $0x20;
	s18 =	sadd.s32 $0x800, s18;
	s20 =	sadd.s32 $0x6400, s19  }
0x1b: {  	[tilespmem:s20], [sflag:$0x1] =	stream.indirect.gather [hbm4b:s3+s17], $0x10, s19, s17, $0xb8;
	[tilespmem:$0x16C00] =	vst v63  }
0x1c: {  	s18 =	simm.s32 $0x0;
	s19 =	simm.s32 $0x12C00;
	s20 =	simm.s32 $0x14C00  }
0x1d: {  	s21 =	simm.s32 $0x40;
	s22 =	simm.s32 $0x12E00;
	s23 =	simm.s32 $0x14E00  }
.LBB2_4:
0x1e: {  	s24 =	simm.s32 $0x800;
	s25 =	simm.s32 $0xC800;
	s26 =	sadd.s32 $0x0, s17  }
.LBB2_5:
0x1f: {  	[tilespmem:s25], [sflag:$0x2] =	stream.indirect.gather [hbm4b:s3+s13], $0x10, s26, s13, $0xb8;
	[tilespmem:$0x16C00] =	vst v63  }
0x20: {  	s25 =	smov.u32 s24;
	p0 =	sne.s32 s24, $0x18800  }
.Ltmp1:
0x21: {  	s24 =	sadd.s32 $0x800, s24;
	(pc) =	sbr.rel @p0 .LBB2_5-.Ltmp1, $3  }
0x22: {  	_ =	sdelay $0x1  }
0x23: {  	s26 =	sshra.s32 s25, $0x2  }
0x24: {  	s25 =	sadd.s32 $0xC800, s26;
	s26 =	sadd.s32 s26, s17  }
0x25: {  	[tilespmem:s25], [sflag:$0x2] =	stream.indirect.gather [hbm4b:s3+s13], $0x10, s26, s13, $0xb8;
	[tilespmem:$0x16C00] =	vst v63  }
0x26: {  	_ =	swait.ge [sflag:s14], $0x6400  }
0x27: {  	[sflag:s14] =	ssyncset.done $0x0  }
0x28: {  	s24 =	simm.s32 $0x0;
	[sflag:s14] =	ssyncadd.s32 $0xFFFF9C00  }
0x29: {  	v0 =	vld [tilespmem:s24+$0xC400]  }
0x2a: {  	v3 =	vld [tilespmem:s24+$0xC000]  }
0x2b: {  	v4 =	vld [tilespmem:s24+$0xBC00]  }
0x2c: {  	v5 =	vld [tilespmem:s24+$0xB800]  }
0x2d: {  	v6 =	vld [tilespmem:s24+$0xB400]  }
0x2e: {  	v7 =	vld [tilespmem:s24+$0xB000]  }
0x2f: {  	v8 =	vld [tilespmem:s24+$0xAC00]  }
0x30: {  	v9 =	vld [tilespmem:s24+$0xA800]  }
0x31: {  	v10 =	vld [tilespmem:s24+$0xA400]  }
0x32: {  	v11 =	vld [tilespmem:s24+$0xA000]  }
0x33: {  	v12 =	vld [tilespmem:s24+$0x9C00]  }
0x34: {  	v13 =	vld [tilespmem:s24+$0x9800]  }
0x35: {  	v14 =	vld [tilespmem:s24+$0x9400]  }
0x36: {  	v15 =	vld [tilespmem:s24+$0x9000]  }
0x37: {  	v16 =	vld [tilespmem:s24+$0x8C00]  }
0x38: {  	v17 =	vld [tilespmem:s24+$0x8800]  }
0x39: {  	v18 =	vld [tilespmem:s24+$0x8400]  }
0x3a: {  	v19 =	vld [tilespmem:s24+$0x8000]  }
0x3b: {  	v20 =	vld [tilespmem:s24+$0x7C00]  }
0x3c: {  	v21 =	vld [tilespmem:s24+$0x7800]  }
0x3d: {  	v22 =	vld [tilespmem:s24+$0x7400]  }
0x3e: {  	v23 =	vld [tilespmem:s24+$0x6800]  }
0x3f: {  	v24 =	vld [tilespmem:s24+$0x7000]  }
0x40: {  	v25 =	vld [tilespmem:s24+$0x6A00]  }
0x41: {  	v26 =	vld [tilespmem:s24+$0x6C00]  }
0x42: {  	v27 =	vld [tilespmem:s24+$0x6400]  }
0x43: {  	v2 =	vmov s20;
	v1 =	vmov s19;
	s25 =	simm.s32 $0x40;
	v28 =	vld [tilespmem:s24+$0x6600]  }
.LBB2_7:
0x44: {  	p0 =	sne.s32 s25, $0x7C0;
	v29 =	vld [tilespmem:s24+$0x6E00]  }
0x45: {  	v30 =	vld [tilespmem:s24+$0x7200]  }
0x46: {  	v31 =	vld [tilespmem:s24+$0x7600]  }
0x47: {  	v32 =	vld [tilespmem:s24+$0x7A00]  }
0x48: {  	v33 =	vld [tilespmem:s24+$0x7E00]  }
0x49: {  	v26 =	vadd.f32 v26, v27;
	v27 =	vadd.f32 v29, v28;
	v28 =	vld [tilespmem:s24+$0x8200]  }
0x4a: {  	v23 =	vadd.f32 v24, v23;
	v24 =	vadd.f32 v30, v25;
	v25 =	vld [tilespmem:s24+$0x8600]  }
0x4b: {  	v22 =	vadd.f32 v22, v26;
	v26 =	vadd.f32 v31, v27;
	v27 =	vld [tilespmem:s24+$0x8A00]  }
0x4c: {  	v21 =	vadd.f32 v21, v23;
	v23 =	vadd.f32 v32, v24;
	v24 =	vld [tilespmem:s24+$0x8E00]  }
0x4d: {  	v20 =	vadd.f32 v20, v22;
	v22 =	vadd.f32 v33, v26;
	v26 =	vld [tilespmem:s24+$0x9200]  }
0x4e: {  	v19 =	vadd.f32 v19, v21;
	v21 =	vadd.f32 v28, v23;
	v23 =	vld [tilespmem:s24+$0x9600]  }
0x4f: {  	v18 =	vadd.f32 v18, v20;
	v20 =	vadd.f32 v25, v22;
	v22 =	vld [tilespmem:s24+$0x9A00]  }
0x50: {  	v17 =	vadd.f32 v17, v19;
	v19 =	vadd.f32 v27, v21;
	v21 =	vld [tilespmem:s24+$0x9E00]  }
0x51: {  	v16 =	vadd.f32 v16, v18;
	v18 =	vadd.f32 v24, v20;
	v20 =	vld [tilespmem:s24+$0xA200]  }
0x52: {  	v15 =	vadd.f32 v15, v17;
	v17 =	vadd.f32 v26, v19;
	v19 =	vld [tilespmem:s24+$0xA600]  }
0x53: {  	v14 =	vadd.f32 v14, v16;
	v16 =	vadd.f32 v23, v18;
	v18 =	vld [tilespmem:s24+$0xAA00]  }
0x54: {  	v13 =	vadd.f32 v13, v15;
	v15 =	vadd.f32 v22, v17;
	v17 =	vld [tilespmem:s24+$0xAE00]  }
0x55: {  	v12 =	vadd.f32 v12, v14;
	v14 =	vadd.f32 v21, v16;
	v16 =	vld [tilespmem:s24+$0xB200]  }
0x56: {  	v11 =	vadd.f32 v11, v13;
	v13 =	vadd.f32 v20, v15;
	v15 =	vld [tilespmem:s24+$0xB600]  }
0x57: {  	v10 =	vadd.f32 v10, v12;
	v12 =	vadd.f32 v19, v14;
	v14 =	vld [tilespmem:s24+$0xBA00]  }
0x58: {  	v9 =	vadd.f32 v9, v11;
	v11 =	vadd.f32 v18, v13;
	v13 =	vld [tilespmem:s24+$0xBE00]  }
0x59: {  	v8 =	vadd.f32 v8, v10;
	v10 =	vadd.f32 v17, v12;
	v12 =	vld [tilespmem:s24+$0xC200]  }
0x5a: {  	v7 =	vadd.f32 v7, v9;
	v9 =	vadd.f32 v16, v11;
	v11 =	vld [tilespmem:s24+$0xC600]  }
0x5b: {  	v6 =	vadd.f32 v6, v8;
	v8 =	vadd.f32 v15, v10  }
0x5c: {  	v5 =	vadd.f32 v5, v7;
	v7 =	vadd.f32 v14, v9  }
0x5d: {  	v4 =	vadd.f32 v4, v6;
	v6 =	vadd.f32 v13, v8  }
0x5e: {  	v3 =	vadd.f32 v3, v5;
	v5 =	vadd.f32 v12, v7  }
0x5f: {  	v0 =	vadd.f32 v0, v4;
	v4 =	vadd.f32 v11, v6;
	v6 =	vld.idx.msk [tilespmem:v2+s24+$0x0 ss:$0x1], $0xffff;
	_ =	sdelay $0x1  }
0x60: {  	v3 =	vadd.f32 v5, v3;
	v0 =	vadd.f32 v4, v0;
	_ =	sdelay $0x1  }
0x61: {  	v0 =	vadd.f32 v0, v3;
	_ =	sdelay $0x1  }
0x62: {  	v0 =	vadd.f32 v0, v6;
	_ =	sdelay $0x1  }
0x63: {  	[tilespmem:v1+s24+$0x0 ss:$0x1] =	vst.idx.msk $0xffff, v0;
	s24 =	sshra.s32 s25, $0x2  }
0x64: {  	v0 =	vld [tilespmem:s24+$0xC400]  }
0x65: {  	v3 =	vld [tilespmem:s24+$0xC000]  }
0x66: {  	v4 =	vld [tilespmem:s24+$0xBC00]  }
0x67: {  	v5 =	vld [tilespmem:s24+$0xB800]  }
0x68: {  	v6 =	vld [tilespmem:s24+$0xB400]  }
0x69: {  	v7 =	vld [tilespmem:s24+$0xB000]  }
0x6a: {  	v8 =	vld [tilespmem:s24+$0xAC00]  }
0x6b: {  	v9 =	vld [tilespmem:s24+$0xA800]  }
0x6c: {  	v10 =	vld [tilespmem:s24+$0xA400]  }
0x6d: {  	v11 =	vld [tilespmem:s24+$0xA000]  }
0x6e: {  	v12 =	vld [tilespmem:s24+$0x9C00]  }
0x6f: {  	v13 =	vld [tilespmem:s24+$0x9800]  }
0x70: {  	v14 =	vld [tilespmem:s24+$0x9400]  }
0x71: {  	v15 =	vld [tilespmem:s24+$0x9000]  }
0x72: {  	v16 =	vld [tilespmem:s24+$0x8C00]  }
0x73: {  	v17 =	vld [tilespmem:s24+$0x8800]  }
0x74: {  	v18 =	vld [tilespmem:s24+$0x8400]  }
0x75: {  	v19 =	vld [tilespmem:s24+$0x8000]  }
0x76: {  	v20 =	vld [tilespmem:s24+$0x7C00]  }
0x77: {  	v21 =	vld [tilespmem:s24+$0x7800]  }
0x78: {  	v22 =	vld [tilespmem:s24+$0x7400]  }
0x79: {  	v23 =	vld [tilespmem:s24+$0x6800]  }
.Ltmp2:
0x7a: {  	v24 =	vld [tilespmem:s24+$0x7000];
	(pc) =	sbr.rel @p0 .LBB2_7-.Ltmp2, $4  }
0x7b: {  	v25 =	vld [tilespmem:s24+$0x6A00]  }
0x7c: {  	v26 =	vld [tilespmem:s24+$0x6C00]  }
0x7d: {  	v27 =	vld [tilespmem:s24+$0x6400]  }
0x7e: {  	s25 =	sadd.s32 $0x40, s25;
	v28 =	vld [tilespmem:s24+$0x6600]  }
0x7f: {  	v29 =	vld [tilespmem:s24+$0x6E00]  }
0x80: {  	v30 =	vld [tilespmem:s24+$0x7200]  }
0x81: {  	v31 =	vld [tilespmem:s24+$0x7600]  }
0x82: {  	v32 =	vld [tilespmem:s24+$0x7A00]  }
0x83: {  	v33 =	vld [tilespmem:s24+$0x7E00]  }
0x84: {  	v59 =	vld [tilespmem:s24+$0x8200];
	v26 =	vadd.f32 v26, v27;
	v58 =	vadd.f32 v29, v28  }
0x85: {  	v23 =	vadd.f32 v24, v23;
	v61 =	vld [tilespmem:s24+$0x8600];
	v60 =	vadd.f32 v30, v25  }
0x86: {  	v63 =	vld [tilespmem:s24+$0x8A00];
	v22 =	vadd.f32 v22, v26;
	v62 =	vadd.f32 v31, v58  }
0x87: {  	v21 =	vadd.f32 v21, v23;
	v30 =	vld [tilespmem:s24+$0x8E00];
	v29 =	vadd.f32 v32, v60  }
0x88: {  	v20 =	vadd.f32 v20, v22;
	v32 =	vld [tilespmem:s24+$0x9200];
	v31 =	vadd.f32 v33, v62  }
0x89: {  	v34 =	vld [tilespmem:s24+$0x9600];
	v19 =	vadd.f32 v19, v21;
	v33 =	vadd.f32 v59, v29  }
0x8a: {  	v36 =	vld [tilespmem:s24+$0x9A00];
	v18 =	vadd.f32 v18, v20;
	v35 =	vadd.f32 v61, v31  }
0x8b: {  	v38 =	vld [tilespmem:s24+$0x9E00];
	v17 =	vadd.f32 v17, v19;
	v37 =	vadd.f32 v63, v33  }
0x8c: {  	v40 =	vld [tilespmem:s24+$0xA200];
	v16 =	vadd.f32 v16, v18;
	v39 =	vadd.f32 v30, v35  }
0x8d: {  	v42 =	vld [tilespmem:s24+$0xA600];
	v15 =	vadd.f32 v15, v17;
	v41 =	vadd.f32 v32, v37  }
0x8e: {  	v44 =	vld [tilespmem:s24+$0xAA00];
	v14 =	vadd.f32 v14, v16;
	v43 =	vadd.f32 v34, v39  }
0x8f: {  	v46 =	vld [tilespmem:s24+$0xAE00];
	v13 =	vadd.f32 v13, v15;
	v45 =	vadd.f32 v36, v41  }
0x90: {  	v48 =	vld [tilespmem:s24+$0xB200];
	v12 =	vadd.f32 v12, v14;
	v47 =	vadd.f32 v38, v43  }
0x91: {  	v50 =	vld [tilespmem:s24+$0xB600];
	v11 =	vadd.f32 v11, v13;
	v49 =	vadd.f32 v40, v45  }
0x92: {  	v52 =	vld [tilespmem:s24+$0xBA00];
	v10 =	vadd.f32 v10, v12;
	v51 =	vadd.f32 v42, v47  }
0x93: {  	v54 =	vld [tilespmem:s24+$0xBE00];
	v9 =	vadd.f32 v9, v11;
	v53 =	vadd.f32 v44, v49  }
0x94: {  	v56 =	vld [tilespmem:s24+$0xC200];
	v8 =	vadd.f32 v8, v10;
	v55 =	vadd.f32 v46, v51  }
0x95: {  	v58 =	vld [tilespmem:s24+$0xC600];
	v7 =	vadd.f32 v7, v9;
	v57 =	vadd.f32 v48, v53  }
0x96: {  	v6 =	vadd.f32 v6, v8;
	v59 =	vadd.f32 v50, v55  }
0x97: {  	v5 =	vadd.f32 v5, v7;
	v60 =	vadd.f32 v52, v57  }
0x98: {  	v4 =	vadd.f32 v4, v6;
	v61 =	vadd.f32 v54, v59  }
0x99: {  	v3 =	vadd.f32 v3, v5;
	v62 =	vadd.f32 v56, v60  }
0x9a: {  	v0 =	vadd.f32 v0, v4;
	v63 =	vadd.f32 v58, v61  }
0x9b: {  	v2 =	vld.idx.msk [tilespmem:v2+s24+$0x0 ss:$0x1], $0xffff  }
0x9c: {  	v3 =	vadd.f32 v62, v3;
	v0 =	vadd.f32 v63, v0  }
0x9d: {  	p0 =	seq.s32 s18, $0x7  }
.Ltmp3:
0x9e: {  	v0 =	vadd.f32 v0, v3;
	(pc) =	sbr.rel @p0 .LBB2_12-.Ltmp3, $3  }
0x9f: {  	_ = 	snop  }
0xa0: {  	v0 =	vadd.f32 v0, v2;
	_ =	sdelay $0x1  }
0xa1: {  	[tilespmem:v1+s24+$0x0 ss:$0x1] =	vst.idx.msk $0xffff, v0  }
0xa2: {  	s24 =	simm.s32 $0x800;
	s25 =	simm.s32 $0x6400;
	s26 =	sadd.s32 $0x0, s21  }
.LBB2_10:
0xa3: {  	[tilespmem:s25], [sflag:$0x1] =	stream.indirect.gather [hbm4b:s3+s13], $0x10, s26, s13, $0xb8;
	[tilespmem:$0x16C00] =	vst v63  }
0xa4: {  	s25 =	smov.u32 s24;
	p0 =	sne.s32 s24, $0x18800  }
.Ltmp4:
0xa5: {  	s24 =	sadd.s32 $0x800, s24;
	(pc) =	sbr.rel @p0 .LBB2_10-.Ltmp4, $3  }
0xa6: {  	_ =	sdelay $0x1  }
0xa7: {  	s26 =	sshra.s32 s25, $0x2  }
0xa8: {  	s25 =	sadd.s32 $0x6400, s26;
	s26 =	sadd.s32 s26, s21  }
0xa9: {  	[tilespmem:s25], [sflag:$0x1] =	stream.indirect.gather [hbm4b:s3+s13], $0x10, s26, s13, $0xb8;
	[tilespmem:$0x16C00] =	vst v63  }
.LBB2_12:
0xaa: {  	_ =	swait.ge [sflag:s12], $0x6400  }
0xab: {  	[sflag:s12] =	ssyncset.done $0x0  }
0xac: {  	s24 =	simm.s32 $0x0;
	[sflag:s12] =	ssyncadd.s32 $0xFFFF9C00  }
0xad: {  	v1 =	vld [tilespmem:s24+$0x12800]  }
0xae: {  	v3 =	vld [tilespmem:s24+$0x12400]  }
0xaf: {  	v4 =	vld [tilespmem:s24+$0x12000]  }
0xb0: {  	v5 =	vld [tilespmem:s24+$0x11C00]  }
0xb1: {  	v6 =	vld [tilespmem:s24+$0x11800]  }
0xb2: {  	v7 =	vld [tilespmem:s24+$0x11400]  }
0xb3: {  	v8 =	vld [tilespmem:s24+$0x11000]  }
0xb4: {  	v9 =	vld [tilespmem:s24+$0x10C00]  }
0xb5: {  	v10 =	vld [tilespmem:s24+$0x10800]  }
0xb6: {  	v11 =	vld [tilespmem:s24+$0x10400]  }
0xb7: {  	v12 =	vld [tilespmem:s24+$0x10000]  }
0xb8: {  	v13 =	vld [tilespmem:s24+$0xFC00]  }
0xb9: {  	v14 =	vld [tilespmem:s24+$0xF800]  }
0xba: {  	v15 =	vld [tilespmem:s24+$0xF400]  }
0xbb: {  	v16 =	vld [tilespmem:s24+$0xF000]  }
0xbc: {  	v17 =	vld [tilespmem:s24+$0xEC00]  }
0xbd: {  	v18 =	vld [tilespmem:s24+$0xE800]  }
0xbe: {  	v19 =	vld [tilespmem:s24+$0xE400]  }
0xbf: {  	v20 =	vld [tilespmem:s24+$0xE000]  }
0xc0: {  	v21 =	vld [tilespmem:s24+$0xDC00]  }
0xc1: {  	v22 =	vld [tilespmem:s24+$0xD800]  }
0xc2: {  	v23 =	vld [tilespmem:s24+$0xCC00]  }
0xc3: {  	v24 =	vld [tilespmem:s24+$0xD400]  }
0xc4: {  	v25 =	vld [tilespmem:s24+$0xCE00]  }
0xc5: {  	v26 =	vld [tilespmem:s24+$0xD000]  }
0xc6: {  	v27 =	vld [tilespmem:s24+$0xC800]  }
0xc7: {  	v2 =	vmov s23;
	v0 =	vmov s22;
	s25 =	simm.s32 $0x40;
	v28 =	vld [tilespmem:s24+$0xCA00]  }
.LBB2_13:
0xc8: {  	p0 =	sne.s32 s25, $0x7C0;
	v29 =	vld [tilespmem:s24+$0xD200]  }
0xc9: {  	v30 =	vld [tilespmem:s24+$0xD600]  }
0xca: {  	v31 =	vld [tilespmem:s24+$0xDA00]  }
0xcb: {  	v32 =	vld [tilespmem:s24+$0xDE00]  }
0xcc: {  	v33 =	vld [tilespmem:s24+$0xE200]  }
0xcd: {  	v26 =	vadd.f32 v26, v27;
	v27 =	vadd.f32 v29, v28;
	v28 =	vld [tilespmem:s24+$0xE600]  }
0xce: {  	v23 =	vadd.f32 v24, v23;
	v24 =	vadd.f32 v30, v25;
	v25 =	vld [tilespmem:s24+$0xEA00]  }
0xcf: {  	v22 =	vadd.f32 v22, v26;
	v26 =	vadd.f32 v31, v27;
	v27 =	vld [tilespmem:s24+$0xEE00]  }
0xd0: {  	v21 =	vadd.f32 v21, v23;
	v23 =	vadd.f32 v32, v24;
	v24 =	vld [tilespmem:s24+$0xF200]  }
0xd1: {  	v20 =	vadd.f32 v20, v22;
	v22 =	vadd.f32 v33, v26;
	v26 =	vld [tilespmem:s24+$0xF600]  }
0xd2: {  	v19 =	vadd.f32 v19, v21;
	v21 =	vadd.f32 v28, v23;
	v23 =	vld [tilespmem:s24+$0xFA00]  }
0xd3: {  	v18 =	vadd.f32 v18, v20;
	v20 =	vadd.f32 v25, v22;
	v22 =	vld [tilespmem:s24+$0xFE00]  }
0xd4: {  	v17 =	vadd.f32 v17, v19;
	v19 =	vadd.f32 v27, v21;
	v21 =	vld [tilespmem:s24+$0x10200]  }
0xd5: {  	v16 =	vadd.f32 v16, v18;
	v18 =	vadd.f32 v24, v20;
	v20 =	vld [tilespmem:s24+$0x10600]  }
0xd6: {  	v15 =	vadd.f32 v15, v17;
	v17 =	vadd.f32 v26, v19;
	v19 =	vld [tilespmem:s24+$0x10A00]  }
0xd7: {  	v14 =	vadd.f32 v14, v16;
	v16 =	vadd.f32 v23, v18;
	v18 =	vld [tilespmem:s24+$0x10E00]  }
0xd8: {  	v13 =	vadd.f32 v13, v15;
	v15 =	vadd.f32 v22, v17;
	v17 =	vld [tilespmem:s24+$0x11200]  }
0xd9: {  	v12 =	vadd.f32 v12, v14;
	v14 =	vadd.f32 v21, v16;
	v16 =	vld [tilespmem:s24+$0x11600]  }
0xda: {  	v11 =	vadd.f32 v11, v13;
	v13 =	vadd.f32 v20, v15;
	v15 =	vld [tilespmem:s24+$0x11A00]  }
0xdb: {  	v10 =	vadd.f32 v10, v12;
	v12 =	vadd.f32 v19, v14;
	v14 =	vld [tilespmem:s24+$0x11E00]  }
0xdc: {  	v9 =	vadd.f32 v9, v11;
	v11 =	vadd.f32 v18, v13;
	v13 =	vld [tilespmem:s24+$0x12200]  }
0xdd: {  	v8 =	vadd.f32 v8, v10;
	v10 =	vadd.f32 v17, v12;
	v12 =	vld [tilespmem:s24+$0x12600]  }
0xde: {  	v7 =	vadd.f32 v7, v9;
	v9 =	vadd.f32 v16, v11;
	v11 =	vld [tilespmem:s24+$0x12A00]  }
0xdf: {  	v6 =	vadd.f32 v6, v8;
	v8 =	vadd.f32 v15, v10  }
0xe0: {  	v5 =	vadd.f32 v5, v7;
	v7 =	vadd.f32 v14, v9  }
0xe1: {  	v4 =	vadd.f32 v4, v6;
	v6 =	vadd.f32 v13, v8  }
0xe2: {  	v3 =	vadd.f32 v3, v5;
	v5 =	vadd.f32 v12, v7  }
0xe3: {  	v1 =	vadd.f32 v1, v4;
	v4 =	vadd.f32 v11, v6;
	v6 =	vld.idx.msk [tilespmem:v2+s24+$0x0 ss:$0x1], $0xffff;
	_ =	sdelay $0x1  }
0xe4: {  	v3 =	vadd.f32 v5, v3;
	v1 =	vadd.f32 v4, v1;
	_ =	sdelay $0x1  }
0xe5: {  	v1 =	vadd.f32 v1, v3;
	_ =	sdelay $0x1  }
0xe6: {  	v1 =	vadd.f32 v1, v6;
	_ =	sdelay $0x1  }
0xe7: {  	[tilespmem:v0+s24+$0x0 ss:$0x1] =	vst.idx.msk $0xffff, v1;
	s24 =	sshra.s32 s25, $0x2  }
0xe8: {  	v1 =	vld [tilespmem:s24+$0x12800]  }
0xe9: {  	v3 =	vld [tilespmem:s24+$0x12400]  }
0xea: {  	v4 =	vld [tilespmem:s24+$0x12000]  }
0xeb: {  	v5 =	vld [tilespmem:s24+$0x11C00]  }
0xec: {  	v6 =	vld [tilespmem:s24+$0x11800]  }
0xed: {  	v7 =	vld [tilespmem:s24+$0x11400]  }
0xee: {  	v8 =	vld [tilespmem:s24+$0x11000]  }
0xef: {  	v9 =	vld [tilespmem:s24+$0x10C00]  }
0xf0: {  	v10 =	vld [tilespmem:s24+$0x10800]  }
0xf1: {  	v11 =	vld [tilespmem:s24+$0x10400]  }
0xf2: {  	v12 =	vld [tilespmem:s24+$0x10000]  }
0xf3: {  	v13 =	vld [tilespmem:s24+$0xFC00]  }
0xf4: {  	v14 =	vld [tilespmem:s24+$0xF800]  }
0xf5: {  	v15 =	vld [tilespmem:s24+$0xF400]  }
0xf6: {  	v16 =	vld [tilespmem:s24+$0xF000]  }
0xf7: {  	v17 =	vld [tilespmem:s24+$0xEC00]  }
0xf8: {  	v18 =	vld [tilespmem:s24+$0xE800]  }
0xf9: {  	v19 =	vld [tilespmem:s24+$0xE400]  }
0xfa: {  	v20 =	vld [tilespmem:s24+$0xE000]  }
0xfb: {  	v21 =	vld [tilespmem:s24+$0xDC00]  }
0xfc: {  	v22 =	vld [tilespmem:s24+$0xD800]  }
0xfd: {  	v23 =	vld [tilespmem:s24+$0xCC00]  }
.Ltmp5:
0xfe: {  	v24 =	vld [tilespmem:s24+$0xD400];
	(pc) =	sbr.rel @p0 .LBB2_13-.Ltmp5, $4  }
0xff: {  	v25 =	vld [tilespmem:s24+$0xCE00]  }
0x100: {  	v26 =	vld [tilespmem:s24+$0xD000]  }
0x101: {  	v27 =	vld [tilespmem:s24+$0xC800]  }
0x102: {  	s25 =	sadd.s32 $0x40, s25;
	v28 =	vld [tilespmem:s24+$0xCA00]  }
0x103: {  	v29 =	vld [tilespmem:s24+$0xD200]  }
0x104: {  	v30 =	vld [tilespmem:s24+$0xD600]  }
0x105: {  	v31 =	vld [tilespmem:s24+$0xDA00]  }
0x106: {  	v32 =	vld [tilespmem:s24+$0xDE00]  }
0x107: {  	v33 =	vld [tilespmem:s24+$0xE200]  }
0x108: {  	v59 =	vld [tilespmem:s24+$0xE600];
	v26 =	vadd.f32 v26, v27;
	v58 =	vadd.f32 v29, v28  }
0x109: {  	v23 =	vadd.f32 v24, v23;
	v61 =	vld [tilespmem:s24+$0xEA00];
	v60 =	vadd.f32 v30, v25  }
0x10a: {  	v63 =	vld [tilespmem:s24+$0xEE00];
	v22 =	vadd.f32 v22, v26;
	v62 =	vadd.f32 v31, v58  }
0x10b: {  	v21 =	vadd.f32 v21, v23;
	v30 =	vld [tilespmem:s24+$0xF200];
	v29 =	vadd.f32 v32, v60  }
0x10c: {  	v20 =	vadd.f32 v20, v22;
	v32 =	vld [tilespmem:s24+$0xF600];
	v31 =	vadd.f32 v33, v62  }
0x10d: {  	v34 =	vld [tilespmem:s24+$0xFA00];
	v19 =	vadd.f32 v19, v21;
	v33 =	vadd.f32 v59, v29  }
0x10e: {  	v36 =	vld [tilespmem:s24+$0xFE00];
	v18 =	vadd.f32 v18, v20;
	v35 =	vadd.f32 v61, v31  }
0x10f: {  	v38 =	vld [tilespmem:s24+$0x10200];
	v17 =	vadd.f32 v17, v19;
	v37 =	vadd.f32 v63, v33  }
0x110: {  	v40 =	vld [tilespmem:s24+$0x10600];
	v16 =	vadd.f32 v16, v18;
	v39 =	vadd.f32 v30, v35  }
0x111: {  	v42 =	vld [tilespmem:s24+$0x10A00];
	v15 =	vadd.f32 v15, v17;
	v41 =	vadd.f32 v32, v37  }
0x112: {  	v44 =	vld [tilespmem:s24+$0x10E00];
	v14 =	vadd.f32 v14, v16;
	v43 =	vadd.f32 v34, v39  }
0x113: {  	v46 =	vld [tilespmem:s24+$0x11200];
	v13 =	vadd.f32 v13, v15;
	v45 =	vadd.f32 v36, v41  }
0x114: {  	v48 =	vld [tilespmem:s24+$0x11600];
	v12 =	vadd.f32 v12, v14;
	v47 =	vadd.f32 v38, v43  }
0x115: {  	v50 =	vld [tilespmem:s24+$0x11A00];
	v11 =	vadd.f32 v11, v13;
	v49 =	vadd.f32 v40, v45  }
0x116: {  	v52 =	vld [tilespmem:s24+$0x11E00];
	v10 =	vadd.f32 v10, v12;
	v51 =	vadd.f32 v42, v47  }
0x117: {  	v54 =	vld [tilespmem:s24+$0x12200];
	v9 =	vadd.f32 v9, v11;
	v53 =	vadd.f32 v44, v49  }
0x118: {  	v56 =	vld [tilespmem:s24+$0x12600];
	v8 =	vadd.f32 v8, v10;
	v55 =	vadd.f32 v46, v51  }
0x119: {  	v58 =	vld [tilespmem:s24+$0x12A00];
	v7 =	vadd.f32 v7, v9;
	v57 =	vadd.f32 v48, v53  }
0x11a: {  	v6 =	vadd.f32 v6, v8;
	v59 =	vadd.f32 v50, v55  }
0x11b: {  	v5 =	vadd.f32 v5, v7;
	v60 =	vadd.f32 v52, v57  }
0x11c: {  	v4 =	vadd.f32 v4, v6;
	v61 =	vadd.f32 v54, v59  }
0x11d: {  	v3 =	vadd.f32 v3, v5;
	v62 =	vadd.f32 v56, v60  }
0x11e: {  	v1 =	vadd.f32 v1, v4;
	v63 =	vadd.f32 v58, v61  }
0x11f: {  	v2 =	vld.idx.msk [tilespmem:v2+s24+$0x0 ss:$0x1], $0xffff  }
0x120: {  	s18 =	sadd.s32 $0x1, s18;
	v3 =	vadd.f32 v62, v3;
	v1 =	vadd.f32 v63, v1  }
0x121: {  	p0 =	sne.s32 s18, $0x8  }
.Ltmp6:
0x122: {  	v1 =	vadd.f32 v1, v3;
	(pc) =	sbr.rel @p0 .LBB2_4-.Ltmp6, $4  }
0x123: {  	_ = 	snop  }
0x124: {  	v1 =	vadd.f32 v1, v2  }
0x125: {  	s17 =	sadd.s32 $0x40, s17;
	s19 =	sadd.s32 $0x400, s19;
	s20 =	sadd.s32 $0x400, s20  }
0x126: {  	s21 =	sadd.s32 $0x40, s21;
	s22 =	sadd.s32 $0x400, s22;
	s23 =	sadd.s32 $0x400, s23;
	[tilespmem:v0+s24+$0x0 ss:$0x1] =	vst.idx.msk $0xffff, v1  }
0x127: {  	s16 =	sadd.s32 $0x1, s16  }
0x128: {  	p0 =	sne.s32 s16, s7  }
.Ltmp7:
0x129: {  	_ = 	snop;
	(pc) =	sbr.rel @p0 .LBB2_1-.Ltmp7, $4  }
0x12a: {  	[hbm4b:s6+s2] =	stream.linear.scatter [tilespmem:s15], [sflag:$0x3], $0x2000, $0x38;
	[tilespmem:$0x16C00] =	vst v63  }
0x12b: {  	_ =	swait.ge [sflag:s11], $0x2000  }
0x12c: {  	[sflag:s11] =	ssyncset.done $0x0  }
0x12d: {  	[sflag:s11] =	ssyncadd.s32 $0xFFFFE000  }
0x12e: {  	_ =	sfence.sel $0x180000  }
0x12f: {  	[bflag:$0x0] =	sbarrier.arrive $0xFFFF  }
0x130: {  	p0 =	sne.s32 s1, $0x0;
	_ =	strace $0x9000004A  }
0x131: {  	s0 =	sadd.s32 @!p0 $0x100000, s0;
	[bflag:$0x2] =	sbarrier.arrive $0xFFFF  }
0x132: {  	[sflag:s0] =	ssyncadd.tile.s32 @!p0 $0x1;
	_ =	shalt  }
.Lfunc_end2:
_tile_overlayer_lowered:
.L_overlay_start_2:
0x133: {  	(tag) =	ssettag $0x2  }
0x134: {  	s0 =	rddreg [dreg:$0x0];
	s2 =	stileid.u32  }
0x135: {  	s1 =	rddreg [dreg:$0x1];
	p0 =	sne.s32 s2, $0x0  }
0x136: {  	s3 =	rddreg [dreg:$0x2];
	[bflag:$0x3] =	sbarrier.arrive $0xFFFF;
	s2 =	simm.s32 @!p0 $0x1C03  }
0x137: {  	[timem:s3], [sflag:s2] =	dma.local @!p0 [hbm:s0], s1  }
0x138: {  	s0 =	simm.s32 @!p0 $0x3  }
0x139: {  	_ =	swait.ge @!p0 [sflag:s0], s1  }
0x13a: {  	s1 =	ssub.s32 @!p0 $0x0, s1;
	[sflag:s0] =	ssyncset.done @!p0 $0x0  }
0x13b: {  	[sflag:s0] =	ssyncadd.s32 @!p0 s1  }
0x13c: {  	[bflag:$0x3] =	sbarrier.arrive $0xFFFF  }
0x13d: {  	_ =	shalt  }

</sc_bundles>
